<compile_context>
chip_gen: v7x
topology: tpu7x:2x2x1
jax: 0.10.2.dev20260603
libtpu: 0.0.44.dev20260713+nightly
codegen_flags: <defaults>
</compile_context>

<pallas_src>
import jax
import jax.numpy as jnp
from jax import lax
from jax.experimental import pallas as pl
from jax.experimental.pallas import tpu as pltpu
from jax.experimental.pallas import tpu_sc as plsc

N_NODES = 10000
N_PAIRS = 640000
HIDDEN = 768
DIM = 64

NC = 2
NS = 16
LANES = 16
NW = NC * NS
PAIRS_PER_W = N_PAIRS // NW
CHUNK = 2000
STEPS = CHUNK // LANES



def _dense_body(x_ref, w1_ref, b1_ref, w2_ref, b2_ref, wc_ref, b4_ref, out_ref):
    h = jnp.dot(x_ref[...], w1_ref[...], preferred_element_type=jnp.float32)
    h = jnp.maximum(h + b1_ref[...], 0.0)
    h = jnp.dot(h, w2_ref[...], preferred_element_type=jnp.float32)
    h = jnp.maximum(h + b2_ref[...], 0.0)
    out_ref[...] = jnp.dot(h, wc_ref[...], preferred_element_type=jnp.float32) + b4_ref[...]


def _dense_table(x, w1, b1, w2, b2, wc4, b4):
    rows = 1000
    grid = N_NODES // rows
    return pl.pallas_call(
        _dense_body,
        grid=(grid,),
        in_specs=[
            pl.BlockSpec((rows, HIDDEN), lambda i: (i, 0)),
            pl.BlockSpec((HIDDEN, DIM), lambda i: (0, 0)),
            pl.BlockSpec((1, DIM), lambda i: (0, 0)),
            pl.BlockSpec((DIM, DIM), lambda i: (0, 0)),
            pl.BlockSpec((1, DIM), lambda i: (0, 0)),
            pl.BlockSpec((DIM, 4), lambda i: (0, 0)),
            pl.BlockSpec((1, 4), lambda i: (0, 0)),
        ],
        out_specs=pl.BlockSpec((rows, 4), lambda i: (i, 0)),
        out_shape=jax.ShapeDtypeStruct((N_NODES, 4), jnp.float32),
    )(x, w1, b1, w2, b2, wc4, b4)



def _pairs_body(idx_hbm, lab_hbm, tab_hbm, out_hbm, marg_hbm,
                tab_v, idx_v, lab_v, out_v, marg_v):
    wid = lax.axis_index("c") * NS + lax.axis_index("s")
    base = wid * PAIRS_PER_W
    pltpu.sync_copy(tab_hbm, tab_v)
    iota = lax.iota(jnp.int32, LANES)
    c0 = iota * 0
    c1 = c0 + 1
    c2 = c0 + 2
    c3 = c0 + 3

    for c in range(PAIRS_PER_W // CHUNK):
        off = base + c * CHUNK
        pltpu.sync_copy(idx_hbm.at[pl.ds(off, CHUNK)], idx_v)
        pltpu.sync_copy(lab_hbm.at[pl.ds(off, CHUNK)], lab_v)

        def step(j, _):
            q = j * LANES + iota
            i0 = plsc.load_gather(idx_v, [q, c0])
            i1 = plsc.load_gather(idx_v, [q, c1])
            a0 = plsc.load_gather(tab_v, [i0, c0])
            a1 = plsc.load_gather(tab_v, [i0, c1])
            r0 = plsc.load_gather(tab_v, [i1, c2])
            r1 = plsc.load_gather(tab_v, [i1, c3])
            l0 = a0 + r0
            l1 = a1 + r1
            plsc.store_scatter(out_v, [q, c0], l0)
            plsc.store_scatter(out_v, [q, c1], l1)
            lab = lab_v[pl.ds(j * LANES, LANES)]
            sgn = (2 * lab - 1).astype(jnp.float32)
            marg_v[pl.ds(j * LANES, LANES)] = (l1 - l0) * sgn
            return 0

        lax.fori_loop(0, STEPS, step, 0)
        pltpu.sync_copy(out_v, out_hbm.at[pl.ds(off, CHUNK)])
        pltpu.sync_copy(marg_v, marg_hbm.at[pl.ds(off, CHUNK)])


_pairs_call = pl.kernel(
    _pairs_body,
    out_type=(
        jax.ShapeDtypeStruct((N_PAIRS, 2), jnp.float32),
        jax.ShapeDtypeStruct((N_PAIRS,), jnp.float32),
    ),
    mesh=plsc.VectorSubcoreMesh(
        core_axis_name="c", subcore_axis_name="s", num_cores=NC, num_subcores=NS
    ),
    scratch_types=(
        pltpu.VMEM((N_NODES, 4), jnp.float32),
        pltpu.VMEM((CHUNK, 2), jnp.int32),
        pltpu.VMEM((CHUNK,), jnp.int32),
        pltpu.VMEM((CHUNK, 2), jnp.float32),
        pltpu.VMEM((CHUNK,), jnp.float32),
    ),
    compiler_params=pltpu.CompilerParams(
        needs_layout_passes=False, use_tc_tiling_on_sc=False
    ),
)



def _loss_body(t_ref, out_ref):
    x = -t_ref[...]
    sp = jnp.maximum(x, 0.0) + jnp.log1p(jnp.exp(-jnp.abs(x)))
    out_ref[0, 0] = jnp.sum(sp) / N_PAIRS


def _loss(marg):
    return pl.pallas_call(
        _loss_body,
        in_specs=[pl.BlockSpec((N_PAIRS // 128, 128), lambda: (0, 0))],
        out_specs=pl.BlockSpec(memory_space=pltpu.SMEM),
        out_shape=jax.ShapeDtypeStruct((1, 1), jnp.float32),
    )(marg.reshape(N_PAIRS // 128, 128))


def kernel(idx, adjacency_matrix, node_embeddings, label, W1, b1, W2, b2, Wc, bc):
    del adjacency_matrix
    wc4 = jnp.concatenate([Wc[:DIM], Wc[DIM:]], axis=1)
    b4 = jnp.concatenate([jnp.zeros_like(bc), bc]).reshape(1, 4)
    tab = _dense_table(node_embeddings, W1, b1.reshape(1, DIM), W2,
                       b2.reshape(1, DIM), wc4, b4)
    logits, marg = _pairs_call(idx, label, tab)
    loss = _loss(marg)[0, 0]
    return (loss, logits)

# --- scband reference (transcript-rebuilt; emitter-appended) ---
"""Pipeline reference for scband-graph-conv-classification-31284541784245 (READ-ONLY COPY).

The authoritative reference and input builder live on the scoring server;
editing this copy changes nothing except your own understanding.
"""

import jax, jax.numpy as jnp
import numpy as np

N_NODES = 10000
N_PAIRS = 640000
HIDDEN = 768
DIM_EMB = 64
NUM_LABELS = 2


def setup_inputs(seed: int = 0) -> dict:
    key = jax.random.key(seed)
    ks = jax.random.split(key, 10)
    idx = jax.random.randint(ks[0], (N_PAIRS, 2), 0, N_NODES, dtype=jnp.int64 if jax.config.jax_enable_x64 else jnp.int32).astype(jnp.int32)
    adjacency_matrix = jnp.zeros((N_NODES, N_NODES), dtype=jnp.bool_)
    node_embeddings = jax.random.normal(ks[1], (N_PAIRS // N_PAIRS * N_NODES, HIDDEN), dtype=jnp.float32)
    label = jax.random.randint(ks[2], (N_PAIRS,), 0, NUM_LABELS).astype(jnp.int32)
    # learned params (torch Linear uses W[out,in]; here stored [in,out] and applied x @ W)
    W1 = jax.random.normal(ks[3], (HIDDEN, DIM_EMB), dtype=jnp.float32) * (1.0 / np.sqrt(HIDDEN))
    b1 = jnp.zeros((DIM_EMB,), dtype=jnp.float32)
    W2 = jax.random.normal(ks[4], (DIM_EMB, DIM_EMB), dtype=jnp.float32) * (1.0 / np.sqrt(DIM_EMB))
    b2 = jnp.zeros((DIM_EMB,), dtype=jnp.float32)
    Wc = jax.random.normal(ks[5], (2 * DIM_EMB, NUM_LABELS), dtype=jnp.float32) * (1.0 / np.sqrt(2 * DIM_EMB))
    bc = jnp.zeros((NUM_LABELS,), dtype=jnp.float32)
    return {"idx": idx, "adjacency_matrix": adjacency_matrix, "node_embeddings": node_embeddings,
            "label": label, "W1": W1, "b1": b1, "W2": W2, "b2": b2, "Wc": Wc, "bc": bc}


def reference(idx, adjacency_matrix, node_embeddings, label, W1, b1, W2, b2, Wc, bc):
    # NOTE: original forward builds edge_index = coo(adjacency_matrix) but NEVER uses it
    # (self.Graphmodel is never called). Faithful translation therefore ignores it.
    h = jax.nn.relu(node_embeddings @ W1 + b1)
    h = jax.nn.relu(h @ W2 + b2)
    # gather the two endpoints of each pair and concat features
    left = jnp.take(h, idx[:, 0], axis=0)
    right = jnp.take(h, idx[:, 1], axis=0)
    pair_feat = jnp.concatenate([left, right], axis=1)
    # dropout is identity in eval/inference
    logits = pair_feat @ Wc + bc
    # CrossEntropyLoss (mean reduction)
    logp = jax.nn.log_softmax(logits, axis=-1)
    nll = -jnp.take_along_axis(logp, label[:, None].astype(jnp.int32), axis=1)[:, 0]
    loss = jnp.mean(nll)
    return (loss, logits)

if __name__ == "__main__":
    import jax
    _d = setup_inputs()
    print(jax.jit(kernel)(*tuple(_d.values())))

</pallas_src>

<mosaic_0001>
#map = affine_map<(d0, d1) -> (0, 0)>
#map1 = affine_map<(d0, d1) -> (0)>
module attributes {stable_mosaic.version = 14 : i64} {
  func.func @_pairs_body(%arg0: i32, %arg1: i32, %arg2: memref<640000x2xi32, #tpu.memory_space<hbm>>, %arg3: memref<640000xi32, #tpu.memory_space<hbm>>, %arg4: memref<10000x4xf32, #tpu.memory_space<hbm>>, %arg5: memref<640000x2xf32, #tpu.memory_space<hbm>>, %arg6: memref<640000xf32, #tpu.memory_space<hbm>>, %arg7: memref<10000x4xf32, #tpu.memory_space<vmem>>, %arg8: memref<2000x2xi32, #tpu.memory_space<vmem>>, %arg9: memref<2000xi32, #tpu.memory_space<vmem>>, %arg10: memref<2000x2xf32, #tpu.memory_space<vmem>>, %arg11: memref<2000xf32, #tpu.memory_space<vmem>>) attributes {dimension_semantics = [#tpu.dimension_semantics<core_parallel>, #tpu.dimension_semantics<subcore_parallel>], iteration_bounds = array<i64: 2, 16>, scalar_prefetch = 0 : i64, scratch_operands = 5 : i64, tpu.core_type = #tpu.core_type<sc_vector_subcore>, window_params = [{transform_indices = #map}, {transform_indices = #map1}, {transform_indices = #map}, {transform_indices = #map}, {transform_indices = #map1}]} {
    %mul3A = arith.constant 16 : i32
    %mul3A_0 = arith.muli %arg0, %mul3A : i32
    %add3A = arith.addi %mul3A_0, %arg1 : i32
    %mul3A_1 = arith.constant 20000 : i32
    %mul3A_2 = arith.muli %add3A, %mul3A_1 : i32
    "tpu.region"() ({
      %run_scoped3A = tpu.sem_alloc : memref<!tpu.dma_semaphore, #tpu.memory_space<semaphore_mem>>
      tpu.enqueue_dma source(%arg4 : memref<10000x4xf32, #tpu.memory_space<hbm>>) target(%arg7 : memref<10000x4xf32, #tpu.memory_space<vmem>>) target_semaphore(%run_scoped3A : memref<!tpu.dma_semaphore, #tpu.memory_space<semaphore_mem>>)
      tpu.wait_dma2 semaphore(%run_scoped3A : memref<!tpu.dma_semaphore, #tpu.memory_space<semaphore_mem>>) src(%arg4 : memref<10000x4xf32, #tpu.memory_space<hbm>>) dst(%arg7 : memref<10000x4xf32, #tpu.memory_space<vmem>>)
      tpu.yield
    }) : () -> ()
    %iota3A = tpu.iota {dimensions = array<i32: 0>} : vector<16xi32>
    %mul3A_3 = arith.constant 0 : i32
    %mul3A_4 = vector.broadcast %mul3A_3 : i32 to vector<16xi32>
    %mul3A_5 = arith.muli %iota3A, %mul3A_4 : vector<16xi32>
    %add3A_6 = arith.constant 1 : i32
    %add3A_7 = vector.broadcast %add3A_6 : i32 to vector<16xi32>
    %add3A_8 = arith.addi %mul3A_5, %add3A_7 : vector<16xi32>
    %add3A_9 = arith.constant 2 : i32
    %add3A_10 = vector.broadcast %add3A_9 : i32 to vector<16xi32>
    %add3A_11 = arith.addi %mul3A_5, %add3A_10 : vector<16xi32>
    %add3A_12 = arith.constant 3 : i32
    %add3A_13 = vector.broadcast %add3A_12 : i32 to vector<16xi32>
    %add3A_14 = arith.addi %mul3A_5, %add3A_13 : vector<16xi32>
    %add3A_15 = arith.constant 0 : i32
    %add3A_16 = arith.addi %mul3A_2, %add3A_15 : i32
    "tpu.region"() ({
      %run_scoped3A = tpu.sem_alloc : memref<!tpu.dma_semaphore, #tpu.memory_space<semaphore_mem>>
      %dma_start3A = arith.constant 0 : i32
      %dma_start3A_104 = tpu.memref_slice %arg2[%add3A_16, %dma_start3A] : memref<640000x2xi32, #tpu.memory_space<hbm>> -> memref<2000x2xi32, #tpu.memory_space<hbm>>
      %dma_start3A_105 = arith.constant 0 : i32
      %dma_start3A_106 = tpu.memref_slice %arg2[%add3A_16, %dma_start3A_105] : memref<640000x2xi32, #tpu.memory_space<hbm>> -> memref<2000x2xi32, #tpu.memory_space<hbm>>
      tpu.enqueue_dma source(%dma_start3A_106 : memref<2000x2xi32, #tpu.memory_space<hbm>>) target(%arg8 : memref<2000x2xi32, #tpu.memory_space<vmem>>) target_semaphore(%run_scoped3A : memref<!tpu.dma_semaphore, #tpu.memory_space<semaphore_mem>>)
      %dma_wait3A = arith.constant 0 : i32
      %dma_wait3A_107 = tpu.memref_slice %arg2[%add3A_16, %dma_wait3A] : memref<640000x2xi32, #tpu.memory_space<hbm>> -> memref<2000x2xi32, #tpu.memory_space<hbm>>
      %dma_wait3A_108 = arith.constant 0 : i32
      %dma_wait3A_109 = tpu.memref_slice %arg2[%add3A_16, %dma_wait3A_108] : memref<640000x2xi32, #tpu.memory_space<hbm>> -> memref<2000x2xi32, #tpu.memory_space<hbm>>
      tpu.wait_dma2 semaphore(%run_scoped3A : memref<!tpu.dma_semaphore, #tpu.memory_space<semaphore_mem>>) src(%dma_wait3A_109 : memref<2000x2xi32, #tpu.memory_space<hbm>>) dst(%arg8 : memref<2000x2xi32, #tpu.memory_space<vmem>>)
      tpu.yield
    }) : () -> ()
    "tpu.region"() ({
      %run_scoped3A = tpu.sem_alloc : memref<!tpu.dma_semaphore, #tpu.memory_space<semaphore_mem>>
      %dma_start3A = tpu.memref_slice %arg3[%add3A_16] : memref<640000xi32, #tpu.memory_space<hbm>> -> memref<2000xi32, #tpu.memory_space<hbm>>
      %dma_start3A_104 = tpu.memref_slice %arg3[%add3A_16] : memref<640000xi32, #tpu.memory_space<hbm>> -> memref<2000xi32, #tpu.memory_space<hbm>>
      tpu.enqueue_dma source(%dma_start3A_104 : memref<2000xi32, #tpu.memory_space<hbm>>) target(%arg9 : memref<2000xi32, #tpu.memory_space<vmem>>) target_semaphore(%run_scoped3A : memref<!tpu.dma_semaphore, #tpu.memory_space<semaphore_mem>>)
      %dma_wait3A = tpu.memref_slice %arg3[%add3A_16] : memref<640000xi32, #tpu.memory_space<hbm>> -> memref<2000xi32, #tpu.memory_space<hbm>>
      %dma_wait3A_105 = tpu.memref_slice %arg3[%add3A_16] : memref<640000xi32, #tpu.memory_space<hbm>> -> memref<2000xi32, #tpu.memory_space<hbm>>
      tpu.wait_dma2 semaphore(%run_scoped3A : memref<!tpu.dma_semaphore, #tpu.memory_space<semaphore_mem>>) src(%dma_wait3A_105 : memref<2000xi32, #tpu.memory_space<hbm>>) dst(%arg9 : memref<2000xi32, #tpu.memory_space<vmem>>)
      tpu.yield
    }) : () -> ()
    %scan3A = arith.constant 0 : i32
    %scan3A_17 = arith.constant 0 : i32
    %scan3A_18 = arith.constant 125 : i32
    %scan3A_19 = arith.addi %scan3A_17, %scan3A_18 : i32
    %scan3A_20 = arith.constant 1 : i32
    %scan3A_21 = scf.for %scan3A_104 = %scan3A_17 to %scan3A_19 step %scan3A_20 iter_args(%scan3A_105 = %scan3A) -> (i32)  : i32 {
      %mul3A_106 = arith.constant 16 : i32
      %mul3A_107 = arith.muli %scan3A_104, %mul3A_106 : i32
      %add3A_108 = vector.broadcast %mul3A_107 : i32 to vector<16xi32>
      %add3A_109 = arith.addi %add3A_108, %iota3A : vector<16xi32>
      %gather3A = tpu.vector_load_idx %arg8[%add3A_109, %mul3A_5] : memref<2000x2xi32, #tpu.memory_space<vmem>>[vector<16xi32>, vector<16xi32>], vector<16xi32>,
      %gather3A_110 = tpu.vector_load_idx %arg8[%add3A_109, %add3A_8] : memref<2000x2xi32, #tpu.memory_space<vmem>>[vector<16xi32>, vector<16xi32>], vector<16xi32>,
      %gather3A_111 = tpu.vector_load_idx %arg7[%gather3A, %mul3A_5] : memref<10000x4xf32, #tpu.memory_space<vmem>>[vector<16xi32>, vector<16xi32>], vector<16xf32>,
      %gather3A_112 = tpu.vector_load_idx %arg7[%gather3A, %add3A_8] : memref<10000x4xf32, #tpu.memory_space<vmem>>[vector<16xi32>, vector<16xi32>], vector<16xf32>,
      %gather3A_113 = tpu.vector_load_idx %arg7[%gather3A_110, %add3A_11] : memref<10000x4xf32, #tpu.memory_space<vmem>>[vector<16xi32>, vector<16xi32>], vector<16xf32>,
      %gather3A_114 = tpu.vector_load_idx %arg7[%gather3A_110, %add3A_14] : memref<10000x4xf32, #tpu.memory_space<vmem>>[vector<16xi32>, vector<16xi32>], vector<16xf32>,
      %add3A_115 = arith.addf %gather3A_111, %gather3A_113 : vector<16xf32>
      %add3A_116 = arith.addf %gather3A_112, %gather3A_114 : vector<16xf32>
      tpu.vector_store_idx %arg10[%add3A_109, %mul3A_5], %add3A_115 : memref<2000x2xf32, #tpu.memory_space<vmem>>[vector<16xi32>, vector<16xi32>], vector<16xf32>,
      tpu.vector_store_idx %arg10[%add3A_109, %add3A_8], %add3A_116 : memref<2000x2xf32, #tpu.memory_space<vmem>>[vector<16xi32>, vector<16xi32>], vector<16xf32>,
      %mul3A_117 = arith.constant 16 : i32
      %mul3A_118 = arith.muli %scan3A_104, %mul3A_117 : i32
      %get3A = arith.index_cast %mul3A_118 : i32 to index
      %get3A_119 = tpu.vector_load %arg9[%get3A] {strides = array<i32>} : memref<2000xi32, #tpu.memory_space<vmem>>, vector<16xi32>,
      %mul3A_120 = arith.constant 2 : i32
      %mul3A_121 = vector.broadcast %mul3A_120 : i32 to vector<16xi32>
      %mul3A_122 = arith.muli %mul3A_121, %get3A_119 : vector<16xi32>
      %sub3A = arith.constant 1 : i32
      %sub3A_123 = vector.broadcast %sub3A : i32 to vector<16xi32>
      %sub3A_124 = arith.subi %mul3A_122, %sub3A_123 : vector<16xi32>
      %convert_element_type3A = arith.sitofp %sub3A_124 : vector<16xi32> to vector<16xf32>
      %sub3A_125 = arith.subf %add3A_116, %add3A_115 : vector<16xf32>
      %mul3A_126 = arith.mulf %sub3A_125, %convert_element_type3A : vector<16xf32>
      %mul3A_127 = arith.constant 16 : i32
      %mul3A_128 = arith.muli %scan3A_104, %mul3A_127 : i32
      %swap3A = arith.index_cast %mul3A_128 : i32 to index
      %swap3A_129 = tpu.vector_load %arg11[%swap3A] {strides = array<i32>} : memref<2000xf32, #tpu.memory_space<vmem>>, vector<16xf32>,
      tpu.vector_store %arg11[%swap3A], %mul3A_126 {strides = array<i32>} : memref<2000xf32, #tpu.memory_space<vmem>>, vector<16xf32>,
      %scan3A_130 = arith.constant 0 : i32
      scf.yield %scan3A_130 : i32
    }
    %scan3A_22 = arith.constant 125 : i32
    "tpu.region"() ({
      %run_scoped3A = tpu.sem_alloc : memref<!tpu.dma_semaphore, #tpu.memory_space<semaphore_mem>>
      %dma_start3A = arith.constant 0 : i32
      %dma_start3A_104 = tpu.memref_slice %arg5[%add3A_16, %dma_start3A] : memref<640000x2xf32, #tpu.memory_space<hbm>> -> memref<2000x2xf32, #tpu.memory_space<hbm>>
      %dma_start3A_105 = arith.constant 0 : i32
      %dma_start3A_106 = tpu.memref_slice %arg5[%add3A_16, %dma_start3A_105] : memref<640000x2xf32, #tpu.memory_space<hbm>> -> memref<2000x2xf32, #tpu.memory_space<hbm>>
      tpu.enqueue_dma source(%arg10 : memref<2000x2xf32, #tpu.memory_space<vmem>>) target(%dma_start3A_106 : memref<2000x2xf32, #tpu.memory_space<hbm>>) target_semaphore(%run_scoped3A : memref<!tpu.dma_semaphore, #tpu.memory_space<semaphore_mem>>)
      %dma_wait3A = arith.constant 0 : i32
      %dma_wait3A_107 = tpu.memref_slice %arg5[%add3A_16, %dma_wait3A] : memref<640000x2xf32, #tpu.memory_space<hbm>> -> memref<2000x2xf32, #tpu.memory_space<hbm>>
      %dma_wait3A_108 = arith.constant 0 : i32
      %dma_wait3A_109 = tpu.memref_slice %arg5[%add3A_16, %dma_wait3A_108] : memref<640000x2xf32, #tpu.memory_space<hbm>> -> memref<2000x2xf32, #tpu.memory_space<hbm>>
      tpu.wait_dma2 semaphore(%run_scoped3A : memref<!tpu.dma_semaphore, #tpu.memory_space<semaphore_mem>>) src(%arg10 : memref<2000x2xf32, #tpu.memory_space<vmem>>) dst(%dma_wait3A_109 : memref<2000x2xf32, #tpu.memory_space<hbm>>)
      tpu.yield
    }) : () -> ()
    "tpu.region"() ({
      %run_scoped3A = tpu.sem_alloc : memref<!tpu.dma_semaphore, #tpu.memory_space<semaphore_mem>>
      %dma_start3A = tpu.memref_slice %arg6[%add3A_16] : memref<640000xf32, #tpu.memory_space<hbm>> -> memref<2000xf32, #tpu.memory_space<hbm>>
      %dma_start3A_104 = tpu.memref_slice %arg6[%add3A_16] : memref<640000xf32, #tpu.memory_space<hbm>> -> memref<2000xf32, #tpu.memory_space<hbm>>
      tpu.enqueue_dma source(%arg11 : memref<2000xf32, #tpu.memory_space<vmem>>) target(%dma_start3A_104 : memref<2000xf32, #tpu.memory_space<hbm>>) target_semaphore(%run_scoped3A : memref<!tpu.dma_semaphore, #tpu.memory_space<semaphore_mem>>)
      %dma_wait3A = tpu.memref_slice %arg6[%add3A_16] : memref<640000xf32, #tpu.memory_space<hbm>> -> memref<2000xf32, #tpu.memory_space<hbm>>
      %dma_wait3A_105 = tpu.memref_slice %arg6[%add3A_16] : memref<640000xf32, #tpu.memory_space<hbm>> -> memref<2000xf32, #tpu.memory_space<hbm>>
      tpu.wait_dma2 semaphore(%run_scoped3A : memref<!tpu.dma_semaphore, #tpu.memory_space<semaphore_mem>>) src(%arg11 : memref<2000xf32, #tpu.memory_space<vmem>>) dst(%dma_wait3A_105 : memref<2000xf32, #tpu.memory_space<hbm>>)
      tpu.yield
    }) : () -> ()
    %add3A_23 = arith.constant 2000 : i32
    %add3A_24 = arith.addi %mul3A_2, %add3A_23 : i32
    "tpu.region"() ({
      %run_scoped3A = tpu.sem_alloc : memref<!tpu.dma_semaphore, #tpu.memory_space<semaphore_mem>>
      %dma_start3A = arith.constant 0 : i32
      %dma_start3A_104 = tpu.memref_slice %arg2[%add3A_24, %dma_start3A] : memref<640000x2xi32, #tpu.memory_space<hbm>> -> memref<2000x2xi32, #tpu.memory_space<hbm>>
      %dma_start3A_105 = arith.constant 0 : i32
      %dma_start3A_106 = tpu.memref_slice %arg2[%add3A_24, %dma_start3A_105] : memref<640000x2xi32, #tpu.memory_space<hbm>> -> memref<2000x2xi32, #tpu.memory_space<hbm>>
      tpu.enqueue_dma source(%dma_start3A_106 : memref<2000x2xi32, #tpu.memory_space<hbm>>) target(%arg8 : memref<2000x2xi32, #tpu.memory_space<vmem>>) target_semaphore(%run_scoped3A : memref<!tpu.dma_semaphore, #tpu.memory_space<semaphore_mem>>)
      %dma_wait3A = arith.constant 0 : i32
      %dma_wait3A_107 = tpu.memref_slice %arg2[%add3A_24, %dma_wait3A] : memref<640000x2xi32, #tpu.memory_space<hbm>> -> memref<2000x2xi32, #tpu.memory_space<hbm>>
      %dma_wait3A_108 = arith.constant 0 : i32
      %dma_wait3A_109 = tpu.memref_slice %arg2[%add3A_24, %dma_wait3A_108] : memref<640000x2xi32, #tpu.memory_space<hbm>> -> memref<2000x2xi32, #tpu.memory_space<hbm>>
      tpu.wait_dma2 semaphore(%run_scoped3A : memref<!tpu.dma_semaphore, #tpu.memory_space<semaphore_mem>>) src(%dma_wait3A_109 : memref<2000x2xi32, #tpu.memory_space<hbm>>) dst(%arg8 : memref<2000x2xi32, #tpu.memory_space<vmem>>)
      tpu.yield
    }) : () -> ()
    "tpu.region"() ({
      %run_scoped3A = tpu.sem_alloc : memref<!tpu.dma_semaphore, #tpu.memory_space<semaphore_mem>>
      %dma_start3A = tpu.memref_slice %arg3[%add3A_24] : memref<640000xi32, #tpu.memory_space<hbm>> -> memref<2000xi32, #tpu.memory_space<hbm>>
      %dma_start3A_104 = tpu.memref_slice %arg3[%add3A_24] : memref<640000xi32, #tpu.memory_space<hbm>> -> memref<2000xi32, #tpu.memory_space<hbm>>
      tpu.enqueue_dma source(%dma_start3A_104 : memref<2000xi32, #tpu.memory_space<hbm>>) target(%arg9 : memref<2000xi32, #tpu.memory_space<vmem>>) target_semaphore(%run_scoped3A : memref<!tpu.dma_semaphore, #tpu.memory_space<semaphore_mem>>)
      %dma_wait3A = tpu.memref_slice %arg3[%add3A_24] : memref<640000xi32, #tpu.memory_space<hbm>> -> memref<2000xi32, #tpu.memory_space<hbm>>
      %dma_wait3A_105 = tpu.memref_slice %arg3[%add3A_24] : memref<640000xi32, #tpu.memory_space<hbm>> -> memref<2000xi32, #tpu.memory_space<hbm>>
      tpu.wait_dma2 semaphore(%run_scoped3A : memref<!tpu.dma_semaphore, #tpu.memory_space<semaphore_mem>>) src(%dma_wait3A_105 : memref<2000xi32, #tpu.memory_space<hbm>>) dst(%arg9 : memref<2000xi32, #tpu.memory_space<vmem>>)
      tpu.yield
    }) : () -> ()
    %scan3A_25 = arith.constant 0 : i32
    %scan3A_26 = arith.constant 0 : i32
    %scan3A_27 = arith.constant 125 : i32
    %scan3A_28 = arith.addi %scan3A_26, %scan3A_27 : i32
    %scan3A_29 = arith.constant 1 : i32
    %scan3A_30 = scf.for %scan3A_104 = %scan3A_26 to %scan3A_28 step %scan3A_29 iter_args(%scan3A_105 = %scan3A_25) -> (i32)  : i32 {
      %mul3A_106 = arith.constant 16 : i32
      %mul3A_107 = arith.muli %scan3A_104, %mul3A_106 : i32
      %add3A_108 = vector.broadcast %mul3A_107 : i32 to vector<16xi32>
      %add3A_109 = arith.addi %add3A_108, %iota3A : vector<16xi32>
      %gather3A = tpu.vector_load_idx %arg8[%add3A_109, %mul3A_5] : memref<2000x2xi32, #tpu.memory_space<vmem>>[vector<16xi32>, vector<16xi32>], vector<16xi32>,
      %gather3A_110 = tpu.vector_load_idx %arg8[%add3A_109, %add3A_8] : memref<2000x2xi32, #tpu.memory_space<vmem>>[vector<16xi32>, vector<16xi32>], vector<16xi32>,
      %gather3A_111 = tpu.vector_load_idx %arg7[%gather3A, %mul3A_5] : memref<10000x4xf32, #tpu.memory_space<vmem>>[vector<16xi32>, vector<16xi32>], vector<16xf32>,
      %gather3A_112 = tpu.vector_load_idx %arg7[%gather3A, %add3A_8] : memref<10000x4xf32, #tpu.memory_space<vmem>>[vector<16xi32>, vector<16xi32>], vector<16xf32>,
      %gather3A_113 = tpu.vector_load_idx %arg7[%gather3A_110, %add3A_11] : memref<10000x4xf32, #tpu.memory_space<vmem>>[vector<16xi32>, vector<16xi32>], vector<16xf32>,
      %gather3A_114 = tpu.vector_load_idx %arg7[%gather3A_110, %add3A_14] : memref<10000x4xf32, #tpu.memory_space<vmem>>[vector<16xi32>, vector<16xi32>], vector<16xf32>,
      %add3A_115 = arith.addf %gather3A_111, %gather3A_113 : vector<16xf32>
      %add3A_116 = arith.addf %gather3A_112, %gather3A_114 : vector<16xf32>
      tpu.vector_store_idx %arg10[%add3A_109, %mul3A_5], %add3A_115 : memref<2000x2xf32, #tpu.memory_space<vmem>>[vector<16xi32>, vector<16xi32>], vector<16xf32>,
      tpu.vector_store_idx %arg10[%add3A_109, %add3A_8], %add3A_116 : memref<2000x2xf32, #tpu.memory_space<vmem>>[vector<16xi32>, vector<16xi32>], vector<16xf32>,
      %mul3A_117 = arith.constant 16 : i32
      %mul3A_118 = arith.muli %scan3A_104, %mul3A_117 : i32
      %get3A = arith.index_cast %mul3A_118 : i32 to index
      %get3A_119 = tpu.vector_load %arg9[%get3A] {strides = array<i32>} : memref<2000xi32, #tpu.memory_space<vmem>>, vector<16xi32>,
      %mul3A_120 = arith.constant 2 : i32
      %mul3A_121 = vector.broadcast %mul3A_120 : i32 to vector<16xi32>
      %mul3A_122 = arith.muli %mul3A_121, %get3A_119 : vector<16xi32>
      %sub3A = arith.constant 1 : i32
      %sub3A_123 = vector.broadcast %sub3A : i32 to vector<16xi32>
      %sub3A_124 = arith.subi %mul3A_122, %sub3A_123 : vector<16xi32>
      %convert_element_type3A = arith.sitofp %sub3A_124 : vector<16xi32> to vector<16xf32>
      %sub3A_125 = arith.subf %add3A_116, %add3A_115 : vector<16xf32>
      %mul3A_126 = arith.mulf %sub3A_125, %convert_element_type3A : vector<16xf32>
      %mul3A_127 = arith.constant 16 : i32
      %mul3A_128 = arith.muli %scan3A_104, %mul3A_127 : i32
      %swap3A = arith.index_cast %mul3A_128 : i32 to index
      %swap3A_129 = tpu.vector_load %arg11[%swap3A] {strides = array<i32>} : memref<2000xf32, #tpu.memory_space<vmem>>, vector<16xf32>,
      tpu.vector_store %arg11[%swap3A], %mul3A_126 {strides = array<i32>} : memref<2000xf32, #tpu.memory_space<vmem>>, vector<16xf32>,
      %scan3A_130 = arith.constant 0 : i32
      scf.yield %scan3A_130 : i32
    }
    %scan3A_31 = arith.constant 125 : i32
    "tpu.region"() ({
      %run_scoped3A = tpu.sem_alloc : memref<!tpu.dma_semaphore, #tpu.memory_space<semaphore_mem>>
      %dma_start3A = arith.constant 0 : i32
      %dma_start3A_104 = tpu.memref_slice %arg5[%add3A_24, %dma_start3A] : memref<640000x2xf32, #tpu.memory_space<hbm>> -> memref<2000x2xf32, #tpu.memory_space<hbm>>
      %dma_start3A_105 = arith.constant 0 : i32
      %dma_start3A_106 = tpu.memref_slice %arg5[%add3A_24, %dma_start3A_105] : memref<640000x2xf32, #tpu.memory_space<hbm>> -> memref<2000x2xf32, #tpu.memory_space<hbm>>
      tpu.enqueue_dma source(%arg10 : memref<2000x2xf32, #tpu.memory_space<vmem>>) target(%dma_start3A_106 : memref<2000x2xf32, #tpu.memory_space<hbm>>) target_semaphore(%run_scoped3A : memref<!tpu.dma_semaphore, #tpu.memory_space<semaphore_mem>>)
      %dma_wait3A = arith.constant 0 : i32
      %dma_wait3A_107 = tpu.memref_slice %arg5[%add3A_24, %dma_wait3A] : memref<640000x2xf32, #tpu.memory_space<hbm>> -> memref<2000x2xf32, #tpu.memory_space<hbm>>
      %dma_wait3A_108 = arith.constant 0 : i32
      %dma_wait3A_109 = tpu.memref_slice %arg5[%add3A_24, %dma_wait3A_108] : memref<640000x2xf32, #tpu.memory_space<hbm>> -> memref<2000x2xf32, #tpu.memory_space<hbm>>
      tpu.wait_dma2 semaphore(%run_scoped3A : memref<!tpu.dma_semaphore, #tpu.memory_space<semaphore_mem>>) src(%arg10 : memref<2000x2xf32, #tpu.memory_space<vmem>>) dst(%dma_wait3A_109 : memref<2000x2xf32, #tpu.memory_space<hbm>>)
      tpu.yield
    }) : () -> ()
    "tpu.region"() ({
      %run_scoped3A = tpu.sem_alloc : memref<!tpu.dma_semaphore, #tpu.memory_space<semaphore_mem>>
      %dma_start3A = tpu.memref_slice %arg6[%add3A_24] : memref<640000xf32, #tpu.memory_space<hbm>> -> memref<2000xf32, #tpu.memory_space<hbm>>
      %dma_start3A_104 = tpu.memref_slice %arg6[%add3A_24] : memref<640000xf32, #tpu.memory_space<hbm>> -> memref<2000xf32, #tpu.memory_space<hbm>>
      tpu.enqueue_dma source(%arg11 : memref<2000xf32, #tpu.memory_space<vmem>>) target(%dma_start3A_104 : memref<2000xf32, #tpu.memory_space<hbm>>) target_semaphore(%run_scoped3A : memref<!tpu.dma_semaphore, #tpu.memory_space<semaphore_mem>>)
      %dma_wait3A = tpu.memref_slice %arg6[%add3A_24] : memref<640000xf32, #tpu.memory_space<hbm>> -> memref<2000xf32, #tpu.memory_space<hbm>>
      %dma_wait3A_105 = tpu.memref_slice %arg6[%add3A_24] : memref<640000xf32, #tpu.memory_space<hbm>> -> memref<2000xf32, #tpu.memory_space<hbm>>
      tpu.wait_dma2 semaphore(%run_scoped3A : memref<!tpu.dma_semaphore, #tpu.memory_space<semaphore_mem>>) src(%arg11 : memref<2000xf32, #tpu.memory_space<vmem>>) dst(%dma_wait3A_105 : memref<2000xf32, #tpu.memory_space<hbm>>)
      tpu.yield
    }) : () -> ()
    %add3A_32 = arith.constant 4000 : i32
    %add3A_33 = arith.addi %mul3A_2, %add3A_32 : i32
    "tpu.region"() ({
      %run_scoped3A = tpu.sem_alloc : memref<!tpu.dma_semaphore, #tpu.memory_space<semaphore_mem>>
      %dma_start3A = arith.constant 0 : i32
      %dma_start3A_104 = tpu.memref_slice %arg2[%add3A_33, %dma_start3A] : memref<640000x2xi32, #tpu.memory_space<hbm>> -> memref<2000x2xi32, #tpu.memory_space<hbm>>
      %dma_start3A_105 = arith.constant 0 : i32
      %dma_start3A_106 = tpu.memref_slice %arg2[%add3A_33, %dma_start3A_105] : memref<640000x2xi32, #tpu.memory_space<hbm>> -> memref<2000x2xi32, #tpu.memory_space<hbm>>
      tpu.enqueue_dma source(%dma_start3A_106 : memref<2000x2xi32, #tpu.memory_space<hbm>>) target(%arg8 : memref<2000x2xi32, #tpu.memory_space<vmem>>) target_semaphore(%run_scoped3A : memref<!tpu.dma_semaphore, #tpu.memory_space<semaphore_mem>>)
      %dma_wait3A = arith.constant 0 : i32
      %dma_wait3A_107 = tpu.memref_slice %arg2[%add3A_33, %dma_wait3A] : memref<640000x2xi32, #tpu.memory_space<hbm>> -> memref<2000x2xi32, #tpu.memory_space<hbm>>
      %dma_wait3A_108 = arith.constant 0 : i32
      %dma_wait3A_109 = tpu.memref_slice %arg2[%add3A_33, %dma_wait3A_108] : memref<640000x2xi32, #tpu.memory_space<hbm>> -> memref<2000x2xi32, #tpu.memory_space<hbm>>
      tpu.wait_dma2 semaphore(%run_scoped3A : memref<!tpu.dma_semaphore, #tpu.memory_space<semaphore_mem>>) src(%dma_wait3A_109 : memref<2000x2xi32, #tpu.memory_space<hbm>>) dst(%arg8 : memref<2000x2xi32, #tpu.memory_space<vmem>>)
      tpu.yield
    }) : () -> ()
    "tpu.region"() ({
      %run_scoped3A = tpu.sem_alloc : memref<!tpu.dma_semaphore, #tpu.memory_space<semaphore_mem>>
      %dma_start3A = tpu.memref_slice %arg3[%add3A_33] : memref<640000xi32, #tpu.memory_space<hbm>> -> memref<2000xi32, #tpu.memory_space<hbm>>
      %dma_start3A_104 = tpu.memref_slice %arg3[%add3A_33] : memref<640000xi32, #tpu.memory_space<hbm>> -> memref<2000xi32, #tpu.memory_space<hbm>>
      tpu.enqueue_dma source(%dma_start3A_104 : memref<2000xi32, #tpu.memory_space<hbm>>) target(%arg9 : memref<2000xi32, #tpu.memory_space<vmem>>) target_semaphore(%run_scoped3A : memref<!tpu.dma_semaphore, #tpu.memory_space<semaphore_mem>>)
      %dma_wait3A = tpu.memref_slice %arg3[%add3A_33] : memref<640000xi32, #tpu.memory_space<hbm>> -> memref<2000xi32, #tpu.memory_space<hbm>>
      %dma_wait3A_105 = tpu.memref_slice %arg3[%add3A_33] : memref<640000xi32, #tpu.memory_space<hbm>> -> memref<2000xi32, #tpu.memory_space<hbm>>
      tpu.wait_dma2 semaphore(%run_scoped3A : memref<!tpu.dma_semaphore, #tpu.memory_space<semaphore_mem>>) src(%dma_wait3A_105 : memref<2000xi32, #tpu.memory_space<hbm>>) dst(%arg9 : memref<2000xi32, #tpu.memory_space<vmem>>)
      tpu.yield
    }) : () -> ()
    %scan3A_34 = arith.constant 0 : i32
    %scan3A_35 = arith.constant 0 : i32
    %scan3A_36 = arith.constant 125 : i32
    %scan3A_37 = arith.addi %scan3A_35, %scan3A_36 : i32
    %scan3A_38 = arith.constant 1 : i32
    %scan3A_39 = scf.for %scan3A_104 = %scan3A_35 to %scan3A_37 step %scan3A_38 iter_args(%scan3A_105 = %scan3A_34) -> (i32)  : i32 {
      %mul3A_106 = arith.constant 16 : i32
      %mul3A_107 = arith.muli %scan3A_104, %mul3A_106 : i32
      %add3A_108 = vector.broadcast %mul3A_107 : i32 to vector<16xi32>
      %add3A_109 = arith.addi %add3A_108, %iota3A : vector<16xi32>
      %gather3A = tpu.vector_load_idx %arg8[%add3A_109, %mul3A_5] : memref<2000x2xi32, #tpu.memory_space<vmem>>[vector<16xi32>, vector<16xi32>], vector<16xi32>,
      %gather3A_110 = tpu.vector_load_idx %arg8[%add3A_109, %add3A_8] : memref<2000x2xi32, #tpu.memory_space<vmem>>[vector<16xi32>, vector<16xi32>], vector<16xi32>,
      %gather3A_111 = tpu.vector_load_idx %arg7[%gather3A, %mul3A_5] : memref<10000x4xf32, #tpu.memory_space<vmem>>[vector<16xi32>, vector<16xi32>], vector<16xf32>,
      %gather3A_112 = tpu.vector_load_idx %arg7[%gather3A, %add3A_8] : memref<10000x4xf32, #tpu.memory_space<vmem>>[vector<16xi32>, vector<16xi32>], vector<16xf32>,
      %gather3A_113 = tpu.vector_load_idx %arg7[%gather3A_110, %add3A_11] : memref<10000x4xf32, #tpu.memory_space<vmem>>[vector<16xi32>, vector<16xi32>], vector<16xf32>,
      %gather3A_114 = tpu.vector_load_idx %arg7[%gather3A_110, %add3A_14] : memref<10000x4xf32, #tpu.memory_space<vmem>>[vector<16xi32>, vector<16xi32>], vector<16xf32>,
      %add3A_115 = arith.addf %gather3A_111, %gather3A_113 : vector<16xf32>
      %add3A_116 = arith.addf %gather3A_112, %gather3A_114 : vector<16xf32>
      tpu.vector_store_idx %arg10[%add3A_109, %mul3A_5], %add3A_115 : memref<2000x2xf32, #tpu.memory_space<vmem>>[vector<16xi32>, vector<16xi32>], vector<16xf32>,
      tpu.vector_store_idx %arg10[%add3A_109, %add3A_8], %add3A_116 : memref<2000x2xf32, #tpu.memory_space<vmem>>[vector<16xi32>, vector<16xi32>], vector<16xf32>,
      %mul3A_117 = arith.constant 16 : i32
      %mul3A_118 = arith.muli %scan3A_104, %mul3A_117 : i32
      %get3A = arith.index_cast %mul3A_118 : i32 to index
      %get3A_119 = tpu.vector_load %arg9[%get3A] {strides = array<i32>} : memref<2000xi32, #tpu.memory_space<vmem>>, vector<16xi32>,
      %mul3A_120 = arith.constant 2 : i32
      %mul3A_121 = vector.broadcast %mul3A_120 : i32 to vector<16xi32>
      %mul3A_122 = arith.muli %mul3A_121, %get3A_119 : vector<16xi32>
      %sub3A = arith.constant 1 : i32
      %sub3A_123 = vector.broadcast %sub3A : i32 to vector<16xi32>
      %sub3A_124 = arith.subi %mul3A_122, %sub3A_123 : vector<16xi32>
      %convert_element_type3A = arith.sitofp %sub3A_124 : vector<16xi32> to vector<16xf32>
      %sub3A_125 = arith.subf %add3A_116, %add3A_115 : vector<16xf32>
      %mul3A_126 = arith.mulf %sub3A_125, %convert_element_type3A : vector<16xf32>
      %mul3A_127 = arith.constant 16 : i32
      %mul3A_128 = arith.muli %scan3A_104, %mul3A_127 : i32
      %swap3A = arith.index_cast %mul3A_128 : i32 to index
      %swap3A_129 = tpu.vector_load %arg11[%swap3A] {strides = array<i32>} : memref<2000xf32, #tpu.memory_space<vmem>>, vector<16xf32>,
      tpu.vector_store %arg11[%swap3A], %mul3A_126 {strides = array<i32>} : memref<2000xf32, #tpu.memory_space<vmem>>, vector<16xf32>,
      %scan3A_130 = arith.constant 0 : i32
      scf.yield %scan3A_130 : i32
    }
    %scan3A_40 = arith.constant 125 : i32
    "tpu.region"() ({
      %run_scoped3A = tpu.sem_alloc : memref<!tpu.dma_semaphore, #tpu.memory_space<semaphore_mem>>
      %dma_start3A = arith.constant 0 : i32
      %dma_start3A_104 = tpu.memref_slice %arg5[%add3A_33, %dma_start3A] : memref<640000x2xf32, #tpu.memory_space<hbm>> -> memref<2000x2xf32, #tpu.memory_space<hbm>>
      %dma_start3A_105 = arith.constant 0 : i32
      %dma_start3A_106 = tpu.memref_slice %arg5[%add3A_33, %dma_start3A_105] : memref<640000x2xf32, #tpu.memory_space<hbm>> -> memref<2000x2xf32, #tpu.memory_space<hbm>>
      tpu.enqueue_dma source(%arg10 : memref<2000x2xf32, #tpu.memory_space<vmem>>) target(%dma_start3A_106 : memref<2000x2xf32, #tpu.memory_space<hbm>>) target_semaphore(%run_scoped3A : memref<!tpu.dma_semaphore, #tpu.memory_space<semaphore_mem>>)
      %dma_wait3A = arith.constant 0 : i32
      %dma_wait3A_107 = tpu.memref_slice %arg5[%add3A_33, %dma_wait3A] : memref<640000x2xf32, #tpu.memory_space<hbm>> -> memref<2000x2xf32, #tpu.memory_space<hbm>>
      %dma_wait3A_108 = arith.constant 0 : i32
      %dma_wait3A_109 = tpu.memref_slice %arg5[%add3A_33, %dma_wait3A_108] : memref<640000x2xf32, #tpu.memory_space<hbm>> -> memref<2000x2xf32, #tpu.memory_space<hbm>>
      tpu.wait_dma2 semaphore(%run_scoped3A : memref<!tpu.dma_semaphore, #tpu.memory_space<semaphore_mem>>) src(%arg10 : memref<2000x2xf32, #tpu.memory_space<vmem>>) dst(%dma_wait3A_109 : memref<2000x2xf32, #tpu.memory_space<hbm>>)
      tpu.yield
    }) : () -> ()
    "tpu.region"() ({
      %run_scoped3A = tpu.sem_alloc : memref<!tpu.dma_semaphore, #tpu.memory_space<semaphore_mem>>
      %dma_start3A = tpu.memref_slice %arg6[%add3A_33] : memref<640000xf32, #tpu.memory_space<hbm>> -> memref<2000xf32, #tpu.memory_space<hbm>>
      %dma_start3A_104 = tpu.memref_slice %arg6[%add3A_33] : memref<640000xf32, #tpu.memory_space<hbm>> -> memref<2000xf32, #tpu.memory_space<hbm>>
      tpu.enqueue_dma source(%arg11 : memref<2000xf32, #tpu.memory_space<vmem>>) target(%dma_start3A_104 : memref<2000xf32, #tpu.memory_space<hbm>>) target_semaphore(%run_scoped3A : memref<!tpu.dma_semaphore, #tpu.memory_space<semaphore_mem>>)
      %dma_wait3A = tpu.memref_slice %arg6[%add3A_33] : memref<640000xf32, #tpu.memory_space<hbm>> -> memref<2000xf32, #tpu.memory_space<hbm>>
      %dma_wait3A_105 = tpu.memref_slice %arg6[%add3A_33] : memref<640000xf32, #tpu.memory_space<hbm>> -> memref<2000xf32, #tpu.memory_space<hbm>>
      tpu.wait_dma2 semaphore(%run_scoped3A : memref<!tpu.dma_semaphore, #tpu.memory_space<semaphore_mem>>) src(%arg11 : memref<2000xf32, #tpu.memory_space<vmem>>) dst(%dma_wait3A_105 : memref<2000xf32, #tpu.memory_space<hbm>>)
      tpu.yield
    }) : () -> ()
    %add3A_41 = arith.constant 6000 : i32
    %add3A_42 = arith.addi %mul3A_2, %add3A_41 : i32
    "tpu.region"() ({
      %run_scoped3A = tpu.sem_alloc : memref<!tpu.dma_semaphore, #tpu.memory_space<semaphore_mem>>
      %dma_start3A = arith.constant 0 : i32
      %dma_start3A_104 = tpu.memref_slice %arg2[%add3A_42, %dma_start3A] : memref<640000x2xi32, #tpu.memory_space<hbm>> -> memref<2000x2xi32, #tpu.memory_space<hbm>>
      %dma_start3A_105 = arith.constant 0 : i32
      %dma_start3A_106 = tpu.memref_slice %arg2[%add3A_42, %dma_start3A_105] : memref<640000x2xi32, #tpu.memory_space<hbm>> -> memref<2000x2xi32, #tpu.memory_space<hbm>>
      tpu.enqueue_dma source(%dma_start3A_106 : memref<2000x2xi32, #tpu.memory_space<hbm>>) target(%arg8 : memref<2000x2xi32, #tpu.memory_space<vmem>>) target_semaphore(%run_scoped3A : memref<!tpu.dma_semaphore, #tpu.memory_space<semaphore_mem>>)
      %dma_wait3A = arith.constant 0 : i32
      %dma_wait3A_107 = tpu.memref_slice %arg2[%add3A_42, %dma_wait3A] : memref<640000x2xi32, #tpu.memory_space<hbm>> -> memref<2000x2xi32, #tpu.memory_space<hbm>>
      %dma_wait3A_108 = arith.constant 0 : i32
      %dma_wait3A_109 = tpu.memref_slice %arg2[%add3A_42, %dma_wait3A_108] : memref<640000x2xi32, #tpu.memory_space<hbm>> -> memref<2000x2xi32, #tpu.memory_space<hbm>>
      tpu.wait_dma2 semaphore(%run_scoped3A : memref<!tpu.dma_semaphore, #tpu.memory_space<semaphore_mem>>) src(%dma_wait3A_109 : memref<2000x2xi32, #tpu.memory_space<hbm>>) dst(%arg8 : memref<2000x2xi32, #tpu.memory_space<vmem>>)
      tpu.yield
    }) : () -> ()
    "tpu.region"() ({
      %run_scoped3A = tpu.sem_alloc : memref<!tpu.dma_semaphore, #tpu.memory_space<semaphore_mem>>
      %dma_start3A = tpu.memref_slice %arg3[%add3A_42] : memref<640000xi32, #tpu.memory_space<hbm>> -> memref<2000xi32, #tpu.memory_space<hbm>>
      %dma_start3A_104 = tpu.memref_slice %arg3[%add3A_42] : memref<640000xi32, #tpu.memory_space<hbm>> -> memref<2000xi32, #tpu.memory_space<hbm>>
      tpu.enqueue_dma source(%dma_start3A_104 : memref<2000xi32, #tpu.memory_space<hbm>>) target(%arg9 : memref<2000xi32, #tpu.memory_space<vmem>>) target_semaphore(%run_scoped3A : memref<!tpu.dma_semaphore, #tpu.memory_space<semaphore_mem>>)
      %dma_wait3A = tpu.memref_slice %arg3[%add3A_42] : memref<640000xi32, #tpu.memory_space<hbm>> -> memref<2000xi32, #tpu.memory_space<hbm>>
      %dma_wait3A_105 = tpu.memref_slice %arg3[%add3A_42] : memref<640000xi32, #tpu.memory_space<hbm>> -> memref<2000xi32, #tpu.memory_space<hbm>>
      tpu.wait_dma2 semaphore(%run_scoped3A : memref<!tpu.dma_semaphore, #tpu.memory_space<semaphore_mem>>) src(%dma_wait3A_105 : memref<2000xi32, #tpu.memory_space<hbm>>) dst(%arg9 : memref<2000xi32, #tpu.memory_space<vmem>>)
      tpu.yield
    }) : () -> ()
    %scan3A_43 = arith.constant 0 : i32
    %scan3A_44 = arith.constant 0 : i32
    %scan3A_45 = arith.constant 125 : i32
    %scan3A_46 = arith.addi %scan3A_44, %scan3A_45 : i32
    %scan3A_47 = arith.constant 1 : i32
    %scan3A_48 = scf.for %scan3A_104 = %scan3A_44 to %scan3A_46 step %scan3A_47 iter_args(%scan3A_105 = %scan3A_43) -> (i32)  : i32 {
      %mul3A_106 = arith.constant 16 : i32
      %mul3A_107 = arith.muli %scan3A_104, %mul3A_106 : i32
      %add3A_108 = vector.broadcast %mul3A_107 : i32 to vector<16xi32>
      %add3A_109 = arith.addi %add3A_108, %iota3A : vector<16xi32>
      %gather3A = tpu.vector_load_idx %arg8[%add3A_109, %mul3A_5] : memref<2000x2xi32, #tpu.memory_space<vmem>>[vector<16xi32>, vector<16xi32>], vector<16xi32>,
      %gather3A_110 = tpu.vector_load_idx %arg8[%add3A_109, %add3A_8] : memref<2000x2xi32, #tpu.memory_space<vmem>>[vector<16xi32>, vector<16xi32>], vector<16xi32>,
      %gather3A_111 = tpu.vector_load_idx %arg7[%gather3A, %mul3A_5] : memref<10000x4xf32, #tpu.memory_space<vmem>>[vector<16xi32>, vector<16xi32>], vector<16xf32>,
      %gather3A_112 = tpu.vector_load_idx %arg7[%gather3A, %add3A_8] : memref<10000x4xf32, #tpu.memory_space<vmem>>[vector<16xi32>, vector<16xi32>], vector<16xf32>,
      %gather3A_113 = tpu.vector_load_idx %arg7[%gather3A_110, %add3A_11] : memref<10000x4xf32, #tpu.memory_space<vmem>>[vector<16xi32>, vector<16xi32>], vector<16xf32>,
      %gather3A_114 = tpu.vector_load_idx %arg7[%gather3A_110, %add3A_14] : memref<10000x4xf32, #tpu.memory_space<vmem>>[vector<16xi32>, vector<16xi32>], vector<16xf32>,
      %add3A_115 = arith.addf %gather3A_111, %gather3A_113 : vector<16xf32>
      %add3A_116 = arith.addf %gather3A_112, %gather3A_114 : vector<16xf32>
      tpu.vector_store_idx %arg10[%add3A_109, %mul3A_5], %add3A_115 : memref<2000x2xf32, #tpu.memory_space<vmem>>[vector<16xi32>, vector<16xi32>], vector<16xf32>,
      tpu.vector_store_idx %arg10[%add3A_109, %add3A_8], %add3A_116 : memref<2000x2xf32, #tpu.memory_space<vmem>>[vector<16xi32>, vector<16xi32>], vector<16xf32>,
      %mul3A_117 = arith.constant 16 : i32
      %mul3A_118 = arith.muli %scan3A_104, %mul3A_117 : i32
      %get3A = arith.index_cast %mul3A_118 : i32 to index
      %get3A_119 = tpu.vector_load %arg9[%get3A] {strides = array<i32>} : memref<2000xi32, #tpu.memory_space<vmem>>, vector<16xi32>,
      %mul3A_120 = arith.constant 2 : i32
      %mul3A_121 = vector.broadcast %mul3A_120 : i32 to vector<16xi32>
      %mul3A_122 = arith.muli %mul3A_121, %get3A_119 : vector<16xi32>
      %sub3A = arith.constant 1 : i32
      %sub3A_123 = vector.broadcast %sub3A : i32 to vector<16xi32>
      %sub3A_124 = arith.subi %mul3A_122, %sub3A_123 : vector<16xi32>
      %convert_element_type3A = arith.sitofp %sub3A_124 : vector<16xi32> to vector<16xf32>
      %sub3A_125 = arith.subf %add3A_116, %add3A_115 : vector<16xf32>
      %mul3A_126 = arith.mulf %sub3A_125, %convert_element_type3A : vector<16xf32>
      %mul3A_127 = arith.constant 16 : i32
      %mul3A_128 = arith.muli %scan3A_104, %mul3A_127 : i32
      %swap3A = arith.index_cast %mul3A_128 : i32 to index
      %swap3A_129 = tpu.vector_load %arg11[%swap3A] {strides = array<i32>} : memref<2000xf32, #tpu.memory_space<vmem>>, vector<16xf32>,
      tpu.vector_store %arg11[%swap3A], %mul3A_126 {strides = array<i32>} : memref<2000xf32, #tpu.memory_space<vmem>>, vector<16xf32>,
      %scan3A_130 = arith.constant 0 : i32
      scf.yield %scan3A_130 : i32
    }
    %scan3A_49 = arith.constant 125 : i32
    "tpu.region"() ({
      %run_scoped3A = tpu.sem_alloc : memref<!tpu.dma_semaphore, #tpu.memory_space<semaphore_mem>>
      %dma_start3A = arith.constant 0 : i32
      %dma_start3A_104 = tpu.memref_slice %arg5[%add3A_42, %dma_start3A] : memref<640000x2xf32, #tpu.memory_space<hbm>> -> memref<2000x2xf32, #tpu.memory_space<hbm>>
      %dma_start3A_105 = arith.constant 0 : i32
      %dma_start3A_106 = tpu.memref_slice %arg5[%add3A_42, %dma_start3A_105] : memref<640000x2xf32, #tpu.memory_space<hbm>> -> memref<2000x2xf32, #tpu.memory_space<hbm>>
      tpu.enqueue_dma source(%arg10 : memref<2000x2xf32, #tpu.memory_space<vmem>>) target(%dma_start3A_106 : memref<2000x2xf32, #tpu.memory_space<hbm>>) target_semaphore(%run_scoped3A : memref<!tpu.dma_semaphore, #tpu.memory_space<semaphore_mem>>)
      %dma_wait3A = arith.constant 0 : i32
      %dma_wait3A_107 = tpu.memref_slice %arg5[%add3A_42, %dma_wait3A] : memref<640000x2xf32, #tpu.memory_space<hbm>> -> memref<2000x2xf32, #tpu.memory_space<hbm>>
      %dma_wait3A_108 = arith.constant 0 : i32
      %dma_wait3A_109 = tpu.memref_slice %arg5[%add3A_42, %dma_wait3A_108] : memref<640000x2xf32, #tpu.memory_space<hbm>> -> memref<2000x2xf32, #tpu.memory_space<hbm>>
      tpu.wait_dma2 semaphore(%run_scoped3A : memref<!tpu.dma_semaphore, #tpu.memory_space<semaphore_mem>>) src(%arg10 : memref<2000x2xf32, #tpu.memory_space<vmem>>) dst(%dma_wait3A_109 : memref<2000x2xf32, #tpu.memory_space<hbm>>)
      tpu.yield
    }) : () -> ()
    "tpu.region"() ({
      %run_scoped3A = tpu.sem_alloc : memref<!tpu.dma_semaphore, #tpu.memory_space<semaphore_mem>>
      %dma_start3A = tpu.memref_slice %arg6[%add3A_42] : memref<640000xf32, #tpu.memory_space<hbm>> -> memref<2000xf32, #tpu.memory_space<hbm>>
      %dma_start3A_104 = tpu.memref_slice %arg6[%add3A_42] : memref<640000xf32, #tpu.memory_space<hbm>> -> memref<2000xf32, #tpu.memory_space<hbm>>
      tpu.enqueue_dma source(%arg11 : memref<2000xf32, #tpu.memory_space<vmem>>) target(%dma_start3A_104 : memref<2000xf32, #tpu.memory_space<hbm>>) target_semaphore(%run_scoped3A : memref<!tpu.dma_semaphore, #tpu.memory_space<semaphore_mem>>)
      %dma_wait3A = tpu.memref_slice %arg6[%add3A_42] : memref<640000xf32, #tpu.memory_space<hbm>> -> memref<2000xf32, #tpu.memory_space<hbm>>
      %dma_wait3A_105 = tpu.memref_slice %arg6[%add3A_42] : memref<640000xf32, #tpu.memory_space<hbm>> -> memref<2000xf32, #tpu.memory_space<hbm>>
      tpu.wait_dma2 semaphore(%run_scoped3A : memref<!tpu.dma_semaphore, #tpu.memory_space<semaphore_mem>>) src(%arg11 : memref<2000xf32, #tpu.memory_space<vmem>>) dst(%dma_wait3A_105 : memref<2000xf32, #tpu.memory_space<hbm>>)
      tpu.yield
    }) : () -> ()
    %add3A_50 = arith.constant 8000 : i32
    %add3A_51 = arith.addi %mul3A_2, %add3A_50 : i32
    "tpu.region"() ({
      %run_scoped3A = tpu.sem_alloc : memref<!tpu.dma_semaphore, #tpu.memory_space<semaphore_mem>>
      %dma_start3A = arith.constant 0 : i32
      %dma_start3A_104 = tpu.memref_slice %arg2[%add3A_51, %dma_start3A] : memref<640000x2xi32, #tpu.memory_space<hbm>> -> memref<2000x2xi32, #tpu.memory_space<hbm>>
      %dma_start3A_105 = arith.constant 0 : i32
      %dma_start3A_106 = tpu.memref_slice %arg2[%add3A_51, %dma_start3A_105] : memref<640000x2xi32, #tpu.memory_space<hbm>> -> memref<2000x2xi32, #tpu.memory_space<hbm>>
      tpu.enqueue_dma source(%dma_start3A_106 : memref<2000x2xi32, #tpu.memory_space<hbm>>) target(%arg8 : memref<2000x2xi32, #tpu.memory_space<vmem>>) target_semaphore(%run_scoped3A : memref<!tpu.dma_semaphore, #tpu.memory_space<semaphore_mem>>)
      %dma_wait3A = arith.constant 0 : i32
      %dma_wait3A_107 = tpu.memref_slice %arg2[%add3A_51, %dma_wait3A] : memref<640000x2xi32, #tpu.memory_space<hbm>> -> memref<2000x2xi32, #tpu.memory_space<hbm>>
      %dma_wait3A_108 = arith.constant 0 : i32
      %dma_wait3A_109 = tpu.memref_slice %arg2[%add3A_51, %dma_wait3A_108] : memref<640000x2xi32, #tpu.memory_space<hbm>> -> memref<2000x2xi32, #tpu.memory_space<hbm>>
      tpu.wait_dma2 semaphore(%run_scoped3A : memref<!tpu.dma_semaphore, #tpu.memory_space<semaphore_mem>>) src(%dma_wait3A_109 : memref<2000x2xi32, #tpu.memory_space<hbm>>) dst(%arg8 : memref<2000x2xi32, #tpu.memory_space<vmem>>)
      tpu.yield
    }) : () -> ()
    "tpu.region"() ({
      %run_scoped3A = tpu.sem_alloc : memref<!tpu.dma_semaphore, #tpu.memory_space<semaphore_mem>>
      %dma_start3A = tpu.memref_slice %arg3[%add3A_51] : memref<640000xi32, #tpu.memory_space<hbm>> -> memref<2000xi32, #tpu.memory_space<hbm>>
      %dma_start3A_104 = tpu.memref_slice %arg3[%add3A_51] : memref<640000xi32, #tpu.memory_space<hbm>> -> memref<2000xi32, #tpu.memory_space<hbm>>
      tpu.enqueue_dma source(%dma_start3A_104 : memref<2000xi32, #tpu.memory_space<hbm>>) target(%arg9 : memref<2000xi32, #tpu.memory_space<vmem>>) target_semaphore(%run_scoped3A : memref<!tpu.dma_semaphore, #tpu.memory_space<semaphore_mem>>)
      %dma_wait3A = tpu.memref_slice %arg3[%add3A_51] : memref<640000xi32, #tpu.memory_space<hbm>> -> memref<2000xi32, #tpu.memory_space<hbm>>
      %dma_wait3A_105 = tpu.memref_slice %arg3[%add3A_51] : memref<640000xi32, #tpu.memory_space<hbm>> -> memref<2000xi32, #tpu.memory_space<hbm>>
      tpu.wait_dma2 semaphore(%run_scoped3A : memref<!tpu.dma_semaphore, #tpu.memory_space<semaphore_mem>>) src(%dma_wait3A_105 : memref<2000xi32, #tpu.memory_space<hbm>>) dst(%arg9 : memref<2000xi32, #tpu.memory_space<vmem>>)
      tpu.yield
    }) : () -> ()
    %scan3A_52 = arith.constant 0 : i32
    %scan3A_53 = arith.constant 0 : i32
    %scan3A_54 = arith.constant 125 : i32
    %scan3A_55 = arith.addi %scan3A_53, %scan3A_54 : i32
    %scan3A_56 = arith.constant 1 : i32
    %scan3A_57 = scf.for %scan3A_104 = %scan3A_53 to %scan3A_55 step %scan3A_56 iter_args(%scan3A_105 = %scan3A_52) -> (i32)  : i32 {
      %mul3A_106 = arith.constant 16 : i32
      %mul3A_107 = arith.muli %scan3A_104, %mul3A_106 : i32
      %add3A_108 = vector.broadcast %mul3A_107 : i32 to vector<16xi32>
      %add3A_109 = arith.addi %add3A_108, %iota3A : vector<16xi32>
      %gather3A = tpu.vector_load_idx %arg8[%add3A_109, %mul3A_5] : memref<2000x2xi32, #tpu.memory_space<vmem>>[vector<16xi32>, vector<16xi32>], vector<16xi32>,
      %gather3A_110 = tpu.vector_load_idx %arg8[%add3A_109, %add3A_8] : memref<2000x2xi32, #tpu.memory_space<vmem>>[vector<16xi32>, vector<16xi32>], vector<16xi32>,
      %gather3A_111 = tpu.vector_load_idx %arg7[%gather3A, %mul3A_5] : memref<10000x4xf32, #tpu.memory_space<vmem>>[vector<16xi32>, vector<16xi32>], vector<16xf32>,
      %gather3A_112 = tpu.vector_load_idx %arg7[%gather3A, %add3A_8] : memref<10000x4xf32, #tpu.memory_space<vmem>>[vector<16xi32>, vector<16xi32>], vector<16xf32>,
      %gather3A_113 = tpu.vector_load_idx %arg7[%gather3A_110, %add3A_11] : memref<10000x4xf32, #tpu.memory_space<vmem>>[vector<16xi32>, vector<16xi32>], vector<16xf32>,
      %gather3A_114 = tpu.vector_load_idx %arg7[%gather3A_110, %add3A_14] : memref<10000x4xf32, #tpu.memory_space<vmem>>[vector<16xi32>, vector<16xi32>], vector<16xf32>,
      %add3A_115 = arith.addf %gather3A_111, %gather3A_113 : vector<16xf32>
      %add3A_116 = arith.addf %gather3A_112, %gather3A_114 : vector<16xf32>
      tpu.vector_store_idx %arg10[%add3A_109, %mul3A_5], %add3A_115 : memref<2000x2xf32, #tpu.memory_space<vmem>>[vector<16xi32>, vector<16xi32>], vector<16xf32>,
      tpu.vector_store_idx %arg10[%add3A_109, %add3A_8], %add3A_116 : memref<2000x2xf32, #tpu.memory_space<vmem>>[vector<16xi32>, vector<16xi32>], vector<16xf32>,
      %mul3A_117 = arith.constant 16 : i32
      %mul3A_118 = arith.muli %scan3A_104, %mul3A_117 : i32
      %get3A = arith.index_cast %mul3A_118 : i32 to index
      %get3A_119 = tpu.vector_load %arg9[%get3A] {strides = array<i32>} : memref<2000xi32, #tpu.memory_space<vmem>>, vector<16xi32>,
      %mul3A_120 = arith.constant 2 : i32
      %mul3A_121 = vector.broadcast %mul3A_120 : i32 to vector<16xi32>
      %mul3A_122 = arith.muli %mul3A_121, %get3A_119 : vector<16xi32>
      %sub3A = arith.constant 1 : i32
      %sub3A_123 = vector.broadcast %sub3A : i32 to vector<16xi32>
      %sub3A_124 = arith.subi %mul3A_122, %sub3A_123 : vector<16xi32>
      %convert_element_type3A = arith.sitofp %sub3A_124 : vector<16xi32> to vector<16xf32>
      %sub3A_125 = arith.subf %add3A_116, %add3A_115 : vector<16xf32>
      %mul3A_126 = arith.mulf %sub3A_125, %convert_element_type3A : vector<16xf32>
      %mul3A_127 = arith.constant 16 : i32
      %mul3A_128 = arith.muli %scan3A_104, %mul3A_127 : i32
      %swap3A = arith.index_cast %mul3A_128 : i32 to index
      %swap3A_129 = tpu.vector_load %arg11[%swap3A] {strides = array<i32>} : memref<2000xf32, #tpu.memory_space<vmem>>, vector<16xf32>,
      tpu.vector_store %arg11[%swap3A], %mul3A_126 {strides = array<i32>} : memref<2000xf32, #tpu.memory_space<vmem>>, vector<16xf32>,
      %scan3A_130 = arith.constant 0 : i32
      scf.yield %scan3A_130 : i32
    }
    %scan3A_58 = arith.constant 125 : i32
    "tpu.region"() ({
      %run_scoped3A = tpu.sem_alloc : memref<!tpu.dma_semaphore, #tpu.memory_space<semaphore_mem>>
      %dma_start3A = arith.constant 0 : i32
      %dma_start3A_104 = tpu.memref_slice %arg5[%add3A_51, %dma_start3A] : memref<640000x2xf32, #tpu.memory_space<hbm>> -> memref<2000x2xf32, #tpu.memory_space<hbm>>
      %dma_start3A_105 = arith.constant 0 : i32
      %dma_start3A_106 = tpu.memref_slice %arg5[%add3A_51, %dma_start3A_105] : memref<640000x2xf32, #tpu.memory_space<hbm>> -> memref<2000x2xf32, #tpu.memory_space<hbm>>
      tpu.enqueue_dma source(%arg10 : memref<2000x2xf32, #tpu.memory_space<vmem>>) target(%dma_start3A_106 : memref<2000x2xf32, #tpu.memory_space<hbm>>) target_semaphore(%run_scoped3A : memref<!tpu.dma_semaphore, #tpu.memory_space<semaphore_mem>>)
      %dma_wait3A = arith.constant 0 : i32
      %dma_wait3A_107 = tpu.memref_slice %arg5[%add3A_51, %dma_wait3A] : memref<640000x2xf32, #tpu.memory_space<hbm>> -> memref<2000x2xf32, #tpu.memory_space<hbm>>
      %dma_wait3A_108 = arith.constant 0 : i32
      %dma_wait3A_109 = tpu.memref_slice %arg5[%add3A_51, %dma_wait3A_108] : memref<640000x2xf32, #tpu.memory_space<hbm>> -> memref<2000x2xf32, #tpu.memory_space<hbm>>
      tpu.wait_dma2 semaphore(%run_scoped3A : memref<!tpu.dma_semaphore, #tpu.memory_space<semaphore_mem>>) src(%arg10 : memref<2000x2xf32, #tpu.memory_space<vmem>>) dst(%dma_wait3A_109 : memref<2000x2xf32, #tpu.memory_space<hbm>>)
      tpu.yield
    }) : () -> ()
    "tpu.region"() ({
      %run_scoped3A = tpu.sem_alloc : memref<!tpu.dma_semaphore, #tpu.memory_space<semaphore_mem>>
      %dma_start3A = tpu.memref_slice %arg6[%add3A_51] : memref<640000xf32, #tpu.memory_space<hbm>> -> memref<2000xf32, #tpu.memory_space<hbm>>
      %dma_start3A_104 = tpu.memref_slice %arg6[%add3A_51] : memref<640000xf32, #tpu.memory_space<hbm>> -> memref<2000xf32, #tpu.memory_space<hbm>>
      tpu.enqueue_dma source(%arg11 : memref<2000xf32, #tpu.memory_space<vmem>>) target(%dma_start3A_104 : memref<2000xf32, #tpu.memory_space<hbm>>) target_semaphore(%run_scoped3A : memref<!tpu.dma_semaphore, #tpu.memory_space<semaphore_mem>>)
      %dma_wait3A = tpu.memref_slice %arg6[%add3A_51] : memref<640000xf32, #tpu.memory_space<hbm>> -> memref<2000xf32, #tpu.memory_space<hbm>>
      %dma_wait3A_105 = tpu.memref_slice %arg6[%add3A_51] : memref<640000xf32, #tpu.memory_space<hbm>> -> memref<2000xf32, #tpu.memory_space<hbm>>
      tpu.wait_dma2 semaphore(%run_scoped3A : memref<!tpu.dma_semaphore, #tpu.memory_space<semaphore_mem>>) src(%arg11 : memref<2000xf32, #tpu.memory_space<vmem>>) dst(%dma_wait3A_105 : memref<2000xf32, #tpu.memory_space<hbm>>)
      tpu.yield
    }) : () -> ()
    %add3A_59 = arith.constant 10000 : i32
    %add3A_60 = arith.addi %mul3A_2, %add3A_59 : i32
    "tpu.region"() ({
      %run_scoped3A = tpu.sem_alloc : memref<!tpu.dma_semaphore, #tpu.memory_space<semaphore_mem>>
      %dma_start3A = arith.constant 0 : i32
      %dma_start3A_104 = tpu.memref_slice %arg2[%add3A_60, %dma_start3A] : memref<640000x2xi32, #tpu.memory_space<hbm>> -> memref<2000x2xi32, #tpu.memory_space<hbm>>
      %dma_start3A_105 = arith.constant 0 : i32
      %dma_start3A_106 = tpu.memref_slice %arg2[%add3A_60, %dma_start3A_105] : memref<640000x2xi32, #tpu.memory_space<hbm>> -> memref<2000x2xi32, #tpu.memory_space<hbm>>
      tpu.enqueue_dma source(%dma_start3A_106 : memref<2000x2xi32, #tpu.memory_space<hbm>>) target(%arg8 : memref<2000x2xi32, #tpu.memory_space<vmem>>) target_semaphore(%run_scoped3A : memref<!tpu.dma_semaphore, #tpu.memory_space<semaphore_mem>>)
      %dma_wait3A = arith.constant 0 : i32
      %dma_wait3A_107 = tpu.memref_slice %arg2[%add3A_60, %dma_wait3A] : memref<640000x2xi32, #tpu.memory_space<hbm>> -> memref<2000x2xi32, #tpu.memory_space<hbm>>
      %dma_wait3A_108 = arith.constant 0 : i32
      %dma_wait3A_109 = tpu.memref_slice %arg2[%add3A_60, %dma_wait3A_108] : memref<640000x2xi32, #tpu.memory_space<hbm>> -> memref<2000x2xi32, #tpu.memory_space<hbm>>
      tpu.wait_dma2 semaphore(%run_scoped3A : memref<!tpu.dma_semaphore, #tpu.memory_space<semaphore_mem>>) src(%dma_wait3A_109 : memref<2000x2xi32, #tpu.memory_space<hbm>>) dst(%arg8 : memref<2000x2xi32, #tpu.memory_space<vmem>>)
      tpu.yield
    }) : () -> ()
    "tpu.region"() ({
      %run_scoped3A = tpu.sem_alloc : memref<!tpu.dma_semaphore, #tpu.memory_space<semaphore_mem>>
      %dma_start3A = tpu.memref_slice %arg3[%add3A_60] : memref<640000xi32, #tpu.memory_space<hbm>> -> memref<2000xi32, #tpu.memory_space<hbm>>
      %dma_start3A_104 = tpu.memref_slice %arg3[%add3A_60] : memref<640000xi32, #tpu.memory_space<hbm>> -> memref<2000xi32, #tpu.memory_space<hbm>>
      tpu.enqueue_dma source(%dma_start3A_104 : memref<2000xi32, #tpu.memory_space<hbm>>) target(%arg9 : memref<2000xi32, #tpu.memory_space<vmem>>) target_semaphore(%run_scoped3A : memref<!tpu.dma_semaphore, #tpu.memory_space<semaphore_mem>>)
      %dma_wait3A = tpu.memref_slice %arg3[%add3A_60] : memref<640000xi32, #tpu.memory_space<hbm>> -> memref<2000xi32, #tpu.memory_space<hbm>>
      %dma_wait3A_105 = tpu.memref_slice %arg3[%add3A_60] : memref<640000xi32, #tpu.memory_space<hbm>> -> memref<2000xi32, #tpu.memory_space<hbm>>
      tpu.wait_dma2 semaphore(%run_scoped3A : memref<!tpu.dma_semaphore, #tpu.memory_space<semaphore_mem>>) src(%dma_wait3A_105 : memref<2000xi32, #tpu.memory_space<hbm>>) dst(%arg9 : memref<2000xi32, #tpu.memory_space<vmem>>)
      tpu.yield
    }) : () -> ()
    %scan3A_61 = arith.constant 0 : i32
    %scan3A_62 = arith.constant 0 : i32
    %scan3A_63 = arith.constant 125 : i32
    %scan3A_64 = arith.addi %scan3A_62, %scan3A_63 : i32
    %scan3A_65 = arith.constant 1 : i32
    %scan3A_66 = scf.for %scan3A_104 = %scan3A_62 to %scan3A_64 step %scan3A_65 iter_args(%scan3A_105 = %scan3A_61) -> (i32)  : i32 {
      %mul3A_106 = arith.constant 16 : i32
      %mul3A_107 = arith.muli %scan3A_104, %mul3A_106 : i32
      %add3A_108 = vector.broadcast %mul3A_107 : i32 to vector<16xi32>
      %add3A_109 = arith.addi %add3A_108, %iota3A : vector<16xi32>
      %gather3A = tpu.vector_load_idx %arg8[%add3A_109, %mul3A_5] : memref<2000x2xi32, #tpu.memory_space<vmem>>[vector<16xi32>, vector<16xi32>], vector<16xi32>,
      %gather3A_110 = tpu.vector_load_idx %arg8[%add3A_109, %add3A_8] : memref<2000x2xi32, #tpu.memory_space<vmem>>[vector<16xi32>, vector<16xi32>], vector<16xi32>,
      %gather3A_111 = tpu.vector_load_idx %arg7[%gather3A, %mul3A_5] : memref<10000x4xf32, #tpu.memory_space<vmem>>[vector<16xi32>, vector<16xi32>], vector<16xf32>,
      %gather3A_112 = tpu.vector_load_idx %arg7[%gather3A, %add3A_8] : memref<10000x4xf32, #tpu.memory_space<vmem>>[vector<16xi32>, vector<16xi32>], vector<16xf32>,
      %gather3A_113 = tpu.vector_load_idx %arg7[%gather3A_110, %add3A_11] : memref<10000x4xf32, #tpu.memory_space<vmem>>[vector<16xi32>, vector<16xi32>], vector<16xf32>,
      %gather3A_114 = tpu.vector_load_idx %arg7[%gather3A_110, %add3A_14] : memref<10000x4xf32, #tpu.memory_space<vmem>>[vector<16xi32>, vector<16xi32>], vector<16xf32>,
      %add3A_115 = arith.addf %gather3A_111, %gather3A_113 : vector<16xf32>
      %add3A_116 = arith.addf %gather3A_112, %gather3A_114 : vector<16xf32>
      tpu.vector_store_idx %arg10[%add3A_109, %mul3A_5], %add3A_115 : memref<2000x2xf32, #tpu.memory_space<vmem>>[vector<16xi32>, vector<16xi32>], vector<16xf32>,
      tpu.vector_store_idx %arg10[%add3A_109, %add3A_8], %add3A_116 : memref<2000x2xf32, #tpu.memory_space<vmem>>[vector<16xi32>, vector<16xi32>], vector<16xf32>,
      %mul3A_117 = arith.constant 16 : i32
      %mul3A_118 = arith.muli %scan3A_104, %mul3A_117 : i32
      %get3A = arith.index_cast %mul3A_118 : i32 to index
      %get3A_119 = tpu.vector_load %arg9[%get3A] {strides = array<i32>} : memref<2000xi32, #tpu.memory_space<vmem>>, vector<16xi32>,
      %mul3A_120 = arith.constant 2 : i32
      %mul3A_121 = vector.broadcast %mul3A_120 : i32 to vector<16xi32>
      %mul3A_122 = arith.muli %mul3A_121, %get3A_119 : vector<16xi32>
      %sub3A = arith.constant 1 : i32
      %sub3A_123 = vector.broadcast %sub3A : i32 to vector<16xi32>
      %sub3A_124 = arith.subi %mul3A_122, %sub3A_123 : vector<16xi32>
      %convert_element_type3A = arith.sitofp %sub3A_124 : vector<16xi32> to vector<16xf32>
      %sub3A_125 = arith.subf %add3A_116, %add3A_115 : vector<16xf32>
      %mul3A_126 = arith.mulf %sub3A_125, %convert_element_type3A : vector<16xf32>
      %mul3A_127 = arith.constant 16 : i32
      %mul3A_128 = arith.muli %scan3A_104, %mul3A_127 : i32
      %swap3A = arith.index_cast %mul3A_128 : i32 to index
      %swap3A_129 = tpu.vector_load %arg11[%swap3A] {strides = array<i32>} : memref<2000xf32, #tpu.memory_space<vmem>>, vector<16xf32>,
      tpu.vector_store %arg11[%swap3A], %mul3A_126 {strides = array<i32>} : memref<2000xf32, #tpu.memory_space<vmem>>, vector<16xf32>,
      %scan3A_130 = arith.constant 0 : i32
      scf.yield %scan3A_130 : i32
    }
    %scan3A_67 = arith.constant 125 : i32
    "tpu.region"() ({
      %run_scoped3A = tpu.sem_alloc : memref<!tpu.dma_semaphore, #tpu.memory_space<semaphore_mem>>
      %dma_start3A = arith.constant 0 : i32
      %dma_start3A_104 = tpu.memref_slice %arg5[%add3A_60, %dma_start3A] : memref<640000x2xf32, #tpu.memory_space<hbm>> -> memref<2000x2xf32, #tpu.memory_space<hbm>>
      %dma_start3A_105 = arith.constant 0 : i32
      %dma_start3A_106 = tpu.memref_slice %arg5[%add3A_60, %dma_start3A_105] : memref<640000x2xf32, #tpu.memory_space<hbm>> -> memref<2000x2xf32, #tpu.memory_space<hbm>>
      tpu.enqueue_dma source(%arg10 : memref<2000x2xf32, #tpu.memory_space<vmem>>) target(%dma_start3A_106 : memref<2000x2xf32, #tpu.memory_space<hbm>>) target_semaphore(%run_scoped3A : memref<!tpu.dma_semaphore, #tpu.memory_space<semaphore_mem>>)
      %dma_wait3A = arith.constant 0 : i32
      %dma_wait3A_107 = tpu.memref_slice %arg5[%add3A_60, %dma_wait3A] : memref<640000x2xf32, #tpu.memory_space<hbm>> -> memref<2000x2xf32, #tpu.memory_space<hbm>>
      %dma_wait3A_108 = arith.constant 0 : i32
      %dma_wait3A_109 = tpu.memref_slice %arg5[%add3A_60, %dma_wait3A_108] : memref<640000x2xf32, #tpu.memory_space<hbm>> -> memref<2000x2xf32, #tpu.memory_space<hbm>>
      tpu.wait_dma2 semaphore(%run_scoped3A : memref<!tpu.dma_semaphore, #tpu.memory_space<semaphore_mem>>) src(%arg10 : memref<2000x2xf32, #tpu.memory_space<vmem>>) dst(%dma_wait3A_109 : memref<2000x2xf32, #tpu.memory_space<hbm>>)
      tpu.yield
    }) : () -> ()
    "tpu.region"() ({
      %run_scoped3A = tpu.sem_alloc : memref<!tpu.dma_semaphore, #tpu.memory_space<semaphore_mem>>
      %dma_start3A = tpu.memref_slice %arg6[%add3A_60] : memref<640000xf32, #tpu.memory_space<hbm>> -> memref<2000xf32, #tpu.memory_space<hbm>>
      %dma_start3A_104 = tpu.memref_slice %arg6[%add3A_60] : memref<640000xf32, #tpu.memory_space<hbm>> -> memref<2000xf32, #tpu.memory_space<hbm>>
      tpu.enqueue_dma source(%arg11 : memref<2000xf32, #tpu.memory_space<vmem>>) target(%dma_start3A_104 : memref<2000xf32, #tpu.memory_space<hbm>>) target_semaphore(%run_scoped3A : memref<!tpu.dma_semaphore, #tpu.memory_space<semaphore_mem>>)
      %dma_wait3A = tpu.memref_slice %arg6[%add3A_60] : memref<640000xf32, #tpu.memory_space<hbm>> -> memref<2000xf32, #tpu.memory_space<hbm>>
      %dma_wait3A_105 = tpu.memref_slice %arg6[%add3A_60] : memref<640000xf32, #tpu.memory_space<hbm>> -> memref<2000xf32, #tpu.memory_space<hbm>>
      tpu.wait_dma2 semaphore(%run_scoped3A : memref<!tpu.dma_semaphore, #tpu.memory_space<semaphore_mem>>) src(%arg11 : memref<2000xf32, #tpu.memory_space<vmem>>) dst(%dma_wait3A_105 : memref<2000xf32, #tpu.memory_space<hbm>>)
      tpu.yield
    }) : () -> ()
    %add3A_68 = arith.constant 12000 : i32
    %add3A_69 = arith.addi %mul3A_2, %add3A_68 : i32
    "tpu.region"() ({
      %run_scoped3A = tpu.sem_alloc : memref<!tpu.dma_semaphore, #tpu.memory_space<semaphore_mem>>
      %dma_start3A = arith.constant 0 : i32
      %dma_start3A_104 = tpu.memref_slice %arg2[%add3A_69, %dma_start3A] : memref<640000x2xi32, #tpu.memory_space<hbm>> -> memref<2000x2xi32, #tpu.memory_space<hbm>>
      %dma_start3A_105 = arith.constant 0 : i32
      %dma_start3A_106 = tpu.memref_slice %arg2[%add3A_69, %dma_start3A_105] : memref<640000x2xi32, #tpu.memory_space<hbm>> -> memref<2000x2xi32, #tpu.memory_space<hbm>>
      tpu.enqueue_dma source(%dma_start3A_106 : memref<2000x2xi32, #tpu.memory_space<hbm>>) target(%arg8 : memref<2000x2xi32, #tpu.memory_space<vmem>>) target_semaphore(%run_scoped3A : memref<!tpu.dma_semaphore, #tpu.memory_space<semaphore_mem>>)
      %dma_wait3A = arith.constant 0 : i32
      %dma_wait3A_107 = tpu.memref_slice %arg2[%add3A_69, %dma_wait3A] : memref<640000x2xi32, #tpu.memory_space<hbm>> -> memref<2000x2xi32, #tpu.memory_space<hbm>>
      %dma_wait3A_108 = arith.constant 0 : i32
      %dma_wait3A_109 = tpu.memref_slice %arg2[%add3A_69, %dma_wait3A_108] : memref<640000x2xi32, #tpu.memory_space<hbm>> -> memref<2000x2xi32, #tpu.memory_space<hbm>>
      tpu.wait_dma2 semaphore(%run_scoped3A : memref<!tpu.dma_semaphore, #tpu.memory_space<semaphore_mem>>) src(%dma_wait3A_109 : memref<2000x2xi32, #tpu.memory_space<hbm>>) dst(%arg8 : memref<2000x2xi32, #tpu.memory_space<vmem>>)
      tpu.yield
    }) : () -> ()
    "tpu.region"() ({
      %run_scoped3A = tpu.sem_alloc : memref<!tpu.dma_semaphore, #tpu.memory_space<semaphore_mem>>
      %dma_start3A = tpu.memref_slice %arg3[%add3A_69] : memref<640000xi32, #tpu.memory_space<hbm>> -> memref<2000xi32, #tpu.memory_space<hbm>>
      %dma_start3A_104 = tpu.memref_slice %arg3[%add3A_69] : memref<640000xi32, #tpu.memory_space<hbm>> -> memref<2000xi32, #tpu.memory_space<hbm>>
      tpu.enqueue_dma source(%dma_start3A_104 : memref<2000xi32, #tpu.memory_space<hbm>>) target(%arg9 : memref<2000xi32, #tpu.memory_space<vmem>>) target_semaphore(%run_scoped3A : memref<!tpu.dma_semaphore, #tpu.memory_space<semaphore_mem>>)
      %dma_wait3A = tpu.memref_slice %arg3[%add3A_69] : memref<640000xi32, #tpu.memory_space<hbm>> -> memref<2000xi32, #tpu.memory_space<hbm>>
      %dma_wait3A_105 = tpu.memref_slice %arg3[%add3A_69] : memref<640000xi32, #tpu.memory_space<hbm>> -> memref<2000xi32, #tpu.memory_space<hbm>>
      tpu.wait_dma2 semaphore(%run_scoped3A : memref<!tpu.dma_semaphore, #tpu.memory_space<semaphore_mem>>) src(%dma_wait3A_105 : memref<2000xi32, #tpu.memory_space<hbm>>) dst(%arg9 : memref<2000xi32, #tpu.memory_space<vmem>>)
      tpu.yield
    }) : () -> ()
    %scan3A_70 = arith.constant 0 : i32
    %scan3A_71 = arith.constant 0 : i32
    %scan3A_72 = arith.constant 125 : i32
    %scan3A_73 = arith.addi %scan3A_71, %scan3A_72 : i32
    %scan3A_74 = arith.constant 1 : i32
    %scan3A_75 = scf.for %scan3A_104 = %scan3A_71 to %scan3A_73 step %scan3A_74 iter_args(%scan3A_105 = %scan3A_70) -> (i32)  : i32 {
      %mul3A_106 = arith.constant 16 : i32
      %mul3A_107 = arith.muli %scan3A_104, %mul3A_106 : i32
      %add3A_108 = vector.broadcast %mul3A_107 : i32 to vector<16xi32>
      %add3A_109 = arith.addi %add3A_108, %iota3A : vector<16xi32>
      %gather3A = tpu.vector_load_idx %arg8[%add3A_109, %mul3A_5] : memref<2000x2xi32, #tpu.memory_space<vmem>>[vector<16xi32>, vector<16xi32>], vector<16xi32>,
      %gather3A_110 = tpu.vector_load_idx %arg8[%add3A_109, %add3A_8] : memref<2000x2xi32, #tpu.memory_space<vmem>>[vector<16xi32>, vector<16xi32>], vector<16xi32>,
      %gather3A_111 = tpu.vector_load_idx %arg7[%gather3A, %mul3A_5] : memref<10000x4xf32, #tpu.memory_space<vmem>>[vector<16xi32>, vector<16xi32>], vector<16xf32>,
      %gather3A_112 = tpu.vector_load_idx %arg7[%gather3A, %add3A_8] : memref<10000x4xf32, #tpu.memory_space<vmem>>[vector<16xi32>, vector<16xi32>], vector<16xf32>,
      %gather3A_113 = tpu.vector_load_idx %arg7[%gather3A_110, %add3A_11] : memref<10000x4xf32, #tpu.memory_space<vmem>>[vector<16xi32>, vector<16xi32>], vector<16xf32>,
      %gather3A_114 = tpu.vector_load_idx %arg7[%gather3A_110, %add3A_14] : memref<10000x4xf32, #tpu.memory_space<vmem>>[vector<16xi32>, vector<16xi32>], vector<16xf32>,
      %add3A_115 = arith.addf %gather3A_111, %gather3A_113 : vector<16xf32>
      %add3A_116 = arith.addf %gather3A_112, %gather3A_114 : vector<16xf32>
      tpu.vector_store_idx %arg10[%add3A_109, %mul3A_5], %add3A_115 : memref<2000x2xf32, #tpu.memory_space<vmem>>[vector<16xi32>, vector<16xi32>], vector<16xf32>,
      tpu.vector_store_idx %arg10[%add3A_109, %add3A_8], %add3A_116 : memref<2000x2xf32, #tpu.memory_space<vmem>>[vector<16xi32>, vector<16xi32>], vector<16xf32>,
      %mul3A_117 = arith.constant 16 : i32
      %mul3A_118 = arith.muli %scan3A_104, %mul3A_117 : i32
      %get3A = arith.index_cast %mul3A_118 : i32 to index
      %get3A_119 = tpu.vector_load %arg9[%get3A] {strides = array<i32>} : memref<2000xi32, #tpu.memory_space<vmem>>, vector<16xi32>,
      %mul3A_120 = arith.constant 2 : i32
      %mul3A_121 = vector.broadcast %mul3A_120 : i32 to vector<16xi32>
      %mul3A_122 = arith.muli %mul3A_121, %get3A_119 : vector<16xi32>
      %sub3A = arith.constant 1 : i32
      %sub3A_123 = vector.broadcast %sub3A : i32 to vector<16xi32>
      %sub3A_124 = arith.subi %mul3A_122, %sub3A_123 : vector<16xi32>
      %convert_element_type3A = arith.sitofp %sub3A_124 : vector<16xi32> to vector<16xf32>
      %sub3A_125 = arith.subf %add3A_116, %add3A_115 : vector<16xf32>
      %mul3A_126 = arith.mulf %sub3A_125, %convert_element_type3A : vector<16xf32>
      %mul3A_127 = arith.constant 16 : i32
      %mul3A_128 = arith.muli %scan3A_104, %mul3A_127 : i32
      %swap3A = arith.index_cast %mul3A_128 : i32 to index
      %swap3A_129 = tpu.vector_load %arg11[%swap3A] {strides = array<i32>} : memref<2000xf32, #tpu.memory_space<vmem>>, vector<16xf32>,
      tpu.vector_store %arg11[%swap3A], %mul3A_126 {strides = array<i32>} : memref<2000xf32, #tpu.memory_space<vmem>>, vector<16xf32>,
      %scan3A_130 = arith.constant 0 : i32
      scf.yield %scan3A_130 : i32
    }
    %scan3A_76 = arith.constant 125 : i32
    "tpu.region"() ({
      %run_scoped3A = tpu.sem_alloc : memref<!tpu.dma_semaphore, #tpu.memory_space<semaphore_mem>>
      %dma_start3A = arith.constant 0 : i32
      %dma_start3A_104 = tpu.memref_slice %arg5[%add3A_69, %dma_start3A] : memref<640000x2xf32, #tpu.memory_space<hbm>> -> memref<2000x2xf32, #tpu.memory_space<hbm>>
      %dma_start3A_105 = arith.constant 0 : i32
      %dma_start3A_106 = tpu.memref_slice %arg5[%add3A_69, %dma_start3A_105] : memref<640000x2xf32, #tpu.memory_space<hbm>> -> memref<2000x2xf32, #tpu.memory_space<hbm>>
      tpu.enqueue_dma source(%arg10 : memref<2000x2xf32, #tpu.memory_space<vmem>>) target(%dma_start3A_106 : memref<2000x2xf32, #tpu.memory_space<hbm>>) target_semaphore(%run_scoped3A : memref<!tpu.dma_semaphore, #tpu.memory_space<semaphore_mem>>)
      %dma_wait3A = arith.constant 0 : i32
      %dma_wait3A_107 = tpu.memref_slice %arg5[%add3A_69, %dma_wait3A] : memref<640000x2xf32, #tpu.memory_space<hbm>> -> memref<2000x2xf32, #tpu.memory_space<hbm>>
      %dma_wait3A_108 = arith.constant 0 : i32
      %dma_wait3A_109 = tpu.memref_slice %arg5[%add3A_69, %dma_wait3A_108] : memref<640000x2xf32, #tpu.memory_space<hbm>> -> memref<2000x2xf32, #tpu.memory_space<hbm>>
      tpu.wait_dma2 semaphore(%run_scoped3A : memref<!tpu.dma_semaphore, #tpu.memory_space<semaphore_mem>>) src(%arg10 : memref<2000x2xf32, #tpu.memory_space<vmem>>) dst(%dma_wait3A_109 : memref<2000x2xf32, #tpu.memory_space<hbm>>)
      tpu.yield
    }) : () -> ()
    "tpu.region"() ({
      %run_scoped3A = tpu.sem_alloc : memref<!tpu.dma_semaphore, #tpu.memory_space<semaphore_mem>>
      %dma_start3A = tpu.memref_slice %arg6[%add3A_69] : memref<640000xf32, #tpu.memory_space<hbm>> -> memref<2000xf32, #tpu.memory_space<hbm>>
      %dma_start3A_104 = tpu.memref_slice %arg6[%add3A_69] : memref<640000xf32, #tpu.memory_space<hbm>> -> memref<2000xf32, #tpu.memory_space<hbm>>
      tpu.enqueue_dma source(%arg11 : memref<2000xf32, #tpu.memory_space<vmem>>) target(%dma_start3A_104 : memref<2000xf32, #tpu.memory_space<hbm>>) target_semaphore(%run_scoped3A : memref<!tpu.dma_semaphore, #tpu.memory_space<semaphore_mem>>)
      %dma_wait3A = tpu.memref_slice %arg6[%add3A_69] : memref<640000xf32, #tpu.memory_space<hbm>> -> memref<2000xf32, #tpu.memory_space<hbm>>
      %dma_wait3A_105 = tpu.memref_slice %arg6[%add3A_69] : memref<640000xf32, #tpu.memory_space<hbm>> -> memref<2000xf32, #tpu.memory_space<hbm>>
      tpu.wait_dma2 semaphore(%run_scoped3A : memref<!tpu.dma_semaphore, #tpu.memory_space<semaphore_mem>>) src(%arg11 : memref<2000xf32, #tpu.memory_space<vmem>>) dst(%dma_wait3A_105 : memref<2000xf32, #tpu.memory_space<hbm>>)
      tpu.yield
    }) : () -> ()
    %add3A_77 = arith.constant 14000 : i32
    %add3A_78 = arith.addi %mul3A_2, %add3A_77 : i32
    "tpu.region"() ({
      %run_scoped3A = tpu.sem_alloc : memref<!tpu.dma_semaphore, #tpu.memory_space<semaphore_mem>>
      %dma_start3A = arith.constant 0 : i32
      %dma_start3A_104 = tpu.memref_slice %arg2[%add3A_78, %dma_start3A] : memref<640000x2xi32, #tpu.memory_space<hbm>> -> memref<2000x2xi32, #tpu.memory_space<hbm>>
      %dma_start3A_105 = arith.constant 0 : i32
      %dma_start3A_106 = tpu.memref_slice %arg2[%add3A_78, %dma_start3A_105] : memref<640000x2xi32, #tpu.memory_space<hbm>> -> memref<2000x2xi32, #tpu.memory_space<hbm>>
      tpu.enqueue_dma source(%dma_start3A_106 : memref<2000x2xi32, #tpu.memory_space<hbm>>) target(%arg8 : memref<2000x2xi32, #tpu.memory_space<vmem>>) target_semaphore(%run_scoped3A : memref<!tpu.dma_semaphore, #tpu.memory_space<semaphore_mem>>)
      %dma_wait3A = arith.constant 0 : i32
      %dma_wait3A_107 = tpu.memref_slice %arg2[%add3A_78, %dma_wait3A] : memref<640000x2xi32, #tpu.memory_space<hbm>> -> memref<2000x2xi32, #tpu.memory_space<hbm>>
      %dma_wait3A_108 = arith.constant 0 : i32
      %dma_wait3A_109 = tpu.memref_slice %arg2[%add3A_78, %dma_wait3A_108] : memref<640000x2xi32, #tpu.memory_space<hbm>> -> memref<2000x2xi32, #tpu.memory_space<hbm>>
      tpu.wait_dma2 semaphore(%run_scoped3A : memref<!tpu.dma_semaphore, #tpu.memory_space<semaphore_mem>>) src(%dma_wait3A_109 : memref<2000x2xi32, #tpu.memory_space<hbm>>) dst(%arg8 : memref<2000x2xi32, #tpu.memory_space<vmem>>)
      tpu.yield
    }) : () -> ()
    "tpu.region"() ({
      %run_scoped3A = tpu.sem_alloc : memref<!tpu.dma_semaphore, #tpu.memory_space<semaphore_mem>>
      %dma_start3A = tpu.memref_slice %arg3[%add3A_78] : memref<640000xi32, #tpu.memory_space<hbm>> -> memref<2000xi32, #tpu.memory_space<hbm>>
      %dma_start3A_104 = tpu.memref_slice %arg3[%add3A_78] : memref<640000xi32, #tpu.memory_space<hbm>> -> memref<2000xi32, #tpu.memory_space<hbm>>
      tpu.enqueue_dma source(%dma_start3A_104 : memref<2000xi32, #tpu.memory_space<hbm>>) target(%arg9 : memref<2000xi32, #tpu.memory_space<vmem>>) target_semaphore(%run_scoped3A : memref<!tpu.dma_semaphore, #tpu.memory_space<semaphore_mem>>)
      %dma_wait3A = tpu.memref_slice %arg3[%add3A_78] : memref<640000xi32, #tpu.memory_space<hbm>> -> memref<2000xi32, #tpu.memory_space<hbm>>
      %dma_wait3A_105 = tpu.memref_slice %arg3[%add3A_78] : memref<640000xi32, #tpu.memory_space<hbm>> -> memref<2000xi32, #tpu.memory_space<hbm>>
      tpu.wait_dma2 semaphore(%run_scoped3A : memref<!tpu.dma_semaphore, #tpu.memory_space<semaphore_mem>>) src(%dma_wait3A_105 : memref<2000xi32, #tpu.memory_space<hbm>>) dst(%arg9 : memref<2000xi32, #tpu.memory_space<vmem>>)
      tpu.yield
    }) : () -> ()
    %scan3A_79 = arith.constant 0 : i32
    %scan3A_80 = arith.constant 0 : i32
    %scan3A_81 = arith.constant 125 : i32
    %scan3A_82 = arith.addi %scan3A_80, %scan3A_81 : i32
    %scan3A_83 = arith.constant 1 : i32
    %scan3A_84 = scf.for %scan3A_104 = %scan3A_80 to %scan3A_82 step %scan3A_83 iter_args(%scan3A_105 = %scan3A_79) -> (i32)  : i32 {
      %mul3A_106 = arith.constant 16 : i32
      %mul3A_107 = arith.muli %scan3A_104, %mul3A_106 : i32
      %add3A_108 = vector.broadcast %mul3A_107 : i32 to vector<16xi32>
      %add3A_109 = arith.addi %add3A_108, %iota3A : vector<16xi32>
      %gather3A = tpu.vector_load_idx %arg8[%add3A_109, %mul3A_5] : memref<2000x2xi32, #tpu.memory_space<vmem>>[vector<16xi32>, vector<16xi32>], vector<16xi32>,
      %gather3A_110 = tpu.vector_load_idx %arg8[%add3A_109, %add3A_8] : memref<2000x2xi32, #tpu.memory_space<vmem>>[vector<16xi32>, vector<16xi32>], vector<16xi32>,
      %gather3A_111 = tpu.vector_load_idx %arg7[%gather3A, %mul3A_5] : memref<10000x4xf32, #tpu.memory_space<vmem>>[vector<16xi32>, vector<16xi32>], vector<16xf32>,
      %gather3A_112 = tpu.vector_load_idx %arg7[%gather3A, %add3A_8] : memref<10000x4xf32, #tpu.memory_space<vmem>>[vector<16xi32>, vector<16xi32>], vector<16xf32>,
      %gather3A_113 = tpu.vector_load_idx %arg7[%gather3A_110, %add3A_11] : memref<10000x4xf32, #tpu.memory_space<vmem>>[vector<16xi32>, vector<16xi32>], vector<16xf32>,
      %gather3A_114 = tpu.vector_load_idx %arg7[%gather3A_110, %add3A_14] : memref<10000x4xf32, #tpu.memory_space<vmem>>[vector<16xi32>, vector<16xi32>], vector<16xf32>,
      %add3A_115 = arith.addf %gather3A_111, %gather3A_113 : vector<16xf32>
      %add3A_116 = arith.addf %gather3A_112, %gather3A_114 : vector<16xf32>
      tpu.vector_store_idx %arg10[%add3A_109, %mul3A_5], %add3A_115 : memref<2000x2xf32, #tpu.memory_space<vmem>>[vector<16xi32>, vector<16xi32>], vector<16xf32>,
      tpu.vector_store_idx %arg10[%add3A_109, %add3A_8], %add3A_116 : memref<2000x2xf32, #tpu.memory_space<vmem>>[vector<16xi32>, vector<16xi32>], vector<16xf32>,
      %mul3A_117 = arith.constant 16 : i32
      %mul3A_118 = arith.muli %scan3A_104, %mul3A_117 : i32
      %get3A = arith.index_cast %mul3A_118 : i32 to index
      %get3A_119 = tpu.vector_load %arg9[%get3A] {strides = array<i32>} : memref<2000xi32, #tpu.memory_space<vmem>>, vector<16xi32>,
      %mul3A_120 = arith.constant 2 : i32
      %mul3A_121 = vector.broadcast %mul3A_120 : i32 to vector<16xi32>
      %mul3A_122 = arith.muli %mul3A_121, %get3A_119 : vector<16xi32>
      %sub3A = arith.constant 1 : i32
      %sub3A_123 = vector.broadcast %sub3A : i32 to vector<16xi32>
      %sub3A_124 = arith.subi %mul3A_122, %sub3A_123 : vector<16xi32>
      %convert_element_type3A = arith.sitofp %sub3A_124 : vector<16xi32> to vector<16xf32>
      %sub3A_125 = arith.subf %add3A_116, %add3A_115 : vector<16xf32>
      %mul3A_126 = arith.mulf %sub3A_125, %convert_element_type3A : vector<16xf32>
      %mul3A_127 = arith.constant 16 : i32
      %mul3A_128 = arith.muli %scan3A_104, %mul3A_127 : i32
      %swap3A = arith.index_cast %mul3A_128 : i32 to index
      %swap3A_129 = tpu.vector_load %arg11[%swap3A] {strides = array<i32>} : memref<2000xf32, #tpu.memory_space<vmem>>, vector<16xf32>,
      tpu.vector_store %arg11[%swap3A], %mul3A_126 {strides = array<i32>} : memref<2000xf32, #tpu.memory_space<vmem>>, vector<16xf32>,
      %scan3A_130 = arith.constant 0 : i32
      scf.yield %scan3A_130 : i32
    }
    %scan3A_85 = arith.constant 125 : i32
    "tpu.region"() ({
      %run_scoped3A = tpu.sem_alloc : memref<!tpu.dma_semaphore, #tpu.memory_space<semaphore_mem>>
      %dma_start3A = arith.constant 0 : i32
      %dma_start3A_104 = tpu.memref_slice %arg5[%add3A_78, %dma_start3A] : memref<640000x2xf32, #tpu.memory_space<hbm>> -> memref<2000x2xf32, #tpu.memory_space<hbm>>
      %dma_start3A_105 = arith.constant 0 : i32
      %dma_start3A_106 = tpu.memref_slice %arg5[%add3A_78, %dma_start3A_105] : memref<640000x2xf32, #tpu.memory_space<hbm>> -> memref<2000x2xf32, #tpu.memory_space<hbm>>
      tpu.enqueue_dma source(%arg10 : memref<2000x2xf32, #tpu.memory_space<vmem>>) target(%dma_start3A_106 : memref<2000x2xf32, #tpu.memory_space<hbm>>) target_semaphore(%run_scoped3A : memref<!tpu.dma_semaphore, #tpu.memory_space<semaphore_mem>>)
      %dma_wait3A = arith.constant 0 : i32
      %dma_wait3A_107 = tpu.memref_slice %arg5[%add3A_78, %dma_wait3A] : memref<640000x2xf32, #tpu.memory_space<hbm>> -> memref<2000x2xf32, #tpu.memory_space<hbm>>
      %dma_wait3A_108 = arith.constant 0 : i32
      %dma_wait3A_109 = tpu.memref_slice %arg5[%add3A_78, %dma_wait3A_108] : memref<640000x2xf32, #tpu.memory_space<hbm>> -> memref<2000x2xf32, #tpu.memory_space<hbm>>
      tpu.wait_dma2 semaphore(%run_scoped3A : memref<!tpu.dma_semaphore, #tpu.memory_space<semaphore_mem>>) src(%arg10 : memref<2000x2xf32, #tpu.memory_space<vmem>>) dst(%dma_wait3A_109 : memref<2000x2xf32, #tpu.memory_space<hbm>>)
      tpu.yield
    }) : () -> ()
    "tpu.region"() ({
      %run_scoped3A = tpu.sem_alloc : memref<!tpu.dma_semaphore, #tpu.memory_space<semaphore_mem>>
      %dma_start3A = tpu.memref_slice %arg6[%add3A_78] : memref<640000xf32, #tpu.memory_space<hbm>> -> memref<2000xf32, #tpu.memory_space<hbm>>
      %dma_start3A_104 = tpu.memref_slice %arg6[%add3A_78] : memref<640000xf32, #tpu.memory_space<hbm>> -> memref<2000xf32, #tpu.memory_space<hbm>>
      tpu.enqueue_dma source(%arg11 : memref<2000xf32, #tpu.memory_space<vmem>>) target(%dma_start3A_104 : memref<2000xf32, #tpu.memory_space<hbm>>) target_semaphore(%run_scoped3A : memref<!tpu.dma_semaphore, #tpu.memory_space<semaphore_mem>>)
      %dma_wait3A = tpu.memref_slice %arg6[%add3A_78] : memref<640000xf32, #tpu.memory_space<hbm>> -> memref<2000xf32, #tpu.memory_space<hbm>>
      %dma_wait3A_105 = tpu.memref_slice %arg6[%add3A_78] : memref<640000xf32, #tpu.memory_space<hbm>> -> memref<2000xf32, #tpu.memory_space<hbm>>
      tpu.wait_dma2 semaphore(%run_scoped3A : memref<!tpu.dma_semaphore, #tpu.memory_space<semaphore_mem>>) src(%arg11 : memref<2000xf32, #tpu.memory_space<vmem>>) dst(%dma_wait3A_105 : memref<2000xf32, #tpu.memory_space<hbm>>)
      tpu.yield
    }) : () -> ()
    %add3A_86 = arith.constant 16000 : i32
    %add3A_87 = arith.addi %mul3A_2, %add3A_86 : i32
    "tpu.region"() ({
      %run_scoped3A = tpu.sem_alloc : memref<!tpu.dma_semaphore, #tpu.memory_space<semaphore_mem>>
      %dma_start3A = arith.constant 0 : i32
      %dma_start3A_104 = tpu.memref_slice %arg2[%add3A_87, %dma_start3A] : memref<640000x2xi32, #tpu.memory_space<hbm>> -> memref<2000x2xi32, #tpu.memory_space<hbm>>
      %dma_start3A_105 = arith.constant 0 : i32
      %dma_start3A_106 = tpu.memref_slice %arg2[%add3A_87, %dma_start3A_105] : memref<640000x2xi32, #tpu.memory_space<hbm>> -> memref<2000x2xi32, #tpu.memory_space<hbm>>
      tpu.enqueue_dma source(%dma_start3A_106 : memref<2000x2xi32, #tpu.memory_space<hbm>>) target(%arg8 : memref<2000x2xi32, #tpu.memory_space<vmem>>) target_semaphore(%run_scoped3A : memref<!tpu.dma_semaphore, #tpu.memory_space<semaphore_mem>>)
      %dma_wait3A = arith.constant 0 : i32
      %dma_wait3A_107 = tpu.memref_slice %arg2[%add3A_87, %dma_wait3A] : memref<640000x2xi32, #tpu.memory_space<hbm>> -> memref<2000x2xi32, #tpu.memory_space<hbm>>
      %dma_wait3A_108 = arith.constant 0 : i32
      %dma_wait3A_109 = tpu.memref_slice %arg2[%add3A_87, %dma_wait3A_108] : memref<640000x2xi32, #tpu.memory_space<hbm>> -> memref<2000x2xi32, #tpu.memory_space<hbm>>
      tpu.wait_dma2 semaphore(%run_scoped3A : memref<!tpu.dma_semaphore, #tpu.memory_space<semaphore_mem>>) src(%dma_wait3A_109 : memref<2000x2xi32, #tpu.memory_space<hbm>>) dst(%arg8 : memref<2000x2xi32, #tpu.memory_space<vmem>>)
      tpu.yield
    }) : () -> ()
    "tpu.region"() ({
      %run_scoped3A = tpu.sem_alloc : memref<!tpu.dma_semaphore, #tpu.memory_space<semaphore_mem>>
      %dma_start3A = tpu.memref_slice %arg3[%add3A_87] : memref<640000xi32, #tpu.memory_space<hbm>> -> memref<2000xi32, #tpu.memory_space<hbm>>
      %dma_start3A_104 = tpu.memref_slice %arg3[%add3A_87] : memref<640000xi32, #tpu.memory_space<hbm>> -> memref<2000xi32, #tpu.memory_space<hbm>>
      tpu.enqueue_dma source(%dma_start3A_104 : memref<2000xi32, #tpu.memory_space<hbm>>) target(%arg9 : memref<2000xi32, #tpu.memory_space<vmem>>) target_semaphore(%run_scoped3A : memref<!tpu.dma_semaphore, #tpu.memory_space<semaphore_mem>>)
      %dma_wait3A = tpu.memref_slice %arg3[%add3A_87] : memref<640000xi32, #tpu.memory_space<hbm>> -> memref<2000xi32, #tpu.memory_space<hbm>>
      %dma_wait3A_105 = tpu.memref_slice %arg3[%add3A_87] : memref<640000xi32, #tpu.memory_space<hbm>> -> memref<2000xi32, #tpu.memory_space<hbm>>
      tpu.wait_dma2 semaphore(%run_scoped3A : memref<!tpu.dma_semaphore, #tpu.memory_space<semaphore_mem>>) src(%dma_wait3A_105 : memref<2000xi32, #tpu.memory_space<hbm>>) dst(%arg9 : memref<2000xi32, #tpu.memory_space<vmem>>)
      tpu.yield
    }) : () -> ()
    %scan3A_88 = arith.constant 0 : i32
    %scan3A_89 = arith.constant 0 : i32
    %scan3A_90 = arith.constant 125 : i32
    %scan3A_91 = arith.addi %scan3A_89, %scan3A_90 : i32
    %scan3A_92 = arith.constant 1 : i32
    %scan3A_93 = scf.for %scan3A_104 = %scan3A_89 to %scan3A_91 step %scan3A_92 iter_args(%scan3A_105 = %scan3A_88) -> (i32)  : i32 {
      %mul3A_106 = arith.constant 16 : i32
      %mul3A_107 = arith.muli %scan3A_104, %mul3A_106 : i32
      %add3A_108 = vector.broadcast %mul3A_107 : i32 to vector<16xi32>
      %add3A_109 = arith.addi %add3A_108, %iota3A : vector<16xi32>
      %gather3A = tpu.vector_load_idx %arg8[%add3A_109, %mul3A_5] : memref<2000x2xi32, #tpu.memory_space<vmem>>[vector<16xi32>, vector<16xi32>], vector<16xi32>,
      %gather3A_110 = tpu.vector_load_idx %arg8[%add3A_109, %add3A_8] : memref<2000x2xi32, #tpu.memory_space<vmem>>[vector<16xi32>, vector<16xi32>], vector<16xi32>,
      %gather3A_111 = tpu.vector_load_idx %arg7[%gather3A, %mul3A_5] : memref<10000x4xf32, #tpu.memory_space<vmem>>[vector<16xi32>, vector<16xi32>], vector<16xf32>,
      %gather3A_112 = tpu.vector_load_idx %arg7[%gather3A, %add3A_8] : memref<10000x4xf32, #tpu.memory_space<vmem>>[vector<16xi32>, vector<16xi32>], vector<16xf32>,
      %gather3A_113 = tpu.vector_load_idx %arg7[%gather3A_110, %add3A_11] : memref<10000x4xf32, #tpu.memory_space<vmem>>[vector<16xi32>, vector<16xi32>], vector<16xf32>,
      %gather3A_114 = tpu.vector_load_idx %arg7[%gather3A_110, %add3A_14] : memref<10000x4xf32, #tpu.memory_space<vmem>>[vector<16xi32>, vector<16xi32>], vector<16xf32>,
      %add3A_115 = arith.addf %gather3A_111, %gather3A_113 : vector<16xf32>
      %add3A_116 = arith.addf %gather3A_112, %gather3A_114 : vector<16xf32>
      tpu.vector_store_idx %arg10[%add3A_109, %mul3A_5], %add3A_115 : memref<2000x2xf32, #tpu.memory_space<vmem>>[vector<16xi32>, vector<16xi32>], vector<16xf32>,
      tpu.vector_store_idx %arg10[%add3A_109, %add3A_8], %add3A_116 : memref<2000x2xf32, #tpu.memory_space<vmem>>[vector<16xi32>, vector<16xi32>], vector<16xf32>,
      %mul3A_117 = arith.constant 16 : i32
      %mul3A_118 = arith.muli %scan3A_104, %mul3A_117 : i32
      %get3A = arith.index_cast %mul3A_118 : i32 to index
      %get3A_119 = tpu.vector_load %arg9[%get3A] {strides = array<i32>} : memref<2000xi32, #tpu.memory_space<vmem>>, vector<16xi32>,
      %mul3A_120 = arith.constant 2 : i32
      %mul3A_121 = vector.broadcast %mul3A_120 : i32 to vector<16xi32>
      %mul3A_122 = arith.muli %mul3A_121, %get3A_119 : vector<16xi32>
      %sub3A = arith.constant 1 : i32
      %sub3A_123 = vector.broadcast %sub3A : i32 to vector<16xi32>
      %sub3A_124 = arith.subi %mul3A_122, %sub3A_123 : vector<16xi32>
      %convert_element_type3A = arith.sitofp %sub3A_124 : vector<16xi32> to vector<16xf32>
      %sub3A_125 = arith.subf %add3A_116, %add3A_115 : vector<16xf32>
      %mul3A_126 = arith.mulf %sub3A_125, %convert_element_type3A : vector<16xf32>
      %mul3A_127 = arith.constant 16 : i32
      %mul3A_128 = arith.muli %scan3A_104, %mul3A_127 : i32
      %swap3A = arith.index_cast %mul3A_128 : i32 to index
      %swap3A_129 = tpu.vector_load %arg11[%swap3A] {strides = array<i32>} : memref<2000xf32, #tpu.memory_space<vmem>>, vector<16xf32>,
      tpu.vector_store %arg11[%swap3A], %mul3A_126 {strides = array<i32>} : memref<2000xf32, #tpu.memory_space<vmem>>, vector<16xf32>,
      %scan3A_130 = arith.constant 0 : i32
      scf.yield %scan3A_130 : i32
    }
    %scan3A_94 = arith.constant 125 : i32
    "tpu.region"() ({
      %run_scoped3A = tpu.sem_alloc : memref<!tpu.dma_semaphore, #tpu.memory_space<semaphore_mem>>
      %dma_start3A = arith.constant 0 : i32
      %dma_start3A_104 = tpu.memref_slice %arg5[%add3A_87, %dma_start3A] : memref<640000x2xf32, #tpu.memory_space<hbm>> -> memref<2000x2xf32, #tpu.memory_space<hbm>>
      %dma_start3A_105 = arith.constant 0 : i32
      %dma_start3A_106 = tpu.memref_slice %arg5[%add3A_87, %dma_start3A_105] : memref<640000x2xf32, #tpu.memory_space<hbm>> -> memref<2000x2xf32, #tpu.memory_space<hbm>>
      tpu.enqueue_dma source(%arg10 : memref<2000x2xf32, #tpu.memory_space<vmem>>) target(%dma_start3A_106 : memref<2000x2xf32, #tpu.memory_space<hbm>>) target_semaphore(%run_scoped3A : memref<!tpu.dma_semaphore, #tpu.memory_space<semaphore_mem>>)
      %dma_wait3A = arith.constant 0 : i32
      %dma_wait3A_107 = tpu.memref_slice %arg5[%add3A_87, %dma_wait3A] : memref<640000x2xf32, #tpu.memory_space<hbm>> -> memref<2000x2xf32, #tpu.memory_space<hbm>>
      %dma_wait3A_108 = arith.constant 0 : i32
      %dma_wait3A_109 = tpu.memref_slice %arg5[%add3A_87, %dma_wait3A_108] : memref<640000x2xf32, #tpu.memory_space<hbm>> -> memref<2000x2xf32, #tpu.memory_space<hbm>>
      tpu.wait_dma2 semaphore(%run_scoped3A : memref<!tpu.dma_semaphore, #tpu.memory_space<semaphore_mem>>) src(%arg10 : memref<2000x2xf32, #tpu.memory_space<vmem>>) dst(%dma_wait3A_109 : memref<2000x2xf32, #tpu.memory_space<hbm>>)
      tpu.yield
    }) : () -> ()
    "tpu.region"() ({
      %run_scoped3A = tpu.sem_alloc : memref<!tpu.dma_semaphore, #tpu.memory_space<semaphore_mem>>
      %dma_start3A = tpu.memref_slice %arg6[%add3A_87] : memref<640000xf32, #tpu.memory_space<hbm>> -> memref<2000xf32, #tpu.memory_space<hbm>>
      %dma_start3A_104 = tpu.memref_slice %arg6[%add3A_87] : memref<640000xf32, #tpu.memory_space<hbm>> -> memref<2000xf32, #tpu.memory_space<hbm>>
      tpu.enqueue_dma source(%arg11 : memref<2000xf32, #tpu.memory_space<vmem>>) target(%dma_start3A_104 : memref<2000xf32, #tpu.memory_space<hbm>>) target_semaphore(%run_scoped3A : memref<!tpu.dma_semaphore, #tpu.memory_space<semaphore_mem>>)
      %dma_wait3A = tpu.memref_slice %arg6[%add3A_87] : memref<640000xf32, #tpu.memory_space<hbm>> -> memref<2000xf32, #tpu.memory_space<hbm>>
      %dma_wait3A_105 = tpu.memref_slice %arg6[%add3A_87] : memref<640000xf32, #tpu.memory_space<hbm>> -> memref<2000xf32, #tpu.memory_space<hbm>>
      tpu.wait_dma2 semaphore(%run_scoped3A : memref<!tpu.dma_semaphore, #tpu.memory_space<semaphore_mem>>) src(%arg11 : memref<2000xf32, #tpu.memory_space<vmem>>) dst(%dma_wait3A_105 : memref<2000xf32, #tpu.memory_space<hbm>>)
      tpu.yield
    }) : () -> ()
    %add3A_95 = arith.constant 18000 : i32
    %add3A_96 = arith.addi %mul3A_2, %add3A_95 : i32
    "tpu.region"() ({
      %run_scoped3A = tpu.sem_alloc : memref<!tpu.dma_semaphore, #tpu.memory_space<semaphore_mem>>
      %dma_start3A = arith.constant 0 : i32
      %dma_start3A_104 = tpu.memref_slice %arg2[%add3A_96, %dma_start3A] : memref<640000x2xi32, #tpu.memory_space<hbm>> -> memref<2000x2xi32, #tpu.memory_space<hbm>>
      %dma_start3A_105 = arith.constant 0 : i32
      %dma_start3A_106 = tpu.memref_slice %arg2[%add3A_96, %dma_start3A_105] : memref<640000x2xi32, #tpu.memory_space<hbm>> -> memref<2000x2xi32, #tpu.memory_space<hbm>>
      tpu.enqueue_dma source(%dma_start3A_106 : memref<2000x2xi32, #tpu.memory_space<hbm>>) target(%arg8 : memref<2000x2xi32, #tpu.memory_space<vmem>>) target_semaphore(%run_scoped3A : memref<!tpu.dma_semaphore, #tpu.memory_space<semaphore_mem>>)
      %dma_wait3A = arith.constant 0 : i32
      %dma_wait3A_107 = tpu.memref_slice %arg2[%add3A_96, %dma_wait3A] : memref<640000x2xi32, #tpu.memory_space<hbm>> -> memref<2000x2xi32, #tpu.memory_space<hbm>>
      %dma_wait3A_108 = arith.constant 0 : i32
      %dma_wait3A_109 = tpu.memref_slice %arg2[%add3A_96, %dma_wait3A_108] : memref<640000x2xi32, #tpu.memory_space<hbm>> -> memref<2000x2xi32, #tpu.memory_space<hbm>>
      tpu.wait_dma2 semaphore(%run_scoped3A : memref<!tpu.dma_semaphore, #tpu.memory_space<semaphore_mem>>) src(%dma_wait3A_109 : memref<2000x2xi32, #tpu.memory_space<hbm>>) dst(%arg8 : memref<2000x2xi32, #tpu.memory_space<vmem>>)
      tpu.yield
    }) : () -> ()
    "tpu.region"() ({
      %run_scoped3A = tpu.sem_alloc : memref<!tpu.dma_semaphore, #tpu.memory_space<semaphore_mem>>
      %dma_start3A = tpu.memref_slice %arg3[%add3A_96] : memref<640000xi32, #tpu.memory_space<hbm>> -> memref<2000xi32, #tpu.memory_space<hbm>>
      %dma_start3A_104 = tpu.memref_slice %arg3[%add3A_96] : memref<640000xi32, #tpu.memory_space<hbm>> -> memref<2000xi32, #tpu.memory_space<hbm>>
      tpu.enqueue_dma source(%dma_start3A_104 : memref<2000xi32, #tpu.memory_space<hbm>>) target(%arg9 : memref<2000xi32, #tpu.memory_space<vmem>>) target_semaphore(%run_scoped3A : memref<!tpu.dma_semaphore, #tpu.memory_space<semaphore_mem>>)
      %dma_wait3A = tpu.memref_slice %arg3[%add3A_96] : memref<640000xi32, #tpu.memory_space<hbm>> -> memref<2000xi32, #tpu.memory_space<hbm>>
      %dma_wait3A_105 = tpu.memref_slice %arg3[%add3A_96] : memref<640000xi32, #tpu.memory_space<hbm>> -> memref<2000xi32, #tpu.memory_space<hbm>>
      tpu.wait_dma2 semaphore(%run_scoped3A : memref<!tpu.dma_semaphore, #tpu.memory_space<semaphore_mem>>) src(%dma_wait3A_105 : memref<2000xi32, #tpu.memory_space<hbm>>) dst(%arg9 : memref<2000xi32, #tpu.memory_space<vmem>>)
      tpu.yield
    }) : () -> ()
    %scan3A_97 = arith.constant 0 : i32
    %scan3A_98 = arith.constant 0 : i32
    %scan3A_99 = arith.constant 125 : i32
    %scan3A_100 = arith.addi %scan3A_98, %scan3A_99 : i32
    %scan3A_101 = arith.constant 1 : i32
    %scan3A_102 = scf.for %scan3A_104 = %scan3A_98 to %scan3A_100 step %scan3A_101 iter_args(%scan3A_105 = %scan3A_97) -> (i32)  : i32 {
      %mul3A_106 = arith.constant 16 : i32
      %mul3A_107 = arith.muli %scan3A_104, %mul3A_106 : i32
      %add3A_108 = vector.broadcast %mul3A_107 : i32 to vector<16xi32>
      %add3A_109 = arith.addi %add3A_108, %iota3A : vector<16xi32>
      %gather3A = tpu.vector_load_idx %arg8[%add3A_109, %mul3A_5] : memref<2000x2xi32, #tpu.memory_space<vmem>>[vector<16xi32>, vector<16xi32>], vector<16xi32>,
      %gather3A_110 = tpu.vector_load_idx %arg8[%add3A_109, %add3A_8] : memref<2000x2xi32, #tpu.memory_space<vmem>>[vector<16xi32>, vector<16xi32>], vector<16xi32>,
      %gather3A_111 = tpu.vector_load_idx %arg7[%gather3A, %mul3A_5] : memref<10000x4xf32, #tpu.memory_space<vmem>>[vector<16xi32>, vector<16xi32>], vector<16xf32>,
      %gather3A_112 = tpu.vector_load_idx %arg7[%gather3A, %add3A_8] : memref<10000x4xf32, #tpu.memory_space<vmem>>[vector<16xi32>, vector<16xi32>], vector<16xf32>,
      %gather3A_113 = tpu.vector_load_idx %arg7[%gather3A_110, %add3A_11] : memref<10000x4xf32, #tpu.memory_space<vmem>>[vector<16xi32>, vector<16xi32>], vector<16xf32>,
      %gather3A_114 = tpu.vector_load_idx %arg7[%gather3A_110, %add3A_14] : memref<10000x4xf32, #tpu.memory_space<vmem>>[vector<16xi32>, vector<16xi32>], vector<16xf32>,
      %add3A_115 = arith.addf %gather3A_111, %gather3A_113 : vector<16xf32>
      %add3A_116 = arith.addf %gather3A_112, %gather3A_114 : vector<16xf32>
      tpu.vector_store_idx %arg10[%add3A_109, %mul3A_5], %add3A_115 : memref<2000x2xf32, #tpu.memory_space<vmem>>[vector<16xi32>, vector<16xi32>], vector<16xf32>,
      tpu.vector_store_idx %arg10[%add3A_109, %add3A_8], %add3A_116 : memref<2000x2xf32, #tpu.memory_space<vmem>>[vector<16xi32>, vector<16xi32>], vector<16xf32>,
      %mul3A_117 = arith.constant 16 : i32
      %mul3A_118 = arith.muli %scan3A_104, %mul3A_117 : i32
      %get3A = arith.index_cast %mul3A_118 : i32 to index
      %get3A_119 = tpu.vector_load %arg9[%get3A] {strides = array<i32>} : memref<2000xi32, #tpu.memory_space<vmem>>, vector<16xi32>,
      %mul3A_120 = arith.constant 2 : i32
      %mul3A_121 = vector.broadcast %mul3A_120 : i32 to vector<16xi32>
      %mul3A_122 = arith.muli %mul3A_121, %get3A_119 : vector<16xi32>
      %sub3A = arith.constant 1 : i32
      %sub3A_123 = vector.broadcast %sub3A : i32 to vector<16xi32>
      %sub3A_124 = arith.subi %mul3A_122, %sub3A_123 : vector<16xi32>
      %convert_element_type3A = arith.sitofp %sub3A_124 : vector<16xi32> to vector<16xf32>
      %sub3A_125 = arith.subf %add3A_116, %add3A_115 : vector<16xf32>
      %mul3A_126 = arith.mulf %sub3A_125, %convert_element_type3A : vector<16xf32>
      %mul3A_127 = arith.constant 16 : i32
      %mul3A_128 = arith.muli %scan3A_104, %mul3A_127 : i32
      %swap3A = arith.index_cast %mul3A_128 : i32 to index
      %swap3A_129 = tpu.vector_load %arg11[%swap3A] {strides = array<i32>} : memref<2000xf32, #tpu.memory_space<vmem>>, vector<16xf32>,
      tpu.vector_store %arg11[%swap3A], %mul3A_126 {strides = array<i32>} : memref<2000xf32, #tpu.memory_space<vmem>>, vector<16xf32>,
      %scan3A_130 = arith.constant 0 : i32
      scf.yield %scan3A_130 : i32
    }
    %scan3A_103 = arith.constant 125 : i32
    "tpu.region"() ({
      %run_scoped3A = tpu.sem_alloc : memref<!tpu.dma_semaphore, #tpu.memory_space<semaphore_mem>>
      %dma_start3A = arith.constant 0 : i32
      %dma_start3A_104 = tpu.memref_slice %arg5[%add3A_96, %dma_start3A] : memref<640000x2xf32, #tpu.memory_space<hbm>> -> memref<2000x2xf32, #tpu.memory_space<hbm>>
      %dma_start3A_105 = arith.constant 0 : i32
      %dma_start3A_106 = tpu.memref_slice %arg5[%add3A_96, %dma_start3A_105] : memref<640000x2xf32, #tpu.memory_space<hbm>> -> memref<2000x2xf32, #tpu.memory_space<hbm>>
      tpu.enqueue_dma source(%arg10 : memref<2000x2xf32, #tpu.memory_space<vmem>>) target(%dma_start3A_106 : memref<2000x2xf32, #tpu.memory_space<hbm>>) target_semaphore(%run_scoped3A : memref<!tpu.dma_semaphore, #tpu.memory_space<semaphore_mem>>)
      %dma_wait3A = arith.constant 0 : i32
      %dma_wait3A_107 = tpu.memref_slice %arg5[%add3A_96, %dma_wait3A] : memref<640000x2xf32, #tpu.memory_space<hbm>> -> memref<2000x2xf32, #tpu.memory_space<hbm>>
      %dma_wait3A_108 = arith.constant 0 : i32
      %dma_wait3A_109 = tpu.memref_slice %arg5[%add3A_96, %dma_wait3A_108] : memref<640000x2xf32, #tpu.memory_space<hbm>> -> memref<2000x2xf32, #tpu.memory_space<hbm>>
      tpu.wait_dma2 semaphore(%run_scoped3A : memref<!tpu.dma_semaphore, #tpu.memory_space<semaphore_mem>>) src(%arg10 : memref<2000x2xf32, #tpu.memory_space<vmem>>) dst(%dma_wait3A_109 : memref<2000x2xf32, #tpu.memory_space<hbm>>)
      tpu.yield
    }) : () -> ()
    "tpu.region"() ({
      %run_scoped3A = tpu.sem_alloc : memref<!tpu.dma_semaphore, #tpu.memory_space<semaphore_mem>>
      %dma_start3A = tpu.memref_slice %arg6[%add3A_96] : memref<640000xf32, #tpu.memory_space<hbm>> -> memref<2000xf32, #tpu.memory_space<hbm>>
      %dma_start3A_104 = tpu.memref_slice %arg6[%add3A_96] : memref<640000xf32, #tpu.memory_space<hbm>> -> memref<2000xf32, #tpu.memory_space<hbm>>
      tpu.enqueue_dma source(%arg11 : memref<2000xf32, #tpu.memory_space<vmem>>) target(%dma_start3A_104 : memref<2000xf32, #tpu.memory_space<hbm>>) target_semaphore(%run_scoped3A : memref<!tpu.dma_semaphore, #tpu.memory_space<semaphore_mem>>)
      %dma_wait3A = tpu.memref_slice %arg6[%add3A_96] : memref<640000xf32, #tpu.memory_space<hbm>> -> memref<2000xf32, #tpu.memory_space<hbm>>
      %dma_wait3A_105 = tpu.memref_slice %arg6[%add3A_96] : memref<640000xf32, #tpu.memory_space<hbm>> -> memref<2000xf32, #tpu.memory_space<hbm>>
      tpu.wait_dma2 semaphore(%run_scoped3A : memref<!tpu.dma_semaphore, #tpu.memory_space<semaphore_mem>>) src(%arg11 : memref<2000xf32, #tpu.memory_space<vmem>>) dst(%dma_wait3A_105 : memref<2000xf32, #tpu.memory_space<hbm>>)
      tpu.yield
    }) : () -> ()
    return
  }
}

module attributes {stable_mosaic.version = 14 : i64} {
  func.func @_dense_body(%arg0: i32, %arg1: memref<1000x768xf32, #tpu.memory_space<vmem>>, %arg2: memref<768x64xf32, #tpu.memory_space<vmem>>, %arg3: memref<1x64xf32, #tpu.memory_space<vmem>>, %arg4: memref<64x64xf32, #tpu.memory_space<vmem>>, %arg5: memref<1x64xf32, #tpu.memory_space<vmem>>, %arg6: memref<64x4xf32, #tpu.memory_space<vmem>>, %arg7: memref<1x4xf32, #tpu.memory_space<vmem>>, %arg8: memref<1000x4xf32, #tpu.memory_space<vmem>>) attributes {dimension_semantics = [#tpu.dimension_semantics<arbitrary>], iteration_bounds = array<i64: 10>, scalar_prefetch = 0 : i64, scratch_operands = 0 : i64, tpu.core_type = #tpu.core_type<tc>, window_params = [{transform_indices = @transform_0, window_bounds = array<i64: 1000, 768>}, {pipeline_mode = #tpu.pipeline_mode<synchronous>, transform_indices = @transform_1, window_bounds = array<i64: 768, 64>}, {pipeline_mode = #tpu.pipeline_mode<synchronous>, transform_indices = @transform_2, window_bounds = array<i64: 1, 64>}, {pipeline_mode = #tpu.pipeline_mode<synchronous>, transform_indices = @transform_3, window_bounds = array<i64: 64, 64>}, {pipeline_mode = #tpu.pipeline_mode<synchronous>, transform_indices = @transform_4, window_bounds = array<i64: 1, 64>}, {pipeline_mode = #tpu.pipeline_mode<synchronous>, transform_indices = @transform_5, window_bounds = array<i64: 64, 4>}, {pipeline_mode = #tpu.pipeline_mode<synchronous>, transform_indices = @transform_6, window_bounds = array<i64: 1, 4>}, {transform_indices = @transform_7, window_bounds = array<i64: 1000, 4>}]} {
    %get3A = arith.constant 0 : index
    %get3A_0 = arith.constant 0 : index
    %get3A_1 = vector.load %arg1[%get3A, %get3A_0] : memref<1000x768xf32, #tpu.memory_space<vmem>>, vector<1000x768xf32>
    %get3A_2 = arith.constant 0 : index
    %get3A_3 = arith.constant 0 : index
    %get3A_4 = vector.load %arg2[%get3A_2, %get3A_3] : memref<768x64xf32, #tpu.memory_space<vmem>>, vector<768x64xf32>
    %dot_general3A = arith.constant dense<0.000000e+00> : vector<1000x64xf32>
    %dot_general3A_5 = tpu.matmul %get3A_1, %get3A_4, %dot_general3A {dimension_numbers = #tpu.dot_dimension_numbers<[1], [0], [0], [1], [0, 0, 1, 1], [], []>, transpose_lhs_hint = false} : vector<1000x768xf32>, vector<768x64xf32>, vector<1000x64xf32> -> vector<1000x64xf32>
    %get3A_6 = arith.constant 0 : index
    %get3A_7 = arith.constant 0 : index
    %get3A_8 = vector.load %arg3[%get3A_6, %get3A_7] : memref<1x64xf32, #tpu.memory_space<vmem>>, vector<1x64xf32>
    %add3A = vector.broadcast %get3A_8 : vector<1x64xf32> to vector<1000x64xf32>
    %add3A_9 = arith.addf %dot_general3A_5, %add3A : vector<1000x64xf32>
    %max3A = arith.constant 0.000000e+00 : f32
    %max3A_10 = vector.broadcast %max3A : f32 to vector<1000x64xf32>
    %max3A_11 = arith.maximumf %add3A_9, %max3A_10 : vector<1000x64xf32>
    %get3A_12 = arith.constant 0 : index
    %get3A_13 = arith.constant 0 : index
    %get3A_14 = vector.load %arg4[%get3A_12, %get3A_13] : memref<64x64xf32, #tpu.memory_space<vmem>>, vector<64x64xf32>
    %dot_general3A_15 = arith.constant dense<0.000000e+00> : vector<1000x64xf32>
    %dot_general3A_16 = tpu.matmul %max3A_11, %get3A_14, %dot_general3A_15 {dimension_numbers = #tpu.dot_dimension_numbers<[1], [0], [0], [1], [0, 0, 1, 1], [], []>, transpose_lhs_hint = false} : vector<1000x64xf32>, vector<64x64xf32>, vector<1000x64xf32> -> vector<1000x64xf32>
    %get3A_17 = arith.constant 0 : index
    %get3A_18 = arith.constant 0 : index
    %get3A_19 = vector.load %arg5[%get3A_17, %get3A_18] : memref<1x64xf32, #tpu.memory_space<vmem>>, vector<1x64xf32>
    %add3A_20 = vector.broadcast %get3A_19 : vector<1x64xf32> to vector<1000x64xf32>
    %add3A_21 = arith.addf %dot_general3A_16, %add3A_20 : vector<1000x64xf32>
    %max3A_22 = arith.constant 0.000000e+00 : f32
    %max3A_23 = vector.broadcast %max3A_22 : f32 to vector<1000x64xf32>
    %max3A_24 = arith.maximumf %add3A_21, %max3A_23 : vector<1000x64xf32>
    %get3A_25 = arith.constant 0 : index
    %get3A_26 = arith.constant 0 : index
    %get3A_27 = vector.load %arg6[%get3A_25, %get3A_26] : memref<64x4xf32, #tpu.memory_space<vmem>>, vector<64x4xf32>
    %dot_general3A_28 = arith.constant dense<0.000000e+00> : vector<1000x4xf32>
    %dot_general3A_29 = tpu.matmul %max3A_24, %get3A_27, %dot_general3A_28 {dimension_numbers = #tpu.dot_dimension_numbers<[1], [0], [0], [1], [0, 0, 1, 1], [], []>, transpose_lhs_hint = false} : vector<1000x64xf32>, vector<64x4xf32>, vector<1000x4xf32> -> vector<1000x4xf32>
    %get3A_30 = arith.constant 0 : index
    %get3A_31 = arith.constant 0 : index
    %get3A_32 = vector.load %arg7[%get3A_30, %get3A_31] : memref<1x4xf32, #tpu.memory_space<vmem>>, vector<1x4xf32>
    %add3A_33 = vector.broadcast %get3A_32 : vector<1x4xf32> to vector<1000x4xf32>
    %add3A_34 = arith.addf %dot_general3A_29, %add3A_33 : vector<1000x4xf32>
    %swap3A = arith.constant 0 : index
    %swap3A_35 = arith.constant 0 : index
    %swap3A_36 = vector.load %arg8[%swap3A, %swap3A_35] : memref<1000x4xf32, #tpu.memory_space<vmem>>, vector<1000x4xf32>
    tpu.vector_store %arg8[%swap3A, %swap3A_35], %add3A_34 {strides = array<i32>} : memref<1000x4xf32, #tpu.memory_space<vmem>>, vector<1000x4xf32>,
    return
  }
  func.func @transform_0(%arg0: i32) -> (i32, i32) {
    %c0_i32 = arith.constant 0 : i32
    %c0_i32_0 = arith.constant 0 : i32
    return %arg0, %c0_i32 : i32, i32
  }
  func.func @transform_1(%arg0: i32) -> (i32, i32) {
    %c0_i32 = arith.constant 0 : i32
    %c0_i32_0 = arith.constant 0 : i32
    %c0_i32_1 = arith.constant 0 : i32
    return %c0_i32, %c0_i32_0 : i32, i32
  }
  func.func @transform_2(%arg0: i32) -> (i32, i32) {
    %c0_i32 = arith.constant 0 : i32
    %c0_i32_0 = arith.constant 0 : i32
    %c0_i32_1 = arith.constant 0 : i32
    return %c0_i32, %c0_i32_0 : i32, i32
  }
  func.func @transform_3(%arg0: i32) -> (i32, i32) {
    %c0_i32 = arith.constant 0 : i32
    %c0_i32_0 = arith.constant 0 : i32
    %c0_i32_1 = arith.constant 0 : i32
    return %c0_i32, %c0_i32_0 : i32, i32
  }
  func.func @transform_4(%arg0: i32) -> (i32, i32) {
    %c0_i32 = arith.constant 0 : i32
    %c0_i32_0 = arith.constant 0 : i32
    %c0_i32_1 = arith.constant 0 : i32
    return %c0_i32, %c0_i32_0 : i32, i32
  }
  func.func @transform_5(%arg0: i32) -> (i32, i32) {
    %c0_i32 = arith.constant 0 : i32
    %c0_i32_0 = arith.constant 0 : i32
    %c0_i32_1 = arith.constant 0 : i32
    return %c0_i32, %c0_i32_0 : i32, i32
  }
  func.func @transform_6(%arg0: i32) -> (i32, i32) {
    %c0_i32 = arith.constant 0 : i32
    %c0_i32_0 = arith.constant 0 : i32
    %c0_i32_1 = arith.constant 0 : i32
    return %c0_i32, %c0_i32_0 : i32, i32
  }
  func.func @transform_7(%arg0: i32) -> (i32, i32) {
    %c0_i32 = arith.constant 0 : i32
    %c0_i32_0 = arith.constant 0 : i32
    return %arg0, %c0_i32 : i32, i32
  }
}

module attributes {stable_mosaic.version = 14 : i64} {
  func.func @_loss_body(%arg0: memref<5000x128xf32, #tpu.memory_space<vmem>>, %arg1: memref<1x1xf32, #tpu.memory_space<smem>>) attributes {dimension_semantics = [], scalar_prefetch = 0 : i64, scratch_operands = 0 : i64, tpu.core_type = #tpu.core_type<tc>} {
    %get3A = arith.constant 0 : index
    %get3A_0 = arith.constant 0 : index
    %get3A_1 = vector.load %arg0[%get3A, %get3A_0] : memref<5000x128xf32, #tpu.memory_space<vmem>>, vector<5000x128xf32>
    %neg3A = arith.constant 0.000000e+00 : f32
    %neg3A_2 = vector.broadcast %neg3A : f32 to vector<5000x128xf32>
    %neg3A_3 = arith.subf %neg3A_2, %get3A_1 : vector<5000x128xf32>
    %max3A = arith.constant 0.000000e+00 : f32
    %max3A_4 = vector.broadcast %max3A : f32 to vector<5000x128xf32>
    %max3A_5 = arith.maximumf %neg3A_3, %max3A_4 : vector<5000x128xf32>
    %abs3A = math.absf %neg3A_3 : vector<5000x128xf32>
    %neg3A_6 = arith.constant 0.000000e+00 : f32
    %neg3A_7 = vector.broadcast %neg3A_6 : f32 to vector<5000x128xf32>
    %neg3A_8 = arith.subf %neg3A_7, %abs3A : vector<5000x128xf32>
    %exp3A = math.exp %neg3A_8 : vector<5000x128xf32>
    %log1p3A = math.log1p %exp3A : vector<5000x128xf32>
    %add3A = arith.addf %max3A_5, %log1p3A : vector<5000x128xf32>
    %reduce_sum3A = vector.shape_cast %add3A : vector<5000x128xf32> to vector<1x5000x128xf32>
    %reduce_sum3A_9 = arith.constant dense<0.000000e+00> : vector<1xf32>
    %reduce_sum3A_10 = vector.multi_reduction <add>, %reduce_sum3A, %reduce_sum3A_9 [1, 2] : vector<1x5000x128xf32> to vector<1xf32>
    %reduce_sum3A_11 = vector.shape_cast %reduce_sum3A_10 : vector<1xf32> to vector<1x1x1xf32>
    %reduce_sum3A_12 = vector.extract %reduce_sum3A_11[0, 0, 0] : f32 from vector<1x1x1xf32>
    %div3A = arith.constant 6.400000e+05 : f32
    %div3A_13 = arith.divf %reduce_sum3A_12, %div3A : f32
    %swap3A = arith.constant 0 : index
    %swap3A_14 = arith.constant 0 : index
    %swap3A_15 = memref.load %arg1[%swap3A, %swap3A_14] : memref<1x1xf32, #tpu.memory_space<smem>>
    memref.store %div3A_13, %arg1[%swap3A, %swap3A_14] : memref<1x1xf32, #tpu.memory_space<smem>>
    return
  }
}

</mosaic_0001>

<sc_bundles>
// kernel: kernel.5.cloned.1.call-start
scs
__scs_entry_jumppad:
0x0: {  	(pc) =	sbr.rel $0x88, $3  }
0x1: {  	(tag) =	ssettag $0x0;
	lr =	simm.s32 $0x1  }
0x2: {  	[smem:$0x3F98] =	sst lr;
	_ =	strace $0xD0000000  }
0x3: {  	_ = 	snop  }
0x4: {  	_ = 	snop  }
0x5: {  	_ = 	snop  }
0x6: {  	_ = 	snop  }
0x7: {  	_ = 	snop  }
__scs_overlays_trampoline_lowered:
0x8: {  	[smem:$0x3FA7] =	sst s0  }
0x9: {  	[smem:$0x3FA8] =	sst s1  }
0xa: {  	[smem:$0x3FA9] =	sst s2  }
0xb: {  	[smem:$0x3FAA] =	sst s3  }
0xc: {  	[smem:$0x3FAB] =	sst s4  }
0xd: {  	[smem:$0x3FAC] =	sst s5  }
0xe: {  	[smem:$0x3FAD] =	sst s6  }
0xf: {  	[smem:$0x3FAE] =	sst s7  }
0x10: {  	[smem:$0x3FAF] =	sst s8  }
0x11: {  	[smem:$0x3FB0] =	sst s9;
	s0 =	simm.s32 @!p0 $0x0  }
0x12: {  	s1 =	sld [smem:$0x3F96];
	s0 =	simm.s32 @p0 $0x1  }
0x13: {  	[smem:$0x3FB1] =	sst s0;
	s0 =	simm.s32 @!p1 $0x0  }
0x14: {  	s2 =	sld [smem:$0x3F95];
	s0 =	simm.s32 @p1 $0x1  }
0x15: {  	[smem:$0x3FB2] =	sst s0;
	s0 =	simm.s32 @!p2 $0x0  }
0x16: {  	s3 =	sld [smem:$0x3FDB];
	s0 =	simm.s32 @p2 $0x1  }
0x17: {  	s4 =	simm.s32 $0x1BF5;
	[smem:$0x3FB4] =	sst s0  }
0x18: {  	s0 =	sld [smem:$0x3F97];
	_ =	swait.ge [sflag:s4], $0x0  }
0x19: {  	s7 =	sld [smem:$0x3F98]  }
0x1a: {  	s8 =	sadd.s32 $0xFFFFE003, lr  }
0x1b: {  	s9 =	sadd.s32 $0xFFFFFEF7, lr;
	s5 =	simm.s32 $0xFFFFFFFF;
	p2 =	slt.u32 s8, $0xFFFFF086  }
0x1c: {  	p1 =	slt.u32 s9, $0xF7A;
	s5 =	simm.s32 @!p2 $0x0  }
0x1d: {  	s5 =	simm.s32 @p1 $0x1;
	p0 =	seq.s32 s7, s2  }
0x1e: {  	s7 =	smul.u32 @!p0 $0xF7A, s2;
	p2 =	seq.s32 @!p0 s5, $0x0  }
0x1f: {  	s9 =	smul.u32 $0xF7A, s1;
	s8 =	simm.s32 @!p0 $0x1BF5;
	p2 =	por !p2, p0  }
0x20: {  	[sflag:s8] =	ssyncset.s32 @!p0 $0xFFFFF086;
	s6 =	sadd.s32 @!p0 s3, s7;
	s7 =	simm.s32 @!p0 $0x108  }
0x21: {  	s3 =	sadd.s32 s3, s9;
	s6 =	sadd.s32 @!p0 $0x88, s6;
	s7 =	simm.s32 @p2 $0x1082  }
0x22: {  	[simem:s7], [sflag:s8] =	dma.local @!p0 [hbm:s6], $0xF7A  }
0x23: {  	s9 =	sor.u32 $0xD0000000, s2;
	s6 =	simm.s32 $0x108;
	_ =	swait.ge @!p0 [sflag:s8], $0x0  }
0x24: {  	s3 =	sadd.s32 $0x88, s3;
	s6 =	simm.s32 @!p1 $0x1082;
	[sflag:s4] =	ssyncset.s32 $0xFFFFF086  }
0x25: {  	[simem:s6], [sflag:s4] =	dma.local [hbm:s3], $0xF7A  }
0x26: {  	[smem:$0x3F98] =	sst s1;
	(tag) =	ssettag s2;
	_ =	strace s9  }
0x27: {  	s1 =	sld [smem:$0x3FA8]  }
0x28: {  	s2 =	sld [smem:$0x3FA9]  }
0x29: {  	s4 =	sld [smem:$0x3FAB]  }
0x2a: {  	p0 =	seq.s32 s5, $0x0;
	s5 =	sld [smem:$0x3FAC]  }
0x2b: {  	s6 =	sld [smem:$0x3FAD]  }
0x2c: {  	s7 =	sld [smem:$0x3FAE]  }
0x2d: {  	s3 =	simm.s32 $0x108;
	s8 =	sld [smem:$0x3FAF]  }
0x2e: {  	s3 =	simm.s32 @!p0 $0x1082;
	s9 =	sld [smem:$0x3FB0]  }
0x2f: {  	lr =	sadd.s32 s0, s3;
	s0 =	sld [smem:$0x3FA7]  }
0x30: {  	s3 =	sld [smem:$0x3FAA]  }
0x31: {  	[smem:$0x3FB3] =	sst s10  }
0x32: {  	s10 =	sld [smem:$0x3FB1];
	_ =	sdelay $0x3  }
0x33: {  	p0 =	seq.s32 s10, $0x1;
	s10 =	sld [smem:$0x3FB3];
	_ =	sdelay $0x3  }
0x34: {  	[smem:$0x3FB3] =	sst s10  }
0x35: {  	s10 =	sld [smem:$0x3FB2];
	_ =	sdelay $0x3  }
0x36: {  	p1 =	seq.s32 s10, $0x1;
	s10 =	sld [smem:$0x3FB3];
	_ =	sdelay $0x3  }
0x37: {  	[smem:$0x3FB3] =	sst s10  }
0x38: {  	s10 =	sld [smem:$0x3FB4]  }
0x39: {  	_ = 	snop;
	(pc) =	sbr.ind lr, $3  }
0x3a: {  	_ = 	snop  }
0x3b: {  	_ = 	snop  }
0x3c: {  	p2 =	seq.s32 s10, $0x1;
	s10 =	sld [smem:$0x3FB3]  }
0x3d: {  	_ =	shalt  }
0x3e: {  	_ =	shalt  }
0x3f: {  	_ =	shalt  }
0x40: {  	_ =	shalt  }
0x41: {  	_ =	shalt  }
0x42: {  	_ =	shalt  }
0x43: {  	_ =	shalt  }
0x44: {  	_ =	shalt  }
0x45: {  	_ =	shalt  }
0x46: {  	_ =	shalt  }
0x47: {  	_ =	shalt  }
0x48: {  	_ =	shalt  }
0x49: {  	_ =	shalt  }
0x4a: {  	_ =	shalt  }
0x4b: {  	_ =	shalt  }
0x4c: {  	_ =	shalt  }
0x4d: {  	_ =	shalt  }
0x4e: {  	_ =	shalt  }
0x4f: {  	_ =	shalt  }
0x50: {  	_ =	shalt  }
0x51: {  	_ =	shalt  }
0x52: {  	_ =	shalt  }
0x53: {  	_ =	shalt  }
0x54: {  	_ =	shalt  }
0x55: {  	_ =	shalt  }
0x56: {  	_ =	shalt  }
0x57: {  	_ =	shalt  }
0x58: {  	_ =	shalt  }
0x59: {  	_ =	shalt  }
0x5a: {  	_ =	shalt  }
0x5b: {  	_ =	shalt  }
0x5c: {  	_ =	shalt  }
0x5d: {  	_ =	shalt  }
0x5e: {  	_ =	shalt  }
0x5f: {  	_ =	shalt  }
0x60: {  	_ =	shalt  }
0x61: {  	_ =	shalt  }
0x62: {  	_ =	shalt  }
0x63: {  	_ =	shalt  }
0x64: {  	_ =	shalt  }
0x65: {  	_ =	shalt  }
0x66: {  	_ =	shalt  }
0x67: {  	_ =	shalt  }
0x68: {  	_ =	shalt  }
0x69: {  	_ =	shalt  }
0x6a: {  	_ =	shalt  }
0x6b: {  	_ =	shalt  }
0x6c: {  	_ =	shalt  }
0x6d: {  	_ =	shalt  }
0x6e: {  	_ =	shalt  }
0x6f: {  	_ =	shalt  }
0x70: {  	_ =	shalt  }
0x71: {  	_ =	shalt  }
0x72: {  	_ =	shalt  }
0x73: {  	_ =	shalt  }
0x74: {  	_ =	shalt  }
0x75: {  	_ =	shalt  }
0x76: {  	_ =	shalt  }
0x77: {  	_ =	shalt  }
0x78: {  	_ =	shalt  }
0x79: {  	_ =	shalt  }
0x7a: {  	_ =	shalt  }
0x7b: {  	_ =	shalt  }
0x7c: {  	_ =	shalt  }
0x7d: {  	_ =	shalt  }
0x7e: {  	_ =	shalt  }
0x7f: {  	_ =	shalt  }
0x80: {  	_ =	shalt  }
0x81: {  	_ =	shalt  }
0x82: {  	_ =	shalt  }
0x83: {  	_ =	shalt  }
0x84: {  	_ =	shalt  }
0x85: {  	_ =	shalt  }
0x86: {  	_ =	shalt  }
0x87: {  	_ =	shalt  }
.Lfunc_end0:
.L_simem_size_0:
called_computation_lowered:
.L_overlay_start_0:
0x88: {  	s2 =	sld [smem:$0x3FD9]  }
0x89: {  	s3 =	sld [smem:$0x3FFE];
	_ =	sdelay $0x1  }
0x8a: {  	s1 =	srdreg.scid  }
0x8b: {  	s0 =	sand.u32 $0x1, s1  }
0x8c: {  	s14 =	sshll.u32 s0, $0xA;
	s2 =	sadd.s32 s3, s2  }
0x8d: {  	s2 =	sadd.s32 s2, s14  }
0x8e: {  	[smem:$0x3FBF] =	sst s2  }
0x8f: {  	_ = 	snop  }
0x90: {  	s2 =	sld [smem:$0x3FD0];
	_ =	sdelay $0x2  }
0x91: {  	s4 =	simm.s32 $0xA;
	s5 =	simm.s32 $0x10;
	s15 =	sld [smem:$0x3FC7]  }
0x92: {  	[smem:s5], [sflag:s4] =	dma.local [hbm:s2], $0x1  }
0x93: {  	_ =	swait.eq [sflag:s4], $0x1  }
0x94: {  	[sflag:s4] =	ssyncset.done $0x0  }
0x95: {  	[sflag:s4] =	ssyncadd.s32 $0xFFFFFFFF  }
0x96: {  	s16 =	sld [smem:$0x11];
	(tm) =	ssettm $0x1  }
0x97: {  	s17 =	sld [smem:$0x3FFB];
	_ =	sdelay $0x3  }
0x98: {  	_ =	strace s17  }
0x99: {  	s4 =	sld [smem:$0x3FFC];
	_ =	sdelay $0x3  }
0x9a: {  	_ =	strace s4  }
0x9b: {  	s4 =	sld [smem:$0x3FFD];
	_ =	sdelay $0x3  }
0x9c: {  	_ =	strace s4  }
0x9d: {  	_ =	strace $0x8FFFFFFF  }
0x9e: {  	s18 =	sld [smem:$0x3FDB];
	_ =	sdelay $0x1  }
0x9f: {  	s19 =	simm.s32 $_scs_section_size  }
0xa0: {  	s6 =	simm.s32 $_size__tile_overlayer_lowered;
	s7 =	simm.s32 $_tile_overlayer_lowered  }
0xa1: {  	s22 =	simm.s32 $0x1BFF;
	s21 =	sshll.u32 s7, $0x1;
	s4 =	sadd.s32 s19, s18  }
0xa2: {  	s8 =	simm.s32 $0x0;
	s20 =	sshll.u32 s6, $0x1;
	s6 =	sadd.s32 s21, s4  }
0xa3: {  	[timem:s8], [sflag:s22] =	dma.local [hbm:s6], s20  }
0xa4: {  	_ =	swait.ge [sflag:s22], s20  }
0xa5: {  	s5 =	ssub.s32 $0x0, s20;
	[sflag:s22] =	ssyncset.done $0x0  }
0xa6: {  	[sflag:s22] =	ssyncadd.s32 s5;
	_ =	sdelay $0x1  }
0xa7: {  	s23 =	simm.s32 $0x1B8B  }
0xa8: {  	_ =	swait.ge [sflag:s23], $0x1  }
0xa9: {  	[sflag:s23] =	ssyncset.done $0x0  }
0xaa: {  	s25 =	simm.s32 $0x1B8E;
	s24 =	sld [smem:$0x3FFE];
	[sflag:s23] =	ssyncadd.s32 $0xFFFFFFFF  }
0xab: {  	s26 =	simm.s32 $execute0_lowered;
	[smem:$0x3FD2] =	sst s25  }
0xac: {  	s6 =	sshll.u32 s26, $0x1;
	_ =	strace $0x80000046;
	[dreg:$0x1] =	wrdreg $0xFFFFFFFF  }
0xad: {  	s28 =	simm.s32 $_size_execute0_lowered;
	s4 =	sadd.s32 s4, s6;
	[dreg:$0x0] =	wrdreg $0x0  }
0xae: {  	s6 =	sshll.u32 s28, $0x1;
	[dreg:$0x2] =	wrdreg s4  }
0xaf: {  	[dreg:$0x3] =	wrdreg s6  }
0xb0: {  	[dreg:$0x4] =	wrdreg $0xC0  }
0xb1: {  	_ =	task [dreg:s8], $0x5FFFF  }
0xb2: {  	[dreg:$0x1] =	wrdreg $0xFFFFFFFF  }
0xb3: {  	[dreg:$0x0] =	wrdreg $0x60  }
0xb4: {  	[dreg:$0x2] =	wrdreg s24  }
0xb5: {  	[dreg:$0x3] =	wrdreg s15  }
0xb6: {  	[dreg:$0x4] =	wrdreg s16  }
0xb7: {  	[dreg:$0x5] =	wrdreg $0x9  }
0xb8: {  	_ =	task.clear_ibuf [dreg:s8], $0x6FFFF;
	_ =	strace $0x90000046  }
0xb9: {  	s29 =	simm.s32 $0x9;
	_ =	strace $0x80000048  }
0xba: {  	_ =	swait.ge [sflag:s29], $0x1  }
0xbb: {  	[sflag:s29] =	ssyncadd.s32 $0xFFFFFFFF  }
0xbc: {  	_ =	strace $0x90000048  }
0xbd: {  	_ =	sfence  }
0xbe: {  	s30 =	sld [smem:$0x0];
	_ =	sdelay $0x2  }
0xbf: {  	s31 =	sshll.u32 s1, $0xD;
	s1 =	sshrl.u32 s1, $0x2  }
0xc0: {  	s3 =	sand.u32 $0x4000, s31;
	s1 =	sadd.s32 s1, s30  }
0xc1: {  	s0 =	sor.u32 s3, s0;
	s1 =	sshll.u32 s1, $0x11  }
0xc2: {  	s0 =	sor.u32 s1, s0  }
0xc3: {  	s0 =	sadd.s32 $0x8F2B, s0  }
0xc4: {  	[sflag:s0] =	ssyncadd.remote.s32 $0x1  }
0xc5: {  	_ =	sfence.sel $0xFFFF  }
0xc6: {  	[dreg:$0x0] =	wrdreg $0xFFFFFFFF;
	(pc) =	sbr.abs _section_cstart, $3  }
0xc7: {  	[dreg:$0x1] =	wrdreg $0xFFFFFFFF  }
0xc8: {  	_ =	task.clear_ibuf [dreg:s8], $0x2FFFF;
	_ =	strace $0x9FFFFFFF  }
0xc9: {  	(tm) =	ssettm $0x7FFFFFFF  }
tec
execute0_lowered:
.L_overlay_start_1:
0x0: {  	(tag) =	ssettag $0x1  }
0x1: {  	s0 =	srdreg.scid  }
0x2: {  	s12 =	rddreg [dreg:$0x0];
	s0 =	sand.u32 $0x1, s0  }
0x3: {  	s10 =	rddreg [dreg:$0x1];
	s3 =	stileid.u32;
	s2 =	sshll.u32 s0, $0x4  }
0x4: {  	s11 =	rddreg [dreg:$0x2];
	s2 =	sor.u32 s3, s2  }
0x5: {  	s1 =	simm.s32 $0x0;
	s0 =	ssub.s32 $0x2, s0;
	s4 =	smul.u32 $0x4E20, s2  }
0x6: {  	[smem:$0x7FF] =	sst s1;
	s6 =	sadd.s32 $0x1800, s12;
	s13 =	sshrl.u32 s0, $0x1  }
0x7: {  	s7 =	sadd.s32 $0xA0400, s12;
	s13 =	ssub.s32 s0, s13;
	s14 =	sshrl.u32 s4, $0x3  }
0x8: {  	s12 =	sadd.s32 $0x9DC00, s12;
	s13 =	smax.u32 s13, $0x1;
	s16 =	sadd.s32 s10, s14  }
0x9: {  	s15 =	sadd.s32 $0x7D0, s4;
	s0 =	sadd.s32 s11, s14;
	[dreg:$0x4] =	wrdreg s16  }
0xa: {  	s20 =	sadd.s32 $0xFA0, s4;
	s18 =	sadd.s32 s6, s15;
	[dreg:$0x5] =	wrdreg s0  }
0xb: {  	s24 =	sadd.s32 $0x1770, s4;
	s2 =	sadd.s32 s7, s15;
	[dreg:$0x6] =	wrdreg s18  }
0xc: {  	s8 =	sadd.s32 $0x1F40, s4;
	s22 =	sadd.s32 s6, s20;
	[dreg:$0x8] =	wrdreg s2  }
0xd: {  	s17 =	sshrl.u32 s15, $0x3;
	s3 =	sadd.s32 s7, s20;
	[dreg:$0xa] =	wrdreg s22  }
0xe: {  	s21 =	sshrl.u32 s20, $0x3;
	s26 =	sadd.s32 s6, s24;
	[dreg:$0xc] =	wrdreg s3  }
0xf: {  	s25 =	sshrl.u32 s24, $0x3;
	s9 =	sadd.s32 s6, s8;
	[dreg:$0xe] =	wrdreg s26  }
0x10: {  	s14 =	sshrl.u32 s8, $0x3;
	s15 =	sadd.s32 s7, s8;
	[dreg:$0x12] =	wrdreg s9  }
0x11: {  	s20 =	sadd.s32 $0x2EE0, s4;
	s19 =	sadd.s32 s10, s17;
	[dreg:$0x13] =	wrdreg s15  }
0x12: {  	s8 =	sadd.s32 $0x4650, s4;
	s0 =	sadd.s32 s11, s17;
	[dreg:$0x7] =	wrdreg s19  }
0x13: {  	s23 =	sadd.s32 s10, s21;
	s5 =	sadd.s32 s10, s25;
	[dreg:$0x9] =	wrdreg s0  }
0x14: {  	s2 =	sadd.s32 s7, s24;
	s16 =	sadd.s32 $0x2710, s4;
	[dreg:$0xb] =	wrdreg s23  }
0x15: {  	s17 =	sadd.s32 s10, s14;
	s22 =	sadd.s32 s6, s20;
	[dreg:$0xf] =	wrdreg s5  }
0x16: {  	s24 =	sadd.s32 $0x36B0, s4;
	s3 =	sadd.s32 s7, s4;
	[dreg:$0x10] =	wrdreg s2  }
0x17: {  	s15 =	simm.s32 $0x13880;
	s0 =	sadd.s32 s11, s21;
	[dreg:$0x14] =	wrdreg s17  }
0x18: {  	s18 =	sadd.s32 s6, s16;
	s19 =	sshrl.u32 s16, $0x3;
	s2 =	sadd.s32 s7, s16  }
0x19: {  	[dreg:$0x1a] =	wrdreg s22;
	s23 =	sshrl.u32 s20, $0x3;
	s26 =	sshrl.u32 s24, $0x3  }
0x1a: {  	s29 =	sadd.s32 s6, s24;
	s30 =	sadd.s32 s7, s24;
	[dreg:$0xd] =	wrdreg s0  }
0x1b: {  	s5 =	sadd.s32 $0x3E80, s4;
	s16 =	simm.s32 $0x17ED0;
	[dreg:$0x16] =	wrdreg s18  }
0x1c: {  	s17 =	simm.s32 $0x0;
	s0 =	sadd.s32 s11, s25;
	[dreg:$0x17] =	wrdreg s2  }
0x1d: {  	s21 =	sadd.s32 s10, s19;
	s2 =	sadd.s32 s7, s20;
	[dreg:$0x11] =	wrdreg s0  }
0x1e: {  	s25 =	sadd.s32 s10, s23;
	s28 =	sadd.s32 s11, s23;
	[dreg:$0x18] =	wrdreg s21  }
0x1f: {  	s31 =	sadd.s32 s10, s26;
	s9 =	sshrl.u32 s5, $0x3;
	[dreg:$0x1b] =	wrdreg s2  }
0x20: {  	s0 =	sadd.s32 s11, s14;
	[dreg:$0x1c] =	wrdreg s25;
	s2 =	sadd.s32 s6, s4  }
0x21: {  	s4 =	sadd.s32 s6, s5;
	s5 =	sadd.s32 s7, s5;
	s6 =	sadd.s32 s6, s8  }
0x22: {  	s7 =	sadd.s32 s7, s8;
	s14 =	sshrl.u32 s8, $0x3;
	s8 =	sadd.s32 s10, s9  }
0x23: {  	s9 =	sadd.s32 s11, s9;
	[dreg:$0x15] =	wrdreg s0;
	s0 =	sadd.s32 s11, s19  }
0x24: {  	v0 =	vlaneseq.u32;
	s10 =	sadd.s32 s10, s14;
	[dreg:$0x19] =	wrdreg s0;
	s0 =	sadd.s32 s11, s26  }
0x25: {  	v0 =	vmul.u32 $0x8, v0;
	s11 =	sadd.s32 s11, s14;
	s14 =	simm.s32 $0x1;
	_ =	strace $0x80000047  }
.LBB2_1:
0x26: {  	[tilespmem:s1], [sflag:$0x1] =	stream.linear.gather [hbm4b:s12+s1], $0x13880, $0x38;
	[tilespmem:$0x1C520] =	vst v63  }
0x27: {  	_ =	swait.ge [sflag:s14], $0x13880  }
0x28: {  	[sflag:s14] =	ssyncset.done $0x0  }
0x29: {  	[sflag:s14] =	ssyncadd.s32 $0xFFFEC780  }
0x2a: {  	[tilespmem:s15], [sflag:$0x1] =	stream.linear.gather [hbm4b:s2+s1], $0x3E80, $0x38;
	[tilespmem:$0x1C520] =	vst v63  }
0x2b: {  	v1 =	vmov s1;
	_ =	swait.ge [sflag:s14], $0x3E80  }
0x2c: {  	v1 =	vshll.u32 v1, $0x3;
	[sflag:s14] =	ssyncset.done $0x0  }
0x2d: {  	s20 =	simm.s32 $0x17700;
	v3 =	vor.u32 v0, v1;
	s18 =	rddreg [dreg:$0x4];
	[sflag:s14] =	ssyncadd.s32 $0xFFFFC180  }
0x2e: {  	[tilespmem:s20], [sflag:$0x1] =	stream.linear.gather [hbm4b:s18+s1], $0x7D0, $0x38;
	[tilespmem:$0x1C520] =	vst v63  }
0x2f: {  	v4 =	vor.u32 $0x1, v3;
	_ =	swait.ge [sflag:s14], $0x7D0  }
0x30: {  	[sflag:s14] =	ssyncset.done $0x0  }
0x31: {  	[sflag:s14] =	ssyncadd.s32 $0xFFFFF830  }
0x32: {  	v1 =	vld.idx.msk [tilespmem:v3+s15+$0x0], $0xffff;
	_ =	sdelay $0x1  }
0x33: {  	v5 =	vld.idx.msk [tilespmem:v4+s15+$0x0], $0xffff;
	_ =	sdelay $0x2  }
0x34: {  	v7 =	vshll.u32 v1, $0x3  }
0x35: {  	v9 =	vor.u32 $0x1, v7  }
0x36: {  	s26 =	simm.s32 $0x10;
	s19 =	simm.s32 $0x20;
	v5 =	vshll.u32 v5, $0x3  }
0x37: {  	v2 =	vmov s19;
	v1 =	vmov s26;
	v10 =	vor.u32 $0x2, v5  }
0x38: {  	v6 =	vshll.u32 v2, $0x3;
	v1 =	vshll.u32 v1, $0x3;
	v8 =	vor.u32 $0x3, v5  }
0x39: {  	s24 =	simm.s32 $0x30;
	s22 =	simm.s32 $0x17710;
	s23 =	simm.s32 $0x1BD50;
	v6 =	vor.u32 v0, v6;
	v1 =	vor.u32 v0, v1;
	v7 =	vld.idx.msk [tilespmem:v7+s1+$0x0], $0xffff  }
0x3a: {  	s21 =	simm.s32 $0x1BD60;
	s19 =	simm.s32 $0x17710;
	s18 =	simm.s32 $0x1BD60;
	v5 =	vor.u32 $0x1, v6;
	v2 =	vor.u32 $0x1, v1;
	v9 =	vld.idx.msk [tilespmem:v9+s1+$0x0], $0xffff  }
.LBB2_2:
0x3b: {  	s19 =	sadd.s32 $0x10, s19  }
0x3c: {  	s18 =	sadd.s32 $0x10, s18;
	v10 =	vld.idx.msk [tilespmem:v10+s1+$0x0], $0xffff;
	s26 =	smov.u32 s24;
	s25 =	sadd.s32 $0x10, s24  }
0x3d: {  	p0 =	sne.s32 s24, $0x7C0;
	v8 =	vld.idx.msk [tilespmem:v8+s1+$0x0], $0xffff;
	_ =	sdelay $0x4  }
0x3e: {  	v7 =	vadd.f32 v10, v7  }
0x3f: {  	v8 =	vadd.f32 v8, v9  }
0x40: {  	[tilespmem:v3+s16+$0x0] =	vst.idx.msk $0xffff, v7;
	v3 =	vmov v1;
	v1 =	vmov v6  }
0x41: {  	v6 =	vsub.f32 v8, v7;
	[tilespmem:v4+s16+$0x0] =	vst.idx.msk $0xffff, v8;
	v4 =	vmov v2;
	v2 =	vmov v5  }
0x42: {  	v5 =	vld [tilespmem:s20+$0x0];
	s20 =	smov.u32 s22;
	s22 =	smov.u32 s19;
	_ =	sdelay $0x4  }
0x43: {  	v5 =	vshll.u32 v5, $0x1  }
0x44: {  	v5 =	vadd.s32 $0xFFFFFFFF, v5  }
0x45: {  	v5 =	vcvt.s32.f32 v5;
	_ =	sdelay $0x1  }
0x46: {  	v5 =	vmul.f32 v5, v6;
	_ =	sdelay $0x1  }
0x47: {  	[tilespmem:s23+$0x0] =	vst v5;
	s23 =	smov.u32 s21;
	s21 =	smov.u32 s18  }
0x48: {  	v5 =	vld.idx.msk [tilespmem:v3+s15+$0x0], $0xffff  }
0x49: {  	v6 =	vld.idx.msk [tilespmem:v4+s15+$0x0], $0xffff;
	_ =	sdelay $0x4  }
0x4a: {  	v7 =	vshll.u32 v5, $0x3  }
0x4b: {  	v5 =	vmov s26;
	v9 =	vor.u32 $0x1, v7;
	v6 =	vshll.u32 v6, $0x3  }
.Ltmp0:
0x4c: {  	v5 =	vshll.u32 v5, $0x3;
	v10 =	vor.u32 $0x2, v6;
	v8 =	vor.u32 $0x3, v6;
	(pc) =	sbr.rel @p0 .LBB2_2-.Ltmp0, $4  }
0x4d: {  	v6 =	vor.u32 v0, v5  }
0x4e: {  	v5 =	vor.u32 $0x1, v6  }
0x4f: {  	v7 =	vld.idx.msk [tilespmem:v7+s1+$0x0], $0xffff  }
0x50: {  	s24 =	smov.u32 s25;
	v9 =	vld.idx.msk [tilespmem:v9+s1+$0x0], $0xffff  }
0x51: {  	_ =	sdelay $0x3  }
0x52: {  	v10 =	vld.idx.msk [tilespmem:v10+s1+$0x0], $0xffff  }
0x53: {  	v8 =	vld.idx.msk [tilespmem:v8+s1+$0x0], $0xffff;
	_ =	sdelay $0x3  }
0x54: {  	v7 =	vadd.f32 v10, v7  }
0x55: {  	v8 =	vadd.f32 v8, v9  }
0x56: {  	[tilespmem:v3+s16+$0x0] =	vst.idx.msk $0xffff, v7  }
0x57: {  	[tilespmem:v4+s16+$0x0] =	vst.idx.msk $0xffff, v8  }
0x58: {  	v3 =	vld [tilespmem:s20+$0x0];
	_ =	sdelay $0x4  }
0x59: {  	v3 =	vshll.u32 v3, $0x1  }
0x5a: {  	v3 =	vadd.s32 $0xFFFFFFFF, v3  }
0x5b: {  	v4 =	vsub.f32 v8, v7;
	v3 =	vcvt.s32.f32 v3;
	_ =	sdelay $0x1  }
0x5c: {  	v3 =	vmul.f32 v3, v4;
	_ =	sdelay $0x1  }
0x5d: {  	[tilespmem:s23+$0x0] =	vst v3  }
0x5e: {  	v3 =	vld.idx.msk [tilespmem:v1+s15+$0x0], $0xffff  }
0x5f: {  	v4 =	vld.idx.msk [tilespmem:v2+s15+$0x0], $0xffff;
	_ =	sdelay $0x3  }
0x60: {  	v3 =	vshll.u32 v3, $0x3  }
0x61: {  	v4 =	vshll.u32 v4, $0x3;
	v7 =	vor.u32 $0x1, v3  }
0x62: {  	v8 =	vor.u32 $0x2, v4  }
0x63: {  	v4 =	vor.u32 $0x3, v4;
	_ =	sdelay $0x1  }
0x64: {  	v3 =	vld.idx.msk [tilespmem:v3+s1+$0x0], $0xffff  }
0x65: {  	v7 =	vld.idx.msk [tilespmem:v7+s1+$0x0], $0xffff  }
0x66: {  	v8 =	vld.idx.msk [tilespmem:v8+s1+$0x0], $0xffff  }
0x67: {  	v4 =	vld.idx.msk [tilespmem:v4+s1+$0x0], $0xffff;
	_ =	sdelay $0x3  }
0x68: {  	v3 =	vadd.f32 v8, v3  }
0x69: {  	v4 =	vadd.f32 v4, v7  }
0x6a: {  	[tilespmem:v1+s16+$0x0] =	vst.idx.msk $0xffff, v3  }
0x6b: {  	[tilespmem:v2+s16+$0x0] =	vst.idx.msk $0xffff, v4  }
0x6c: {  	v1 =	vld [tilespmem:s22+$0x0];
	_ =	sdelay $0x4  }
0x6d: {  	v1 =	vshll.u32 v1, $0x1  }
0x6e: {  	v1 =	vadd.s32 $0xFFFFFFFF, v1  }
0x6f: {  	v2 =	vsub.f32 v4, v3;
	v1 =	vcvt.s32.f32 v1;
	_ =	sdelay $0x1  }
0x70: {  	v1 =	vmul.f32 v1, v2;
	_ =	sdelay $0x1  }
0x71: {  	[tilespmem:s21+$0x0] =	vst v1  }
0x72: {  	v1 =	vld.idx.msk [tilespmem:v6+s15+$0x0], $0xffff  }
0x73: {  	v2 =	vld.idx.msk [tilespmem:v5+s15+$0x0], $0xffff;
	_ =	sdelay $0x3  }
0x74: {  	v1 =	vshll.u32 v1, $0x3  }
0x75: {  	v2 =	vshll.u32 v2, $0x3;
	v3 =	vor.u32 $0x1, v1  }
0x76: {  	v4 =	vor.u32 $0x2, v2  }
0x77: {  	v2 =	vor.u32 $0x3, v2;
	_ =	sdelay $0x1  }
0x78: {  	v1 =	vld.idx.msk [tilespmem:v1+s1+$0x0], $0xffff  }
0x79: {  	v3 =	vld.idx.msk [tilespmem:v3+s1+$0x0], $0xffff  }
0x7a: {  	v4 =	vld.idx.msk [tilespmem:v4+s1+$0x0], $0xffff  }
0x7b: {  	v2 =	vld.idx.msk [tilespmem:v2+s1+$0x0], $0xffff;
	_ =	sdelay $0x3  }
0x7c: {  	v1 =	vadd.f32 v4, v1  }
0x7d: {  	v2 =	vadd.f32 v2, v3  }
0x7e: {  	[tilespmem:v6+s16+$0x0] =	vst.idx.msk $0xffff, v1  }
0x7f: {  	s19 =	sadd.s32 $0x10, s19;
	[tilespmem:v5+s16+$0x0] =	vst.idx.msk $0xffff, v2  }
0x80: {  	v3 =	vld [tilespmem:s19+$0x0];
	_ =	sdelay $0x4  }
0x81: {  	v3 =	vshll.u32 v3, $0x1  }
0x82: {  	v3 =	vadd.s32 $0xFFFFFFFF, v3  }
0x83: {  	v1 =	vsub.f32 v2, v1;
	v2 =	vcvt.s32.f32 v3;
	_ =	sdelay $0x1  }
0x84: {  	v1 =	vmul.f32 v2, v1  }
0x85: {  	s18 =	sadd.s32 $0x10, s18  }
0x86: {  	s26 =	simm.s32 $0x0;
	[tilespmem:s18+$0x0] =	vst v1  }
0x87: {  	[hbm4b:s3+s26] =	stream.linear.scatter [tilespmem:s16], [sflag:$0x1], $0x3E80, $0x38;
	[tilespmem:$0x1C520] =	vst v63  }
0x88: {  	_ =	swait.ge [sflag:s14], $0x3E80  }
0x89: {  	[sflag:s14] =	ssyncset.done $0x0  }
0x8a: {  	s20 =	simm.s32 $0x1BD50;
	s22 =	rddreg [dreg:$0x5];
	[sflag:s14] =	ssyncadd.s32 $0xFFFFC180  }
0x8b: {  	[hbm4b:s22+s26] =	stream.linear.scatter [tilespmem:s20], [sflag:$0x1], $0x7D0, $0x38;
	[tilespmem:$0x1C520] =	vst v63  }
0x8c: {  	_ =	swait.ge [sflag:s14], $0x7D0  }
0x8d: {  	[sflag:s14] =	ssyncset.done $0x0  }
0x8e: {  	s23 =	rddreg [dreg:$0x6];
	[sflag:s14] =	ssyncadd.s32 $0xFFFFF830  }
0x8f: {  	[tilespmem:s15], [sflag:$0x1] =	stream.linear.gather [hbm4b:s23+s26], $0x3E80, $0x38;
	[tilespmem:$0x1C520] =	vst v63  }
0x90: {  	v1 =	vmov s26;
	_ =	swait.ge [sflag:s14], $0x3E80  }
0x91: {  	v1 =	vshll.u32 v1, $0x3;
	[sflag:s14] =	ssyncset.done $0x0  }
0x92: {  	s21 =	simm.s32 $0x17700;
	v3 =	vor.u32 v0, v1;
	s24 =	rddreg [dreg:$0x7];
	[sflag:s14] =	ssyncadd.s32 $0xFFFFC180  }
0x93: {  	[tilespmem:s21], [sflag:$0x1] =	stream.linear.gather [hbm4b:s24+s26], $0x7D0, $0x38;
	[tilespmem:$0x1C520] =	vst v63  }
0x94: {  	v4 =	vor.u32 $0x1, v3;
	_ =	swait.ge [sflag:s14], $0x7D0  }
0x95: {  	[sflag:s14] =	ssyncset.done $0x0  }
0x96: {  	[sflag:s14] =	ssyncadd.s32 $0xFFFFF830  }
0x97: {  	v1 =	vld.idx.msk [tilespmem:v3+s15+$0x0], $0xffff;
	_ =	sdelay $0x1  }
0x98: {  	v5 =	vld.idx.msk [tilespmem:v4+s15+$0x0], $0xffff;
	_ =	sdelay $0x2  }
0x99: {  	v6 =	vshll.u32 v1, $0x3  }
0x9a: {  	v9 =	vor.u32 $0x1, v6  }
0x9b: {  	s25 =	simm.s32 $0x10;
	s26 =	simm.s32 $0x20;
	v8 =	vshll.u32 v5, $0x3  }
0x9c: {  	v2 =	vmov s26;
	v1 =	vmov s25;
	v10 =	vor.u32 $0x2, v8  }
0x9d: {  	v7 =	vshll.u32 v2, $0x3;
	v1 =	vshll.u32 v1, $0x3;
	v8 =	vor.u32 $0x3, v8  }
0x9e: {  	s19 =	simm.s32 $0x17710;
	s18 =	simm.s32 $0x1BD60;
	v5 =	vor.u32 v0, v7;
	v1 =	vor.u32 v0, v1;
	v7 =	vld.idx.msk [tilespmem:v6+s1+$0x0], $0xffff  }
0x9f: {  	s22 =	simm.s32 $0x1BD60;
	s23 =	simm.s32 $0x17710;
	s25 =	simm.s32 $0x30;
	v2 =	vor.u32 $0x1, v1;
	v6 =	vor.u32 $0x1, v5;
	v9 =	vld.idx.msk [tilespmem:v9+s1+$0x0], $0xffff  }
.LBB2_4:
0xa0: {  	s19 =	sadd.s32 $0x10, s19  }
0xa1: {  	s18 =	sadd.s32 $0x10, s18;
	v10 =	vld.idx.msk [tilespmem:v10+s1+$0x0], $0xffff;
	s26 =	smov.u32 s25;
	s24 =	sadd.s32 $0x10, s25  }
0xa2: {  	p0 =	sne.s32 s25, $0x7C0;
	v8 =	vld.idx.msk [tilespmem:v8+s1+$0x0], $0xffff;
	_ =	sdelay $0x4  }
0xa3: {  	v7 =	vadd.f32 v10, v7  }
0xa4: {  	v8 =	vadd.f32 v8, v9  }
0xa5: {  	[tilespmem:v3+s16+$0x0] =	vst.idx.msk $0xffff, v7;
	v3 =	vmov v1;
	v1 =	vmov v5  }
0xa6: {  	v5 =	vsub.f32 v8, v7;
	[tilespmem:v4+s16+$0x0] =	vst.idx.msk $0xffff, v8;
	v4 =	vmov v2;
	v2 =	vmov v6  }
0xa7: {  	v6 =	vld [tilespmem:s21+$0x0];
	s21 =	smov.u32 s23;
	s23 =	smov.u32 s19;
	_ =	sdelay $0x4  }
0xa8: {  	v6 =	vshll.u32 v6, $0x1  }
0xa9: {  	v6 =	vadd.s32 $0xFFFFFFFF, v6  }
0xaa: {  	v6 =	vcvt.s32.f32 v6;
	_ =	sdelay $0x1  }
0xab: {  	v5 =	vmul.f32 v6, v5;
	_ =	sdelay $0x1  }
0xac: {  	[tilespmem:s20+$0x0] =	vst v5;
	s20 =	smov.u32 s22;
	s22 =	smov.u32 s18  }
0xad: {  	v5 =	vld.idx.msk [tilespmem:v3+s15+$0x0], $0xffff  }
0xae: {  	v6 =	vld.idx.msk [tilespmem:v4+s15+$0x0], $0xffff;
	_ =	sdelay $0x4  }
0xaf: {  	v7 =	vshll.u32 v5, $0x3  }
0xb0: {  	v5 =	vmov s26;
	v9 =	vor.u32 $0x1, v7;
	v6 =	vshll.u32 v6, $0x3  }
.Ltmp1:
0xb1: {  	v5 =	vshll.u32 v5, $0x3;
	v10 =	vor.u32 $0x2, v6;
	v8 =	vor.u32 $0x3, v6;
	(pc) =	sbr.rel @p0 .LBB2_4-.Ltmp1, $4  }
0xb2: {  	v5 =	vor.u32 v0, v5  }
0xb3: {  	v6 =	vor.u32 $0x1, v5  }
0xb4: {  	v7 =	vld.idx.msk [tilespmem:v7+s1+$0x0], $0xffff  }
0xb5: {  	s25 =	smov.u32 s24;
	v9 =	vld.idx.msk [tilespmem:v9+s1+$0x0], $0xffff  }
0xb6: {  	_ =	sdelay $0x3  }
0xb7: {  	v10 =	vld.idx.msk [tilespmem:v10+s1+$0x0], $0xffff  }
0xb8: {  	v8 =	vld.idx.msk [tilespmem:v8+s1+$0x0], $0xffff;
	_ =	sdelay $0x3  }
0xb9: {  	v7 =	vadd.f32 v10, v7  }
0xba: {  	v8 =	vadd.f32 v8, v9  }
0xbb: {  	[tilespmem:v3+s16+$0x0] =	vst.idx.msk $0xffff, v7  }
0xbc: {  	[tilespmem:v4+s16+$0x0] =	vst.idx.msk $0xffff, v8  }
0xbd: {  	v3 =	vld [tilespmem:s21+$0x0];
	_ =	sdelay $0x4  }
0xbe: {  	v3 =	vshll.u32 v3, $0x1  }
0xbf: {  	v3 =	vadd.s32 $0xFFFFFFFF, v3  }
0xc0: {  	v4 =	vsub.f32 v8, v7;
	v3 =	vcvt.s32.f32 v3;
	_ =	sdelay $0x1  }
0xc1: {  	v3 =	vmul.f32 v3, v4;
	_ =	sdelay $0x1  }
0xc2: {  	[tilespmem:s20+$0x0] =	vst v3  }
0xc3: {  	v3 =	vld.idx.msk [tilespmem:v1+s15+$0x0], $0xffff  }
0xc4: {  	v4 =	vld.idx.msk [tilespmem:v2+s15+$0x0], $0xffff;
	_ =	sdelay $0x3  }
0xc5: {  	v3 =	vshll.u32 v3, $0x3  }
0xc6: {  	v4 =	vshll.u32 v4, $0x3;
	v7 =	vor.u32 $0x1, v3  }
0xc7: {  	v8 =	vor.u32 $0x2, v4  }
0xc8: {  	v4 =	vor.u32 $0x3, v4;
	_ =	sdelay $0x1  }
0xc9: {  	v3 =	vld.idx.msk [tilespmem:v3+s1+$0x0], $0xffff  }
0xca: {  	v7 =	vld.idx.msk [tilespmem:v7+s1+$0x0], $0xffff  }
0xcb: {  	v8 =	vld.idx.msk [tilespmem:v8+s1+$0x0], $0xffff  }
0xcc: {  	v4 =	vld.idx.msk [tilespmem:v4+s1+$0x0], $0xffff;
	_ =	sdelay $0x3  }
0xcd: {  	v3 =	vadd.f32 v8, v3  }
0xce: {  	v4 =	vadd.f32 v4, v7  }
0xcf: {  	[tilespmem:v1+s16+$0x0] =	vst.idx.msk $0xffff, v3  }
0xd0: {  	[tilespmem:v2+s16+$0x0] =	vst.idx.msk $0xffff, v4  }
0xd1: {  	v1 =	vld [tilespmem:s23+$0x0];
	_ =	sdelay $0x4  }
0xd2: {  	v1 =	vshll.u32 v1, $0x1  }
0xd3: {  	v1 =	vadd.s32 $0xFFFFFFFF, v1  }
0xd4: {  	v2 =	vsub.f32 v4, v3;
	v1 =	vcvt.s32.f32 v1;
	_ =	sdelay $0x1  }
0xd5: {  	v1 =	vmul.f32 v1, v2;
	_ =	sdelay $0x1  }
0xd6: {  	[tilespmem:s22+$0x0] =	vst v1  }
0xd7: {  	v1 =	vld.idx.msk [tilespmem:v5+s15+$0x0], $0xffff  }
0xd8: {  	v2 =	vld.idx.msk [tilespmem:v6+s15+$0x0], $0xffff;
	_ =	sdelay $0x3  }
0xd9: {  	v1 =	vshll.u32 v1, $0x3  }
0xda: {  	v2 =	vshll.u32 v2, $0x3;
	v3 =	vor.u32 $0x1, v1  }
0xdb: {  	v4 =	vor.u32 $0x2, v2  }
0xdc: {  	v2 =	vor.u32 $0x3, v2;
	_ =	sdelay $0x1  }
0xdd: {  	v1 =	vld.idx.msk [tilespmem:v1+s1+$0x0], $0xffff  }
0xde: {  	v3 =	vld.idx.msk [tilespmem:v3+s1+$0x0], $0xffff  }
0xdf: {  	v4 =	vld.idx.msk [tilespmem:v4+s1+$0x0], $0xffff  }
0xe0: {  	v2 =	vld.idx.msk [tilespmem:v2+s1+$0x0], $0xffff;
	_ =	sdelay $0x3  }
0xe1: {  	v1 =	vadd.f32 v4, v1  }
0xe2: {  	v2 =	vadd.f32 v2, v3  }
0xe3: {  	[tilespmem:v5+s16+$0x0] =	vst.idx.msk $0xffff, v1  }
0xe4: {  	s19 =	sadd.s32 $0x10, s19;
	[tilespmem:v6+s16+$0x0] =	vst.idx.msk $0xffff, v2  }
0xe5: {  	v3 =	vld [tilespmem:s19+$0x0];
	_ =	sdelay $0x4  }
0xe6: {  	v3 =	vshll.u32 v3, $0x1  }
0xe7: {  	v3 =	vadd.s32 $0xFFFFFFFF, v3  }
0xe8: {  	v1 =	vsub.f32 v2, v1;
	v2 =	vcvt.s32.f32 v3;
	_ =	sdelay $0x1  }
0xe9: {  	v1 =	vmul.f32 v2, v1  }
0xea: {  	s18 =	sadd.s32 $0x10, s18  }
0xeb: {  	s26 =	simm.s32 $0x0;
	s21 =	rddreg [dreg:$0x8];
	[tilespmem:s18+$0x0] =	vst v1  }
0xec: {  	[hbm4b:s21+s26] =	stream.linear.scatter [tilespmem:s16], [sflag:$0x1], $0x3E80, $0x38;
	[tilespmem:$0x1C520] =	vst v63  }
0xed: {  	_ =	swait.ge [sflag:s14], $0x3E80  }
0xee: {  	[sflag:s14] =	ssyncset.done $0x0  }
0xef: {  	s20 =	simm.s32 $0x1BD50;
	s22 =	rddreg [dreg:$0x9];
	[sflag:s14] =	ssyncadd.s32 $0xFFFFC180  }
0xf0: {  	[hbm4b:s22+s26] =	stream.linear.scatter [tilespmem:s20], [sflag:$0x1], $0x7D0, $0x38;
	[tilespmem:$0x1C520] =	vst v63  }
0xf1: {  	_ =	swait.ge [sflag:s14], $0x7D0  }
0xf2: {  	[sflag:s14] =	ssyncset.done $0x0  }
0xf3: {  	s23 =	rddreg [dreg:$0xa];
	[sflag:s14] =	ssyncadd.s32 $0xFFFFF830  }
0xf4: {  	[tilespmem:s15], [sflag:$0x1] =	stream.linear.gather [hbm4b:s23+s26], $0x3E80, $0x38;
	[tilespmem:$0x1C520] =	vst v63  }
0xf5: {  	v1 =	vmov s26;
	_ =	swait.ge [sflag:s14], $0x3E80  }
0xf6: {  	v1 =	vshll.u32 v1, $0x3;
	[sflag:s14] =	ssyncset.done $0x0  }
0xf7: {  	s21 =	simm.s32 $0x17700;
	v3 =	vor.u32 v0, v1;
	s24 =	rddreg [dreg:$0xb];
	[sflag:s14] =	ssyncadd.s32 $0xFFFFC180  }
0xf8: {  	[tilespmem:s21], [sflag:$0x1] =	stream.linear.gather [hbm4b:s24+s26], $0x7D0, $0x38;
	[tilespmem:$0x1C520] =	vst v63  }
0xf9: {  	v4 =	vor.u32 $0x1, v3;
	_ =	swait.ge [sflag:s14], $0x7D0  }
0xfa: {  	[sflag:s14] =	ssyncset.done $0x0  }
0xfb: {  	[sflag:s14] =	ssyncadd.s32 $0xFFFFF830  }
0xfc: {  	v1 =	vld.idx.msk [tilespmem:v3+s15+$0x0], $0xffff;
	_ =	sdelay $0x1  }
0xfd: {  	v5 =	vld.idx.msk [tilespmem:v4+s15+$0x0], $0xffff;
	_ =	sdelay $0x2  }
0xfe: {  	v6 =	vshll.u32 v1, $0x3  }
0xff: {  	v9 =	vor.u32 $0x1, v6  }
0x100: {  	s25 =	simm.s32 $0x10;
	s26 =	simm.s32 $0x20;
	v8 =	vshll.u32 v5, $0x3  }
0x101: {  	v2 =	vmov s26;
	v1 =	vmov s25;
	v10 =	vor.u32 $0x2, v8  }
0x102: {  	v7 =	vshll.u32 v2, $0x3;
	v1 =	vshll.u32 v1, $0x3;
	v8 =	vor.u32 $0x3, v8  }
0x103: {  	s19 =	simm.s32 $0x17710;
	s18 =	simm.s32 $0x1BD60;
	v5 =	vor.u32 v0, v7;
	v1 =	vor.u32 v0, v1;
	v7 =	vld.idx.msk [tilespmem:v6+s1+$0x0], $0xffff  }
0x104: {  	s22 =	simm.s32 $0x1BD60;
	s23 =	simm.s32 $0x17710;
	s25 =	simm.s32 $0x30;
	v2 =	vor.u32 $0x1, v1;
	v6 =	vor.u32 $0x1, v5;
	v9 =	vld.idx.msk [tilespmem:v9+s1+$0x0], $0xffff  }
.LBB2_6:
0x105: {  	s19 =	sadd.s32 $0x10, s19  }
0x106: {  	s18 =	sadd.s32 $0x10, s18;
	v10 =	vld.idx.msk [tilespmem:v10+s1+$0x0], $0xffff;
	s26 =	smov.u32 s25;
	s24 =	sadd.s32 $0x10, s25  }
0x107: {  	p0 =	sne.s32 s25, $0x7C0;
	v8 =	vld.idx.msk [tilespmem:v8+s1+$0x0], $0xffff;
	_ =	sdelay $0x4  }
0x108: {  	v7 =	vadd.f32 v10, v7  }
0x109: {  	v8 =	vadd.f32 v8, v9  }
0x10a: {  	[tilespmem:v3+s16+$0x0] =	vst.idx.msk $0xffff, v7;
	v3 =	vmov v1;
	v1 =	vmov v5  }
0x10b: {  	v5 =	vsub.f32 v8, v7;
	[tilespmem:v4+s16+$0x0] =	vst.idx.msk $0xffff, v8;
	v4 =	vmov v2;
	v2 =	vmov v6  }
0x10c: {  	v6 =	vld [tilespmem:s21+$0x0];
	s21 =	smov.u32 s23;
	s23 =	smov.u32 s19;
	_ =	sdelay $0x4  }
0x10d: {  	v6 =	vshll.u32 v6, $0x1  }
0x10e: {  	v6 =	vadd.s32 $0xFFFFFFFF, v6  }
0x10f: {  	v6 =	vcvt.s32.f32 v6;
	_ =	sdelay $0x1  }
0x110: {  	v5 =	vmul.f32 v6, v5;
	_ =	sdelay $0x1  }
0x111: {  	[tilespmem:s20+$0x0] =	vst v5;
	s20 =	smov.u32 s22;
	s22 =	smov.u32 s18  }
0x112: {  	v5 =	vld.idx.msk [tilespmem:v3+s15+$0x0], $0xffff  }
0x113: {  	v6 =	vld.idx.msk [tilespmem:v4+s15+$0x0], $0xffff;
	_ =	sdelay $0x4  }
0x114: {  	v7 =	vshll.u32 v5, $0x3  }
0x115: {  	v5 =	vmov s26;
	v9 =	vor.u32 $0x1, v7;
	v6 =	vshll.u32 v6, $0x3  }
.Ltmp2:
0x116: {  	v5 =	vshll.u32 v5, $0x3;
	v10 =	vor.u32 $0x2, v6;
	v8 =	vor.u32 $0x3, v6;
	(pc) =	sbr.rel @p0 .LBB2_6-.Ltmp2, $4  }
0x117: {  	v5 =	vor.u32 v0, v5  }
0x118: {  	v6 =	vor.u32 $0x1, v5  }
0x119: {  	v7 =	vld.idx.msk [tilespmem:v7+s1+$0x0], $0xffff  }
0x11a: {  	s25 =	smov.u32 s24;
	v9 =	vld.idx.msk [tilespmem:v9+s1+$0x0], $0xffff  }
0x11b: {  	_ =	sdelay $0x3  }
0x11c: {  	v10 =	vld.idx.msk [tilespmem:v10+s1+$0x0], $0xffff  }
0x11d: {  	v8 =	vld.idx.msk [tilespmem:v8+s1+$0x0], $0xffff;
	_ =	sdelay $0x3  }
0x11e: {  	v7 =	vadd.f32 v10, v7  }
0x11f: {  	v8 =	vadd.f32 v8, v9  }
0x120: {  	[tilespmem:v3+s16+$0x0] =	vst.idx.msk $0xffff, v7  }
0x121: {  	[tilespmem:v4+s16+$0x0] =	vst.idx.msk $0xffff, v8  }
0x122: {  	v3 =	vld [tilespmem:s21+$0x0];
	_ =	sdelay $0x4  }
0x123: {  	v3 =	vshll.u32 v3, $0x1  }
0x124: {  	v3 =	vadd.s32 $0xFFFFFFFF, v3  }
0x125: {  	v4 =	vsub.f32 v8, v7;
	v3 =	vcvt.s32.f32 v3;
	_ =	sdelay $0x1  }
0x126: {  	v3 =	vmul.f32 v3, v4;
	_ =	sdelay $0x1  }
0x127: {  	[tilespmem:s20+$0x0] =	vst v3  }
0x128: {  	v3 =	vld.idx.msk [tilespmem:v1+s15+$0x0], $0xffff  }
0x129: {  	v4 =	vld.idx.msk [tilespmem:v2+s15+$0x0], $0xffff;
	_ =	sdelay $0x3  }
0x12a: {  	v3 =	vshll.u32 v3, $0x3  }
0x12b: {  	v4 =	vshll.u32 v4, $0x3;
	v7 =	vor.u32 $0x1, v3  }
0x12c: {  	v8 =	vor.u32 $0x2, v4  }
0x12d: {  	v4 =	vor.u32 $0x3, v4;
	_ =	sdelay $0x1  }
0x12e: {  	v3 =	vld.idx.msk [tilespmem:v3+s1+$0x0], $0xffff  }
0x12f: {  	v7 =	vld.idx.msk [tilespmem:v7+s1+$0x0], $0xffff  }
0x130: {  	v8 =	vld.idx.msk [tilespmem:v8+s1+$0x0], $0xffff  }
0x131: {  	v4 =	vld.idx.msk [tilespmem:v4+s1+$0x0], $0xffff;
	_ =	sdelay $0x3  }
0x132: {  	v3 =	vadd.f32 v8, v3  }
0x133: {  	v4 =	vadd.f32 v4, v7  }
0x134: {  	[tilespmem:v1+s16+$0x0] =	vst.idx.msk $0xffff, v3  }
0x135: {  	[tilespmem:v2+s16+$0x0] =	vst.idx.msk $0xffff, v4  }
0x136: {  	v1 =	vld [tilespmem:s23+$0x0];
	_ =	sdelay $0x4  }
0x137: {  	v1 =	vshll.u32 v1, $0x1  }
0x138: {  	v1 =	vadd.s32 $0xFFFFFFFF, v1  }
0x139: {  	v2 =	vsub.f32 v4, v3;
	v1 =	vcvt.s32.f32 v1;
	_ =	sdelay $0x1  }
0x13a: {  	v1 =	vmul.f32 v1, v2;
	_ =	sdelay $0x1  }
0x13b: {  	[tilespmem:s22+$0x0] =	vst v1  }
0x13c: {  	v1 =	vld.idx.msk [tilespmem:v5+s15+$0x0], $0xffff  }
0x13d: {  	v2 =	vld.idx.msk [tilespmem:v6+s15+$0x0], $0xffff;
	_ =	sdelay $0x3  }
0x13e: {  	v1 =	vshll.u32 v1, $0x3  }
0x13f: {  	v2 =	vshll.u32 v2, $0x3;
	v3 =	vor.u32 $0x1, v1  }
0x140: {  	v4 =	vor.u32 $0x2, v2  }
0x141: {  	v2 =	vor.u32 $0x3, v2;
	_ =	sdelay $0x1  }
0x142: {  	v1 =	vld.idx.msk [tilespmem:v1+s1+$0x0], $0xffff  }
0x143: {  	v3 =	vld.idx.msk [tilespmem:v3+s1+$0x0], $0xffff  }
0x144: {  	v4 =	vld.idx.msk [tilespmem:v4+s1+$0x0], $0xffff  }
0x145: {  	v2 =	vld.idx.msk [tilespmem:v2+s1+$0x0], $0xffff;
	_ =	sdelay $0x3  }
0x146: {  	v1 =	vadd.f32 v4, v1  }
0x147: {  	v2 =	vadd.f32 v2, v3  }
0x148: {  	[tilespmem:v5+s16+$0x0] =	vst.idx.msk $0xffff, v1  }
0x149: {  	s19 =	sadd.s32 $0x10, s19;
	[tilespmem:v6+s16+$0x0] =	vst.idx.msk $0xffff, v2  }
0x14a: {  	v3 =	vld [tilespmem:s19+$0x0];
	_ =	sdelay $0x4  }
0x14b: {  	v3 =	vshll.u32 v3, $0x1  }
0x14c: {  	v3 =	vadd.s32 $0xFFFFFFFF, v3  }
0x14d: {  	v1 =	vsub.f32 v2, v1;
	v2 =	vcvt.s32.f32 v3;
	_ =	sdelay $0x1  }
0x14e: {  	v1 =	vmul.f32 v2, v1  }
0x14f: {  	s18 =	sadd.s32 $0x10, s18  }
0x150: {  	s26 =	simm.s32 $0x0;
	s21 =	rddreg [dreg:$0xc];
	[tilespmem:s18+$0x0] =	vst v1  }
0x151: {  	[hbm4b:s21+s26] =	stream.linear.scatter [tilespmem:s16], [sflag:$0x1], $0x3E80, $0x38;
	[tilespmem:$0x1C520] =	vst v63  }
0x152: {  	_ =	swait.ge [sflag:s14], $0x3E80  }
0x153: {  	[sflag:s14] =	ssyncset.done $0x0  }
0x154: {  	s20 =	simm.s32 $0x1BD50;
	s22 =	rddreg [dreg:$0xd];
	[sflag:s14] =	ssyncadd.s32 $0xFFFFC180  }
0x155: {  	[hbm4b:s22+s26] =	stream.linear.scatter [tilespmem:s20], [sflag:$0x1], $0x7D0, $0x38;
	[tilespmem:$0x1C520] =	vst v63  }
0x156: {  	_ =	swait.ge [sflag:s14], $0x7D0  }
0x157: {  	[sflag:s14] =	ssyncset.done $0x0  }
0x158: {  	s23 =	rddreg [dreg:$0xe];
	[sflag:s14] =	ssyncadd.s32 $0xFFFFF830  }
0x159: {  	[tilespmem:s15], [sflag:$0x1] =	stream.linear.gather [hbm4b:s23+s26], $0x3E80, $0x38;
	[tilespmem:$0x1C520] =	vst v63  }
0x15a: {  	v1 =	vmov s26;
	_ =	swait.ge [sflag:s14], $0x3E80  }
0x15b: {  	v1 =	vshll.u32 v1, $0x3;
	[sflag:s14] =	ssyncset.done $0x0  }
0x15c: {  	s21 =	simm.s32 $0x17700;
	v3 =	vor.u32 v0, v1;
	s24 =	rddreg [dreg:$0xf];
	[sflag:s14] =	ssyncadd.s32 $0xFFFFC180  }
0x15d: {  	[tilespmem:s21], [sflag:$0x1] =	stream.linear.gather [hbm4b:s24+s26], $0x7D0, $0x38;
	[tilespmem:$0x1C520] =	vst v63  }
0x15e: {  	v4 =	vor.u32 $0x1, v3;
	_ =	swait.ge [sflag:s14], $0x7D0  }
0x15f: {  	[sflag:s14] =	ssyncset.done $0x0  }
0x160: {  	[sflag:s14] =	ssyncadd.s32 $0xFFFFF830  }
0x161: {  	v1 =	vld.idx.msk [tilespmem:v3+s15+$0x0], $0xffff;
	_ =	sdelay $0x1  }
0x162: {  	v5 =	vld.idx.msk [tilespmem:v4+s15+$0x0], $0xffff;
	_ =	sdelay $0x2  }
0x163: {  	v6 =	vshll.u32 v1, $0x3  }
0x164: {  	v9 =	vor.u32 $0x1, v6  }
0x165: {  	s25 =	simm.s32 $0x10;
	s26 =	simm.s32 $0x20;
	v8 =	vshll.u32 v5, $0x3  }
0x166: {  	v2 =	vmov s26;
	v1 =	vmov s25;
	v10 =	vor.u32 $0x2, v8  }
0x167: {  	v7 =	vshll.u32 v2, $0x3;
	v1 =	vshll.u32 v1, $0x3;
	v8 =	vor.u32 $0x3, v8  }
0x168: {  	s19 =	simm.s32 $0x17710;
	s18 =	simm.s32 $0x1BD60;
	v5 =	vor.u32 v0, v7;
	v1 =	vor.u32 v0, v1;
	v7 =	vld.idx.msk [tilespmem:v6+s1+$0x0], $0xffff  }
0x169: {  	s22 =	simm.s32 $0x1BD60;
	s23 =	simm.s32 $0x17710;
	s25 =	simm.s32 $0x30;
	v2 =	vor.u32 $0x1, v1;
	v6 =	vor.u32 $0x1, v5;
	v9 =	vld.idx.msk [tilespmem:v9+s1+$0x0], $0xffff  }
.LBB2_8:
0x16a: {  	s19 =	sadd.s32 $0x10, s19  }
0x16b: {  	s18 =	sadd.s32 $0x10, s18;
	v10 =	vld.idx.msk [tilespmem:v10+s1+$0x0], $0xffff;
	s26 =	smov.u32 s25;
	s24 =	sadd.s32 $0x10, s25  }
0x16c: {  	p0 =	sne.s32 s25, $0x7C0;
	v8 =	vld.idx.msk [tilespmem:v8+s1+$0x0], $0xffff;
	_ =	sdelay $0x4  }
0x16d: {  	v7 =	vadd.f32 v10, v7  }
0x16e: {  	v8 =	vadd.f32 v8, v9  }
0x16f: {  	[tilespmem:v3+s16+$0x0] =	vst.idx.msk $0xffff, v7;
	v3 =	vmov v1;
	v1 =	vmov v5  }
0x170: {  	v5 =	vsub.f32 v8, v7;
	[tilespmem:v4+s16+$0x0] =	vst.idx.msk $0xffff, v8;
	v4 =	vmov v2;
	v2 =	vmov v6  }
0x171: {  	v6 =	vld [tilespmem:s21+$0x0];
	s21 =	smov.u32 s23;
	s23 =	smov.u32 s19;
	_ =	sdelay $0x4  }
0x172: {  	v6 =	vshll.u32 v6, $0x1  }
0x173: {  	v6 =	vadd.s32 $0xFFFFFFFF, v6  }
0x174: {  	v6 =	vcvt.s32.f32 v6;
	_ =	sdelay $0x1  }
0x175: {  	v5 =	vmul.f32 v6, v5;
	_ =	sdelay $0x1  }
0x176: {  	[tilespmem:s20+$0x0] =	vst v5;
	s20 =	smov.u32 s22;
	s22 =	smov.u32 s18  }
0x177: {  	v5 =	vld.idx.msk [tilespmem:v3+s15+$0x0], $0xffff  }
0x178: {  	v6 =	vld.idx.msk [tilespmem:v4+s15+$0x0], $0xffff;
	_ =	sdelay $0x4  }
0x179: {  	v7 =	vshll.u32 v5, $0x3  }
0x17a: {  	v5 =	vmov s26;
	v9 =	vor.u32 $0x1, v7;
	v6 =	vshll.u32 v6, $0x3  }
.Ltmp3:
0x17b: {  	v5 =	vshll.u32 v5, $0x3;
	v10 =	vor.u32 $0x2, v6;
	v8 =	vor.u32 $0x3, v6;
	(pc) =	sbr.rel @p0 .LBB2_8-.Ltmp3, $4  }
0x17c: {  	v5 =	vor.u32 v0, v5  }
0x17d: {  	v6 =	vor.u32 $0x1, v5  }
0x17e: {  	v7 =	vld.idx.msk [tilespmem:v7+s1+$0x0], $0xffff  }
0x17f: {  	s25 =	smov.u32 s24;
	v9 =	vld.idx.msk [tilespmem:v9+s1+$0x0], $0xffff  }
0x180: {  	_ =	sdelay $0x3  }
0x181: {  	v10 =	vld.idx.msk [tilespmem:v10+s1+$0x0], $0xffff  }
0x182: {  	v8 =	vld.idx.msk [tilespmem:v8+s1+$0x0], $0xffff;
	_ =	sdelay $0x3  }
0x183: {  	v7 =	vadd.f32 v10, v7  }
0x184: {  	v8 =	vadd.f32 v8, v9  }
0x185: {  	[tilespmem:v3+s16+$0x0] =	vst.idx.msk $0xffff, v7  }
0x186: {  	[tilespmem:v4+s16+$0x0] =	vst.idx.msk $0xffff, v8  }
0x187: {  	v3 =	vld [tilespmem:s21+$0x0];
	_ =	sdelay $0x4  }
0x188: {  	v3 =	vshll.u32 v3, $0x1  }
0x189: {  	v3 =	vadd.s32 $0xFFFFFFFF, v3  }
0x18a: {  	v4 =	vsub.f32 v8, v7;
	v3 =	vcvt.s32.f32 v3;
	_ =	sdelay $0x1  }
0x18b: {  	v3 =	vmul.f32 v3, v4;
	_ =	sdelay $0x1  }
0x18c: {  	[tilespmem:s20+$0x0] =	vst v3  }
0x18d: {  	v3 =	vld.idx.msk [tilespmem:v1+s15+$0x0], $0xffff  }
0x18e: {  	v4 =	vld.idx.msk [tilespmem:v2+s15+$0x0], $0xffff;
	_ =	sdelay $0x3  }
0x18f: {  	v3 =	vshll.u32 v3, $0x3  }
0x190: {  	v4 =	vshll.u32 v4, $0x3;
	v7 =	vor.u32 $0x1, v3  }
0x191: {  	v8 =	vor.u32 $0x2, v4  }
0x192: {  	v4 =	vor.u32 $0x3, v4;
	_ =	sdelay $0x1  }
0x193: {  	v3 =	vld.idx.msk [tilespmem:v3+s1+$0x0], $0xffff  }
0x194: {  	v7 =	vld.idx.msk [tilespmem:v7+s1+$0x0], $0xffff  }
0x195: {  	v8 =	vld.idx.msk [tilespmem:v8+s1+$0x0], $0xffff  }
0x196: {  	v4 =	vld.idx.msk [tilespmem:v4+s1+$0x0], $0xffff;
	_ =	sdelay $0x3  }
0x197: {  	v3 =	vadd.f32 v8, v3  }
0x198: {  	v4 =	vadd.f32 v4, v7  }
0x199: {  	[tilespmem:v1+s16+$0x0] =	vst.idx.msk $0xffff, v3  }
0x19a: {  	[tilespmem:v2+s16+$0x0] =	vst.idx.msk $0xffff, v4  }
0x19b: {  	v1 =	vld [tilespmem:s23+$0x0];
	_ =	sdelay $0x4  }
0x19c: {  	v1 =	vshll.u32 v1, $0x1  }
0x19d: {  	v1 =	vadd.s32 $0xFFFFFFFF, v1  }
0x19e: {  	v2 =	vsub.f32 v4, v3;
	v1 =	vcvt.s32.f32 v1;
	_ =	sdelay $0x1  }
0x19f: {  	v1 =	vmul.f32 v1, v2;
	_ =	sdelay $0x1  }
0x1a0: {  	[tilespmem:s22+$0x0] =	vst v1  }
0x1a1: {  	v1 =	vld.idx.msk [tilespmem:v5+s15+$0x0], $0xffff  }
0x1a2: {  	v2 =	vld.idx.msk [tilespmem:v6+s15+$0x0], $0xffff;
	_ =	sdelay $0x3  }
0x1a3: {  	v1 =	vshll.u32 v1, $0x3  }
0x1a4: {  	v2 =	vshll.u32 v2, $0x3;
	v3 =	vor.u32 $0x1, v1  }
0x1a5: {  	v4 =	vor.u32 $0x2, v2  }
0x1a6: {  	v2 =	vor.u32 $0x3, v2;
	_ =	sdelay $0x1  }
0x1a7: {  	v1 =	vld.idx.msk [tilespmem:v1+s1+$0x0], $0xffff  }
0x1a8: {  	v3 =	vld.idx.msk [tilespmem:v3+s1+$0x0], $0xffff  }
0x1a9: {  	v4 =	vld.idx.msk [tilespmem:v4+s1+$0x0], $0xffff  }
0x1aa: {  	v2 =	vld.idx.msk [tilespmem:v2+s1+$0x0], $0xffff;
	_ =	sdelay $0x3  }
0x1ab: {  	v1 =	vadd.f32 v4, v1  }
0x1ac: {  	v2 =	vadd.f32 v2, v3  }
0x1ad: {  	[tilespmem:v5+s16+$0x0] =	vst.idx.msk $0xffff, v1  }
0x1ae: {  	s19 =	sadd.s32 $0x10, s19;
	[tilespmem:v6+s16+$0x0] =	vst.idx.msk $0xffff, v2  }
0x1af: {  	v3 =	vld [tilespmem:s19+$0x0];
	_ =	sdelay $0x4  }
0x1b0: {  	v3 =	vshll.u32 v3, $0x1  }
0x1b1: {  	v3 =	vadd.s32 $0xFFFFFFFF, v3  }
0x1b2: {  	v1 =	vsub.f32 v2, v1;
	v2 =	vcvt.s32.f32 v3;
	_ =	sdelay $0x1  }
0x1b3: {  	v1 =	vmul.f32 v2, v1  }
0x1b4: {  	s18 =	sadd.s32 $0x10, s18  }
0x1b5: {  	s26 =	simm.s32 $0x0;
	s21 =	rddreg [dreg:$0x10];
	[tilespmem:s18+$0x0] =	vst v1  }
0x1b6: {  	[hbm4b:s21+s26] =	stream.linear.scatter [tilespmem:s16], [sflag:$0x1], $0x3E80, $0x38;
	[tilespmem:$0x1C520] =	vst v63  }
0x1b7: {  	_ =	swait.ge [sflag:s14], $0x3E80  }
0x1b8: {  	[sflag:s14] =	ssyncset.done $0x0  }
0x1b9: {  	s20 =	simm.s32 $0x1BD50;
	s22 =	rddreg [dreg:$0x11];
	[sflag:s14] =	ssyncadd.s32 $0xFFFFC180  }
0x1ba: {  	[hbm4b:s22+s26] =	stream.linear.scatter [tilespmem:s20], [sflag:$0x1], $0x7D0, $0x38;
	[tilespmem:$0x1C520] =	vst v63  }
0x1bb: {  	_ =	swait.ge [sflag:s14], $0x7D0  }
0x1bc: {  	[sflag:s14] =	ssyncset.done $0x0  }
0x1bd: {  	s23 =	rddreg [dreg:$0x12];
	[sflag:s14] =	ssyncadd.s32 $0xFFFFF830  }
0x1be: {  	[tilespmem:s15], [sflag:$0x1] =	stream.linear.gather [hbm4b:s23+s26], $0x3E80, $0x38;
	[tilespmem:$0x1C520] =	vst v63  }
0x1bf: {  	v1 =	vmov s26;
	_ =	swait.ge [sflag:s14], $0x3E80  }
0x1c0: {  	v1 =	vshll.u32 v1, $0x3;
	[sflag:s14] =	ssyncset.done $0x0  }
0x1c1: {  	s21 =	simm.s32 $0x17700;
	v3 =	vor.u32 v0, v1;
	s24 =	rddreg [dreg:$0x14];
	[sflag:s14] =	ssyncadd.s32 $0xFFFFC180  }
0x1c2: {  	[tilespmem:s21], [sflag:$0x1] =	stream.linear.gather [hbm4b:s24+s26], $0x7D0, $0x38;
	[tilespmem:$0x1C520] =	vst v63  }
0x1c3: {  	v4 =	vor.u32 $0x1, v3;
	_ =	swait.ge [sflag:s14], $0x7D0  }
0x1c4: {  	[sflag:s14] =	ssyncset.done $0x0  }
0x1c5: {  	[sflag:s14] =	ssyncadd.s32 $0xFFFFF830  }
0x1c6: {  	v1 =	vld.idx.msk [tilespmem:v3+s15+$0x0], $0xffff;
	_ =	sdelay $0x1  }
0x1c7: {  	v5 =	vld.idx.msk [tilespmem:v4+s15+$0x0], $0xffff;
	_ =	sdelay $0x2  }
0x1c8: {  	v6 =	vshll.u32 v1, $0x3  }
0x1c9: {  	v9 =	vor.u32 $0x1, v6  }
0x1ca: {  	s25 =	simm.s32 $0x10;
	s26 =	simm.s32 $0x20;
	v8 =	vshll.u32 v5, $0x3  }
0x1cb: {  	v2 =	vmov s26;
	v1 =	vmov s25;
	v10 =	vor.u32 $0x2, v8  }
0x1cc: {  	v7 =	vshll.u32 v2, $0x3;
	v1 =	vshll.u32 v1, $0x3;
	v8 =	vor.u32 $0x3, v8  }
0x1cd: {  	s19 =	simm.s32 $0x17710;
	s18 =	simm.s32 $0x1BD60;
	v5 =	vor.u32 v0, v7;
	v1 =	vor.u32 v0, v1;
	v7 =	vld.idx.msk [tilespmem:v6+s1+$0x0], $0xffff  }
0x1ce: {  	s22 =	simm.s32 $0x1BD60;
	s23 =	simm.s32 $0x17710;
	s25 =	simm.s32 $0x30;
	v2 =	vor.u32 $0x1, v1;
	v6 =	vor.u32 $0x1, v5;
	v9 =	vld.idx.msk [tilespmem:v9+s1+$0x0], $0xffff  }
.LBB2_10:
0x1cf: {  	s19 =	sadd.s32 $0x10, s19  }
0x1d0: {  	s18 =	sadd.s32 $0x10, s18;
	v10 =	vld.idx.msk [tilespmem:v10+s1+$0x0], $0xffff;
	s26 =	smov.u32 s25;
	s24 =	sadd.s32 $0x10, s25  }
0x1d1: {  	p0 =	sne.s32 s25, $0x7C0;
	v8 =	vld.idx.msk [tilespmem:v8+s1+$0x0], $0xffff;
	_ =	sdelay $0x4  }
0x1d2: {  	v7 =	vadd.f32 v10, v7  }
0x1d3: {  	v8 =	vadd.f32 v8, v9  }
0x1d4: {  	[tilespmem:v3+s16+$0x0] =	vst.idx.msk $0xffff, v7;
	v3 =	vmov v1;
	v1 =	vmov v5  }
0x1d5: {  	v5 =	vsub.f32 v8, v7;
	[tilespmem:v4+s16+$0x0] =	vst.idx.msk $0xffff, v8;
	v4 =	vmov v2;
	v2 =	vmov v6  }
0x1d6: {  	v6 =	vld [tilespmem:s21+$0x0];
	s21 =	smov.u32 s23;
	s23 =	smov.u32 s19;
	_ =	sdelay $0x4  }
0x1d7: {  	v6 =	vshll.u32 v6, $0x1  }
0x1d8: {  	v6 =	vadd.s32 $0xFFFFFFFF, v6  }
0x1d9: {  	v6 =	vcvt.s32.f32 v6;
	_ =	sdelay $0x1  }
0x1da: {  	v5 =	vmul.f32 v6, v5;
	_ =	sdelay $0x1  }
0x1db: {  	[tilespmem:s20+$0x0] =	vst v5;
	s20 =	smov.u32 s22;
	s22 =	smov.u32 s18  }
0x1dc: {  	v5 =	vld.idx.msk [tilespmem:v3+s15+$0x0], $0xffff  }
0x1dd: {  	v6 =	vld.idx.msk [tilespmem:v4+s15+$0x0], $0xffff;
	_ =	sdelay $0x4  }
0x1de: {  	v7 =	vshll.u32 v5, $0x3  }
0x1df: {  	v5 =	vmov s26;
	v9 =	vor.u32 $0x1, v7;
	v6 =	vshll.u32 v6, $0x3  }
.Ltmp4:
0x1e0: {  	v5 =	vshll.u32 v5, $0x3;
	v10 =	vor.u32 $0x2, v6;
	v8 =	vor.u32 $0x3, v6;
	(pc) =	sbr.rel @p0 .LBB2_10-.Ltmp4, $4  }
0x1e1: {  	v5 =	vor.u32 v0, v5  }
0x1e2: {  	v6 =	vor.u32 $0x1, v5  }
0x1e3: {  	v7 =	vld.idx.msk [tilespmem:v7+s1+$0x0], $0xffff  }
0x1e4: {  	s25 =	smov.u32 s24;
	v9 =	vld.idx.msk [tilespmem:v9+s1+$0x0], $0xffff  }
0x1e5: {  	_ =	sdelay $0x3  }
0x1e6: {  	v10 =	vld.idx.msk [tilespmem:v10+s1+$0x0], $0xffff  }
0x1e7: {  	v8 =	vld.idx.msk [tilespmem:v8+s1+$0x0], $0xffff;
	_ =	sdelay $0x3  }
0x1e8: {  	v7 =	vadd.f32 v10, v7  }
0x1e9: {  	v8 =	vadd.f32 v8, v9  }
0x1ea: {  	[tilespmem:v3+s16+$0x0] =	vst.idx.msk $0xffff, v7  }
0x1eb: {  	[tilespmem:v4+s16+$0x0] =	vst.idx.msk $0xffff, v8  }
0x1ec: {  	v3 =	vld [tilespmem:s21+$0x0];
	_ =	sdelay $0x4  }
0x1ed: {  	v3 =	vshll.u32 v3, $0x1  }
0x1ee: {  	v3 =	vadd.s32 $0xFFFFFFFF, v3  }
0x1ef: {  	v4 =	vsub.f32 v8, v7;
	v3 =	vcvt.s32.f32 v3;
	_ =	sdelay $0x1  }
0x1f0: {  	v3 =	vmul.f32 v3, v4;
	_ =	sdelay $0x1  }
0x1f1: {  	[tilespmem:s20+$0x0] =	vst v3  }
0x1f2: {  	v3 =	vld.idx.msk [tilespmem:v1+s15+$0x0], $0xffff  }
0x1f3: {  	v4 =	vld.idx.msk [tilespmem:v2+s15+$0x0], $0xffff;
	_ =	sdelay $0x3  }
0x1f4: {  	v3 =	vshll.u32 v3, $0x3  }
0x1f5: {  	v4 =	vshll.u32 v4, $0x3;
	v7 =	vor.u32 $0x1, v3  }
0x1f6: {  	v8 =	vor.u32 $0x2, v4  }
0x1f7: {  	v4 =	vor.u32 $0x3, v4;
	_ =	sdelay $0x1  }
0x1f8: {  	v3 =	vld.idx.msk [tilespmem:v3+s1+$0x0], $0xffff  }
0x1f9: {  	v7 =	vld.idx.msk [tilespmem:v7+s1+$0x0], $0xffff  }
0x1fa: {  	v8 =	vld.idx.msk [tilespmem:v8+s1+$0x0], $0xffff  }
0x1fb: {  	v4 =	vld.idx.msk [tilespmem:v4+s1+$0x0], $0xffff;
	_ =	sdelay $0x3  }
0x1fc: {  	v3 =	vadd.f32 v8, v3  }
0x1fd: {  	v4 =	vadd.f32 v4, v7  }
0x1fe: {  	[tilespmem:v1+s16+$0x0] =	vst.idx.msk $0xffff, v3  }
0x1ff: {  	[tilespmem:v2+s16+$0x0] =	vst.idx.msk $0xffff, v4  }
0x200: {  	v1 =	vld [tilespmem:s23+$0x0];
	_ =	sdelay $0x4  }
0x201: {  	v1 =	vshll.u32 v1, $0x1  }
0x202: {  	v1 =	vadd.s32 $0xFFFFFFFF, v1  }
0x203: {  	v2 =	vsub.f32 v4, v3;
	v1 =	vcvt.s32.f32 v1;
	_ =	sdelay $0x1  }
0x204: {  	v1 =	vmul.f32 v1, v2;
	_ =	sdelay $0x1  }
0x205: {  	[tilespmem:s22+$0x0] =	vst v1  }
0x206: {  	v1 =	vld.idx.msk [tilespmem:v5+s15+$0x0], $0xffff  }
0x207: {  	v2 =	vld.idx.msk [tilespmem:v6+s15+$0x0], $0xffff;
	_ =	sdelay $0x3  }
0x208: {  	v1 =	vshll.u32 v1, $0x3  }
0x209: {  	v2 =	vshll.u32 v2, $0x3;
	v3 =	vor.u32 $0x1, v1  }
0x20a: {  	v4 =	vor.u32 $0x2, v2  }
0x20b: {  	v2 =	vor.u32 $0x3, v2;
	_ =	sdelay $0x1  }
0x20c: {  	v1 =	vld.idx.msk [tilespmem:v1+s1+$0x0], $0xffff  }
0x20d: {  	v3 =	vld.idx.msk [tilespmem:v3+s1+$0x0], $0xffff  }
0x20e: {  	v4 =	vld.idx.msk [tilespmem:v4+s1+$0x0], $0xffff  }
0x20f: {  	v2 =	vld.idx.msk [tilespmem:v2+s1+$0x0], $0xffff;
	_ =	sdelay $0x3  }
0x210: {  	v1 =	vadd.f32 v4, v1  }
0x211: {  	v2 =	vadd.f32 v2, v3  }
0x212: {  	[tilespmem:v5+s16+$0x0] =	vst.idx.msk $0xffff, v1  }
0x213: {  	s19 =	sadd.s32 $0x10, s19;
	[tilespmem:v6+s16+$0x0] =	vst.idx.msk $0xffff, v2  }
0x214: {  	v3 =	vld [tilespmem:s19+$0x0];
	_ =	sdelay $0x4  }
0x215: {  	v3 =	vshll.u32 v3, $0x1  }
0x216: {  	v3 =	vadd.s32 $0xFFFFFFFF, v3  }
0x217: {  	v1 =	vsub.f32 v2, v1;
	v2 =	vcvt.s32.f32 v3;
	_ =	sdelay $0x1  }
0x218: {  	v1 =	vmul.f32 v2, v1  }
0x219: {  	s18 =	sadd.s32 $0x10, s18  }
0x21a: {  	s26 =	simm.s32 $0x0;
	s21 =	rddreg [dreg:$0x13];
	[tilespmem:s18+$0x0] =	vst v1  }
0x21b: {  	[hbm4b:s21+s26] =	stream.linear.scatter [tilespmem:s16], [sflag:$0x1], $0x3E80, $0x38;
	[tilespmem:$0x1C520] =	vst v63  }
0x21c: {  	_ =	swait.ge [sflag:s14], $0x3E80  }
0x21d: {  	[sflag:s14] =	ssyncset.done $0x0  }
0x21e: {  	s20 =	simm.s32 $0x1BD50;
	s22 =	rddreg [dreg:$0x15];
	[sflag:s14] =	ssyncadd.s32 $0xFFFFC180  }
0x21f: {  	[hbm4b:s22+s26] =	stream.linear.scatter [tilespmem:s20], [sflag:$0x1], $0x7D0, $0x38;
	[tilespmem:$0x1C520] =	vst v63  }
0x220: {  	_ =	swait.ge [sflag:s14], $0x7D0  }
0x221: {  	[sflag:s14] =	ssyncset.done $0x0  }
0x222: {  	s23 =	rddreg [dreg:$0x16];
	[sflag:s14] =	ssyncadd.s32 $0xFFFFF830  }
0x223: {  	[tilespmem:s15], [sflag:$0x1] =	stream.linear.gather [hbm4b:s23+s26], $0x3E80, $0x38;
	[tilespmem:$0x1C520] =	vst v63  }
0x224: {  	v1 =	vmov s26;
	_ =	swait.ge [sflag:s14], $0x3E80  }
0x225: {  	v1 =	vshll.u32 v1, $0x3;
	[sflag:s14] =	ssyncset.done $0x0  }
0x226: {  	s21 =	simm.s32 $0x17700;
	v3 =	vor.u32 v0, v1;
	s24 =	rddreg [dreg:$0x18];
	[sflag:s14] =	ssyncadd.s32 $0xFFFFC180  }
0x227: {  	[tilespmem:s21], [sflag:$0x1] =	stream.linear.gather [hbm4b:s24+s26], $0x7D0, $0x38;
	[tilespmem:$0x1C520] =	vst v63  }
0x228: {  	v4 =	vor.u32 $0x1, v3;
	_ =	swait.ge [sflag:s14], $0x7D0  }
0x229: {  	[sflag:s14] =	ssyncset.done $0x0  }
0x22a: {  	[sflag:s14] =	ssyncadd.s32 $0xFFFFF830  }
0x22b: {  	v1 =	vld.idx.msk [tilespmem:v3+s15+$0x0], $0xffff;
	_ =	sdelay $0x1  }
0x22c: {  	v5 =	vld.idx.msk [tilespmem:v4+s15+$0x0], $0xffff;
	_ =	sdelay $0x2  }
0x22d: {  	v6 =	vshll.u32 v1, $0x3  }
0x22e: {  	v9 =	vor.u32 $0x1, v6  }
0x22f: {  	s25 =	simm.s32 $0x10;
	s26 =	simm.s32 $0x20;
	v8 =	vshll.u32 v5, $0x3  }
0x230: {  	v2 =	vmov s26;
	v1 =	vmov s25;
	v10 =	vor.u32 $0x2, v8  }
0x231: {  	v7 =	vshll.u32 v2, $0x3;
	v1 =	vshll.u32 v1, $0x3;
	v8 =	vor.u32 $0x3, v8  }
0x232: {  	s19 =	simm.s32 $0x17710;
	s18 =	simm.s32 $0x1BD60;
	v5 =	vor.u32 v0, v7;
	v1 =	vor.u32 v0, v1;
	v7 =	vld.idx.msk [tilespmem:v6+s1+$0x0], $0xffff  }
0x233: {  	s22 =	simm.s32 $0x1BD60;
	s23 =	simm.s32 $0x17710;
	s25 =	simm.s32 $0x30;
	v2 =	vor.u32 $0x1, v1;
	v6 =	vor.u32 $0x1, v5;
	v9 =	vld.idx.msk [tilespmem:v9+s1+$0x0], $0xffff  }
.LBB2_12:
0x234: {  	s19 =	sadd.s32 $0x10, s19  }
0x235: {  	s18 =	sadd.s32 $0x10, s18;
	v10 =	vld.idx.msk [tilespmem:v10+s1+$0x0], $0xffff;
	s26 =	smov.u32 s25;
	s24 =	sadd.s32 $0x10, s25  }
0x236: {  	p0 =	sne.s32 s25, $0x7C0;
	v8 =	vld.idx.msk [tilespmem:v8+s1+$0x0], $0xffff;
	_ =	sdelay $0x4  }
0x237: {  	v7 =	vadd.f32 v10, v7  }
0x238: {  	v8 =	vadd.f32 v8, v9  }
0x239: {  	[tilespmem:v3+s16+$0x0] =	vst.idx.msk $0xffff, v7;
	v3 =	vmov v1;
	v1 =	vmov v5  }
0x23a: {  	v5 =	vsub.f32 v8, v7;
	[tilespmem:v4+s16+$0x0] =	vst.idx.msk $0xffff, v8;
	v4 =	vmov v2;
	v2 =	vmov v6  }
0x23b: {  	v6 =	vld [tilespmem:s21+$0x0];
	s21 =	smov.u32 s23;
	s23 =	smov.u32 s19;
	_ =	sdelay $0x4  }
0x23c: {  	v6 =	vshll.u32 v6, $0x1  }
0x23d: {  	v6 =	vadd.s32 $0xFFFFFFFF, v6  }
0x23e: {  	v6 =	vcvt.s32.f32 v6;
	_ =	sdelay $0x1  }
0x23f: {  	v5 =	vmul.f32 v6, v5;
	_ =	sdelay $0x1  }
0x240: {  	[tilespmem:s20+$0x0] =	vst v5;
	s20 =	smov.u32 s22;
	s22 =	smov.u32 s18  }
0x241: {  	v5 =	vld.idx.msk [tilespmem:v3+s15+$0x0], $0xffff  }
0x242: {  	v6 =	vld.idx.msk [tilespmem:v4+s15+$0x0], $0xffff;
	_ =	sdelay $0x4  }
0x243: {  	v7 =	vshll.u32 v5, $0x3  }
0x244: {  	v5 =	vmov s26;
	v9 =	vor.u32 $0x1, v7;
	v6 =	vshll.u32 v6, $0x3  }
.Ltmp5:
0x245: {  	v5 =	vshll.u32 v5, $0x3;
	v10 =	vor.u32 $0x2, v6;
	v8 =	vor.u32 $0x3, v6;
	(pc) =	sbr.rel @p0 .LBB2_12-.Ltmp5, $4  }
0x246: {  	v5 =	vor.u32 v0, v5  }
0x247: {  	v6 =	vor.u32 $0x1, v5  }
0x248: {  	v7 =	vld.idx.msk [tilespmem:v7+s1+$0x0], $0xffff  }
0x249: {  	s25 =	smov.u32 s24;
	v9 =	vld.idx.msk [tilespmem:v9+s1+$0x0], $0xffff  }
0x24a: {  	_ =	sdelay $0x3  }
0x24b: {  	v10 =	vld.idx.msk [tilespmem:v10+s1+$0x0], $0xffff  }
0x24c: {  	v8 =	vld.idx.msk [tilespmem:v8+s1+$0x0], $0xffff;
	_ =	sdelay $0x3  }
0x24d: {  	v7 =	vadd.f32 v10, v7  }
0x24e: {  	v8 =	vadd.f32 v8, v9  }
0x24f: {  	[tilespmem:v3+s16+$0x0] =	vst.idx.msk $0xffff, v7  }
0x250: {  	[tilespmem:v4+s16+$0x0] =	vst.idx.msk $0xffff, v8  }
0x251: {  	v3 =	vld [tilespmem:s21+$0x0];
	_ =	sdelay $0x4  }
0x252: {  	v3 =	vshll.u32 v3, $0x1  }
0x253: {  	v3 =	vadd.s32 $0xFFFFFFFF, v3  }
0x254: {  	v4 =	vsub.f32 v8, v7;
	v3 =	vcvt.s32.f32 v3;
	_ =	sdelay $0x1  }
0x255: {  	v3 =	vmul.f32 v3, v4;
	_ =	sdelay $0x1  }
0x256: {  	[tilespmem:s20+$0x0] =	vst v3  }
0x257: {  	v3 =	vld.idx.msk [tilespmem:v1+s15+$0x0], $0xffff  }
0x258: {  	v4 =	vld.idx.msk [tilespmem:v2+s15+$0x0], $0xffff;
	_ =	sdelay $0x3  }
0x259: {  	v3 =	vshll.u32 v3, $0x3  }
0x25a: {  	v4 =	vshll.u32 v4, $0x3;
	v7 =	vor.u32 $0x1, v3  }
0x25b: {  	v8 =	vor.u32 $0x2, v4  }
0x25c: {  	v4 =	vor.u32 $0x3, v4;
	_ =	sdelay $0x1  }
0x25d: {  	v3 =	vld.idx.msk [tilespmem:v3+s1+$0x0], $0xffff  }
0x25e: {  	v7 =	vld.idx.msk [tilespmem:v7+s1+$0x0], $0xffff  }
0x25f: {  	v8 =	vld.idx.msk [tilespmem:v8+s1+$0x0], $0xffff  }
0x260: {  	v4 =	vld.idx.msk [tilespmem:v4+s1+$0x0], $0xffff;
	_ =	sdelay $0x3  }
0x261: {  	v3 =	vadd.f32 v8, v3  }
0x262: {  	v4 =	vadd.f32 v4, v7  }
0x263: {  	[tilespmem:v1+s16+$0x0] =	vst.idx.msk $0xffff, v3  }
0x264: {  	[tilespmem:v2+s16+$0x0] =	vst.idx.msk $0xffff, v4  }
0x265: {  	v1 =	vld [tilespmem:s23+$0x0];
	_ =	sdelay $0x4  }
0x266: {  	v1 =	vshll.u32 v1, $0x1  }
0x267: {  	v1 =	vadd.s32 $0xFFFFFFFF, v1  }
0x268: {  	v2 =	vsub.f32 v4, v3;
	v1 =	vcvt.s32.f32 v1;
	_ =	sdelay $0x1  }
0x269: {  	v1 =	vmul.f32 v1, v2;
	_ =	sdelay $0x1  }
0x26a: {  	[tilespmem:s22+$0x0] =	vst v1  }
0x26b: {  	v1 =	vld.idx.msk [tilespmem:v5+s15+$0x0], $0xffff  }
0x26c: {  	v2 =	vld.idx.msk [tilespmem:v6+s15+$0x0], $0xffff;
	_ =	sdelay $0x3  }
0x26d: {  	v1 =	vshll.u32 v1, $0x3  }
0x26e: {  	v2 =	vshll.u32 v2, $0x3;
	v3 =	vor.u32 $0x1, v1  }
0x26f: {  	v4 =	vor.u32 $0x2, v2  }
0x270: {  	v2 =	vor.u32 $0x3, v2;
	_ =	sdelay $0x1  }
0x271: {  	v1 =	vld.idx.msk [tilespmem:v1+s1+$0x0], $0xffff  }
0x272: {  	v3 =	vld.idx.msk [tilespmem:v3+s1+$0x0], $0xffff  }
0x273: {  	v4 =	vld.idx.msk [tilespmem:v4+s1+$0x0], $0xffff  }
0x274: {  	v2 =	vld.idx.msk [tilespmem:v2+s1+$0x0], $0xffff;
	_ =	sdelay $0x3  }
0x275: {  	v1 =	vadd.f32 v4, v1  }
0x276: {  	v2 =	vadd.f32 v2, v3  }
0x277: {  	[tilespmem:v5+s16+$0x0] =	vst.idx.msk $0xffff, v1  }
0x278: {  	s19 =	sadd.s32 $0x10, s19;
	[tilespmem:v6+s16+$0x0] =	vst.idx.msk $0xffff, v2  }
0x279: {  	v3 =	vld [tilespmem:s19+$0x0];
	_ =	sdelay $0x4  }
0x27a: {  	v3 =	vshll.u32 v3, $0x1  }
0x27b: {  	v3 =	vadd.s32 $0xFFFFFFFF, v3  }
0x27c: {  	v1 =	vsub.f32 v2, v1;
	v2 =	vcvt.s32.f32 v3;
	_ =	sdelay $0x1  }
0x27d: {  	v1 =	vmul.f32 v2, v1  }
0x27e: {  	s18 =	sadd.s32 $0x10, s18  }
0x27f: {  	s26 =	simm.s32 $0x0;
	s21 =	rddreg [dreg:$0x17];
	[tilespmem:s18+$0x0] =	vst v1  }
0x280: {  	[hbm4b:s21+s26] =	stream.linear.scatter [tilespmem:s16], [sflag:$0x1], $0x3E80, $0x38;
	[tilespmem:$0x1C520] =	vst v63  }
0x281: {  	_ =	swait.ge [sflag:s14], $0x3E80  }
0x282: {  	[sflag:s14] =	ssyncset.done $0x0  }
0x283: {  	s20 =	simm.s32 $0x1BD50;
	s22 =	rddreg [dreg:$0x19];
	[sflag:s14] =	ssyncadd.s32 $0xFFFFC180  }
0x284: {  	[hbm4b:s22+s26] =	stream.linear.scatter [tilespmem:s20], [sflag:$0x1], $0x7D0, $0x38;
	[tilespmem:$0x1C520] =	vst v63  }
0x285: {  	_ =	swait.ge [sflag:s14], $0x7D0  }
0x286: {  	[sflag:s14] =	ssyncset.done $0x0  }
0x287: {  	s23 =	rddreg [dreg:$0x1a];
	[sflag:s14] =	ssyncadd.s32 $0xFFFFF830  }
0x288: {  	[tilespmem:s15], [sflag:$0x1] =	stream.linear.gather [hbm4b:s23+s26], $0x3E80, $0x38;
	[tilespmem:$0x1C520] =	vst v63  }
0x289: {  	v1 =	vmov s26;
	_ =	swait.ge [sflag:s14], $0x3E80  }
0x28a: {  	v1 =	vshll.u32 v1, $0x3;
	[sflag:s14] =	ssyncset.done $0x0  }
0x28b: {  	s21 =	simm.s32 $0x17700;
	v3 =	vor.u32 v0, v1;
	s24 =	rddreg [dreg:$0x1c];
	[sflag:s14] =	ssyncadd.s32 $0xFFFFC180  }
0x28c: {  	[tilespmem:s21], [sflag:$0x1] =	stream.linear.gather [hbm4b:s24+s26], $0x7D0, $0x38;
	[tilespmem:$0x1C520] =	vst v63  }
0x28d: {  	v4 =	vor.u32 $0x1, v3;
	_ =	swait.ge [sflag:s14], $0x7D0  }
0x28e: {  	[sflag:s14] =	ssyncset.done $0x0  }
0x28f: {  	[sflag:s14] =	ssyncadd.s32 $0xFFFFF830  }
0x290: {  	v1 =	vld.idx.msk [tilespmem:v3+s15+$0x0], $0xffff;
	_ =	sdelay $0x1  }
0x291: {  	v5 =	vld.idx.msk [tilespmem:v4+s15+$0x0], $0xffff;
	_ =	sdelay $0x2  }
0x292: {  	v6 =	vshll.u32 v1, $0x3  }
0x293: {  	v9 =	vor.u32 $0x1, v6  }
0x294: {  	s25 =	simm.s32 $0x10;
	s26 =	simm.s32 $0x20;
	v8 =	vshll.u32 v5, $0x3  }
0x295: {  	v2 =	vmov s26;
	v1 =	vmov s25;
	v10 =	vor.u32 $0x2, v8  }
0x296: {  	v7 =	vshll.u32 v2, $0x3;
	v1 =	vshll.u32 v1, $0x3;
	v8 =	vor.u32 $0x3, v8  }
0x297: {  	s19 =	simm.s32 $0x17710;
	s18 =	simm.s32 $0x1BD60;
	v5 =	vor.u32 v0, v7;
	v1 =	vor.u32 v0, v1;
	v7 =	vld.idx.msk [tilespmem:v6+s1+$0x0], $0xffff  }
0x298: {  	s22 =	simm.s32 $0x1BD60;
	s23 =	simm.s32 $0x17710;
	s25 =	simm.s32 $0x30;
	v2 =	vor.u32 $0x1, v1;
	v6 =	vor.u32 $0x1, v5;
	v9 =	vld.idx.msk [tilespmem:v9+s1+$0x0], $0xffff  }
.LBB2_14:
0x299: {  	s19 =	sadd.s32 $0x10, s19  }
0x29a: {  	s18 =	sadd.s32 $0x10, s18;
	v10 =	vld.idx.msk [tilespmem:v10+s1+$0x0], $0xffff;
	s26 =	smov.u32 s25;
	s24 =	sadd.s32 $0x10, s25  }
0x29b: {  	p0 =	sne.s32 s25, $0x7C0;
	v8 =	vld.idx.msk [tilespmem:v8+s1+$0x0], $0xffff;
	_ =	sdelay $0x4  }
0x29c: {  	v7 =	vadd.f32 v10, v7  }
0x29d: {  	v8 =	vadd.f32 v8, v9  }
0x29e: {  	[tilespmem:v3+s16+$0x0] =	vst.idx.msk $0xffff, v7;
	v3 =	vmov v1;
	v1 =	vmov v5  }
0x29f: {  	v5 =	vsub.f32 v8, v7;
	[tilespmem:v4+s16+$0x0] =	vst.idx.msk $0xffff, v8;
	v4 =	vmov v2;
	v2 =	vmov v6  }
0x2a0: {  	v6 =	vld [tilespmem:s21+$0x0];
	s21 =	smov.u32 s23;
	s23 =	smov.u32 s19;
	_ =	sdelay $0x4  }
0x2a1: {  	v6 =	vshll.u32 v6, $0x1  }
0x2a2: {  	v6 =	vadd.s32 $0xFFFFFFFF, v6  }
0x2a3: {  	v6 =	vcvt.s32.f32 v6;
	_ =	sdelay $0x1  }
0x2a4: {  	v5 =	vmul.f32 v6, v5;
	_ =	sdelay $0x1  }
0x2a5: {  	[tilespmem:s20+$0x0] =	vst v5;
	s20 =	smov.u32 s22;
	s22 =	smov.u32 s18  }
0x2a6: {  	v5 =	vld.idx.msk [tilespmem:v3+s15+$0x0], $0xffff  }
0x2a7: {  	v6 =	vld.idx.msk [tilespmem:v4+s15+$0x0], $0xffff;
	_ =	sdelay $0x4  }
0x2a8: {  	v7 =	vshll.u32 v5, $0x3  }
0x2a9: {  	v5 =	vmov s26;
	v9 =	vor.u32 $0x1, v7;
	v6 =	vshll.u32 v6, $0x3  }
.Ltmp6:
0x2aa: {  	v5 =	vshll.u32 v5, $0x3;
	v10 =	vor.u32 $0x2, v6;
	v8 =	vor.u32 $0x3, v6;
	(pc) =	sbr.rel @p0 .LBB2_14-.Ltmp6, $4  }
0x2ab: {  	v5 =	vor.u32 v0, v5  }
0x2ac: {  	v6 =	vor.u32 $0x1, v5  }
0x2ad: {  	v7 =	vld.idx.msk [tilespmem:v7+s1+$0x0], $0xffff  }
0x2ae: {  	s25 =	smov.u32 s24;
	v9 =	vld.idx.msk [tilespmem:v9+s1+$0x0], $0xffff  }
0x2af: {  	_ =	sdelay $0x3  }
0x2b0: {  	v10 =	vld.idx.msk [tilespmem:v10+s1+$0x0], $0xffff  }
0x2b1: {  	v8 =	vld.idx.msk [tilespmem:v8+s1+$0x0], $0xffff;
	_ =	sdelay $0x3  }
0x2b2: {  	v7 =	vadd.f32 v10, v7  }
0x2b3: {  	v8 =	vadd.f32 v8, v9  }
0x2b4: {  	[tilespmem:v3+s16+$0x0] =	vst.idx.msk $0xffff, v7  }
0x2b5: {  	[tilespmem:v4+s16+$0x0] =	vst.idx.msk $0xffff, v8  }
0x2b6: {  	v3 =	vld [tilespmem:s21+$0x0];
	_ =	sdelay $0x4  }
0x2b7: {  	v3 =	vshll.u32 v3, $0x1  }
0x2b8: {  	v3 =	vadd.s32 $0xFFFFFFFF, v3  }
0x2b9: {  	v4 =	vsub.f32 v8, v7;
	v3 =	vcvt.s32.f32 v3;
	_ =	sdelay $0x1  }
0x2ba: {  	v3 =	vmul.f32 v3, v4;
	_ =	sdelay $0x1  }
0x2bb: {  	[tilespmem:s20+$0x0] =	vst v3  }
0x2bc: {  	v3 =	vld.idx.msk [tilespmem:v1+s15+$0x0], $0xffff  }
0x2bd: {  	v4 =	vld.idx.msk [tilespmem:v2+s15+$0x0], $0xffff;
	_ =	sdelay $0x3  }
0x2be: {  	v3 =	vshll.u32 v3, $0x3  }
0x2bf: {  	v4 =	vshll.u32 v4, $0x3;
	v7 =	vor.u32 $0x1, v3  }
0x2c0: {  	v8 =	vor.u32 $0x2, v4  }
0x2c1: {  	v4 =	vor.u32 $0x3, v4;
	_ =	sdelay $0x1  }
0x2c2: {  	v3 =	vld.idx.msk [tilespmem:v3+s1+$0x0], $0xffff  }
0x2c3: {  	v7 =	vld.idx.msk [tilespmem:v7+s1+$0x0], $0xffff  }
0x2c4: {  	v8 =	vld.idx.msk [tilespmem:v8+s1+$0x0], $0xffff  }
0x2c5: {  	v4 =	vld.idx.msk [tilespmem:v4+s1+$0x0], $0xffff;
	_ =	sdelay $0x3  }
0x2c6: {  	v3 =	vadd.f32 v8, v3  }
0x2c7: {  	v4 =	vadd.f32 v4, v7  }
0x2c8: {  	[tilespmem:v1+s16+$0x0] =	vst.idx.msk $0xffff, v3  }
0x2c9: {  	[tilespmem:v2+s16+$0x0] =	vst.idx.msk $0xffff, v4  }
0x2ca: {  	v1 =	vld [tilespmem:s23+$0x0];
	_ =	sdelay $0x4  }
0x2cb: {  	v1 =	vshll.u32 v1, $0x1  }
0x2cc: {  	v1 =	vadd.s32 $0xFFFFFFFF, v1  }
0x2cd: {  	v2 =	vsub.f32 v4, v3;
	v1 =	vcvt.s32.f32 v1;
	_ =	sdelay $0x1  }
0x2ce: {  	v1 =	vmul.f32 v1, v2;
	_ =	sdelay $0x1  }
0x2cf: {  	[tilespmem:s22+$0x0] =	vst v1  }
0x2d0: {  	v1 =	vld.idx.msk [tilespmem:v5+s15+$0x0], $0xffff  }
0x2d1: {  	v2 =	vld.idx.msk [tilespmem:v6+s15+$0x0], $0xffff;
	_ =	sdelay $0x3  }
0x2d2: {  	v1 =	vshll.u32 v1, $0x3  }
0x2d3: {  	v2 =	vshll.u32 v2, $0x3;
	v3 =	vor.u32 $0x1, v1  }
0x2d4: {  	v4 =	vor.u32 $0x2, v2  }
0x2d5: {  	v2 =	vor.u32 $0x3, v2;
	_ =	sdelay $0x1  }
0x2d6: {  	v1 =	vld.idx.msk [tilespmem:v1+s1+$0x0], $0xffff  }
0x2d7: {  	v3 =	vld.idx.msk [tilespmem:v3+s1+$0x0], $0xffff  }
0x2d8: {  	v4 =	vld.idx.msk [tilespmem:v4+s1+$0x0], $0xffff  }
0x2d9: {  	v2 =	vld.idx.msk [tilespmem:v2+s1+$0x0], $0xffff;
	_ =	sdelay $0x3  }
0x2da: {  	v1 =	vadd.f32 v4, v1  }
0x2db: {  	v2 =	vadd.f32 v2, v3  }
0x2dc: {  	[tilespmem:v5+s16+$0x0] =	vst.idx.msk $0xffff, v1  }
0x2dd: {  	s19 =	sadd.s32 $0x10, s19;
	[tilespmem:v6+s16+$0x0] =	vst.idx.msk $0xffff, v2  }
0x2de: {  	v3 =	vld [tilespmem:s19+$0x0];
	_ =	sdelay $0x4  }
0x2df: {  	v3 =	vshll.u32 v3, $0x1  }
0x2e0: {  	v3 =	vadd.s32 $0xFFFFFFFF, v3  }
0x2e1: {  	v1 =	vsub.f32 v2, v1;
	v2 =	vcvt.s32.f32 v3;
	_ =	sdelay $0x1  }
0x2e2: {  	v1 =	vmul.f32 v2, v1  }
0x2e3: {  	s18 =	sadd.s32 $0x10, s18  }
0x2e4: {  	s24 =	rddreg [dreg:$0x1b];
	s23 =	simm.s32 $0x0;
	[tilespmem:s18+$0x0] =	vst v1  }
0x2e5: {  	[hbm4b:s24+s23] =	stream.linear.scatter [tilespmem:s16], [sflag:$0x1], $0x3E80, $0x38;
	[tilespmem:$0x1C520] =	vst v63  }
0x2e6: {  	_ =	swait.ge [sflag:s14], $0x3E80  }
0x2e7: {  	[sflag:s14] =	ssyncset.done $0x0  }
0x2e8: {  	s20 =	simm.s32 $0x1BD50;
	[sflag:s14] =	ssyncadd.s32 $0xFFFFC180  }
0x2e9: {  	[hbm4b:s28+s23] =	stream.linear.scatter [tilespmem:s20], [sflag:$0x1], $0x7D0, $0x38;
	[tilespmem:$0x1C520] =	vst v63  }
0x2ea: {  	_ =	swait.ge [sflag:s14], $0x7D0  }
0x2eb: {  	[sflag:s14] =	ssyncset.done $0x0  }
0x2ec: {  	[sflag:s14] =	ssyncadd.s32 $0xFFFFF830  }
0x2ed: {  	[tilespmem:s15], [sflag:$0x1] =	stream.linear.gather [hbm4b:s29+s23], $0x3E80, $0x38;
	[tilespmem:$0x1C520] =	vst v63  }
0x2ee: {  	v1 =	vmov s23;
	_ =	swait.ge [sflag:s14], $0x3E80  }
0x2ef: {  	v1 =	vshll.u32 v1, $0x3;
	[sflag:s14] =	ssyncset.done $0x0  }
0x2f0: {  	s21 =	simm.s32 $0x17700;
	v3 =	vor.u32 v0, v1;
	[sflag:s14] =	ssyncadd.s32 $0xFFFFC180  }
0x2f1: {  	[tilespmem:s21], [sflag:$0x1] =	stream.linear.gather [hbm4b:s31+s23], $0x7D0, $0x38;
	[tilespmem:$0x1C520] =	vst v63  }
0x2f2: {  	v4 =	vor.u32 $0x1, v3;
	_ =	swait.ge [sflag:s14], $0x7D0  }
0x2f3: {  	[sflag:s14] =	ssyncset.done $0x0  }
0x2f4: {  	[sflag:s14] =	ssyncadd.s32 $0xFFFFF830  }
0x2f5: {  	v1 =	vld.idx.msk [tilespmem:v3+s15+$0x0], $0xffff;
	_ =	sdelay $0x1  }
0x2f6: {  	v5 =	vld.idx.msk [tilespmem:v4+s15+$0x0], $0xffff;
	_ =	sdelay $0x2  }
0x2f7: {  	v6 =	vshll.u32 v1, $0x3  }
0x2f8: {  	v9 =	vor.u32 $0x1, v6  }
0x2f9: {  	s25 =	simm.s32 $0x10;
	s26 =	simm.s32 $0x20;
	v8 =	vshll.u32 v5, $0x3  }
0x2fa: {  	v2 =	vmov s26;
	v1 =	vmov s25;
	v10 =	vor.u32 $0x2, v8  }
0x2fb: {  	v7 =	vshll.u32 v2, $0x3;
	v1 =	vshll.u32 v1, $0x3;
	v8 =	vor.u32 $0x3, v8  }
0x2fc: {  	s22 =	simm.s32 $0x1BD60;
	s19 =	simm.s32 $0x17710;
	v5 =	vor.u32 v0, v7;
	v1 =	vor.u32 v0, v1;
	v7 =	vld.idx.msk [tilespmem:v6+s1+$0x0], $0xffff  }
0x2fd: {  	s18 =	simm.s32 $0x1BD60;
	s23 =	simm.s32 $0x17710;
	s25 =	simm.s32 $0x30;
	v2 =	vor.u32 $0x1, v1;
	v6 =	vor.u32 $0x1, v5;
	v9 =	vld.idx.msk [tilespmem:v9+s1+$0x0], $0xffff  }
.LBB2_16:
0x2fe: {  	s19 =	sadd.s32 $0x10, s19  }
0x2ff: {  	s18 =	sadd.s32 $0x10, s18;
	v10 =	vld.idx.msk [tilespmem:v10+s1+$0x0], $0xffff;
	s26 =	smov.u32 s25;
	s24 =	sadd.s32 $0x10, s25  }
0x300: {  	p0 =	sne.s32 s25, $0x7C0;
	v8 =	vld.idx.msk [tilespmem:v8+s1+$0x0], $0xffff;
	_ =	sdelay $0x4  }
0x301: {  	v7 =	vadd.f32 v10, v7  }
0x302: {  	v8 =	vadd.f32 v8, v9  }
0x303: {  	[tilespmem:v3+s16+$0x0] =	vst.idx.msk $0xffff, v7;
	v3 =	vmov v1;
	v1 =	vmov v5  }
0x304: {  	v5 =	vsub.f32 v8, v7;
	[tilespmem:v4+s16+$0x0] =	vst.idx.msk $0xffff, v8;
	v4 =	vmov v2;
	v2 =	vmov v6  }
0x305: {  	v6 =	vld [tilespmem:s21+$0x0];
	s21 =	smov.u32 s23;
	s23 =	smov.u32 s19;
	_ =	sdelay $0x4  }
0x306: {  	v6 =	vshll.u32 v6, $0x1  }
0x307: {  	v6 =	vadd.s32 $0xFFFFFFFF, v6  }
0x308: {  	v6 =	vcvt.s32.f32 v6;
	_ =	sdelay $0x1  }
0x309: {  	v5 =	vmul.f32 v6, v5;
	_ =	sdelay $0x1  }
0x30a: {  	[tilespmem:s20+$0x0] =	vst v5;
	s20 =	smov.u32 s22;
	s22 =	smov.u32 s18  }
0x30b: {  	v5 =	vld.idx.msk [tilespmem:v3+s15+$0x0], $0xffff  }
0x30c: {  	v6 =	vld.idx.msk [tilespmem:v4+s15+$0x0], $0xffff;
	_ =	sdelay $0x4  }
0x30d: {  	v7 =	vshll.u32 v5, $0x3  }
0x30e: {  	v5 =	vmov s26;
	v9 =	vor.u32 $0x1, v7;
	v6 =	vshll.u32 v6, $0x3  }
.Ltmp7:
0x30f: {  	v5 =	vshll.u32 v5, $0x3;
	v10 =	vor.u32 $0x2, v6;
	v8 =	vor.u32 $0x3, v6;
	(pc) =	sbr.rel @p0 .LBB2_16-.Ltmp7, $4  }
0x310: {  	v5 =	vor.u32 v0, v5  }
0x311: {  	v6 =	vor.u32 $0x1, v5  }
0x312: {  	v7 =	vld.idx.msk [tilespmem:v7+s1+$0x0], $0xffff  }
0x313: {  	s25 =	smov.u32 s24;
	v9 =	vld.idx.msk [tilespmem:v9+s1+$0x0], $0xffff  }
0x314: {  	_ =	sdelay $0x3  }
0x315: {  	v10 =	vld.idx.msk [tilespmem:v10+s1+$0x0], $0xffff  }
0x316: {  	v8 =	vld.idx.msk [tilespmem:v8+s1+$0x0], $0xffff;
	_ =	sdelay $0x3  }
0x317: {  	v7 =	vadd.f32 v10, v7  }
0x318: {  	v8 =	vadd.f32 v8, v9  }
0x319: {  	[tilespmem:v3+s16+$0x0] =	vst.idx.msk $0xffff, v7  }
0x31a: {  	[tilespmem:v4+s16+$0x0] =	vst.idx.msk $0xffff, v8  }
0x31b: {  	v3 =	vld [tilespmem:s21+$0x0];
	_ =	sdelay $0x4  }
0x31c: {  	v3 =	vshll.u32 v3, $0x1  }
0x31d: {  	v3 =	vadd.s32 $0xFFFFFFFF, v3  }
0x31e: {  	v4 =	vsub.f32 v8, v7;
	v3 =	vcvt.s32.f32 v3;
	_ =	sdelay $0x1  }
0x31f: {  	v3 =	vmul.f32 v3, v4;
	_ =	sdelay $0x1  }
0x320: {  	[tilespmem:s20+$0x0] =	vst v3  }
0x321: {  	v3 =	vld.idx.msk [tilespmem:v1+s15+$0x0], $0xffff  }
0x322: {  	v4 =	vld.idx.msk [tilespmem:v2+s15+$0x0], $0xffff;
	_ =	sdelay $0x3  }
0x323: {  	v3 =	vshll.u32 v3, $0x3  }
0x324: {  	v4 =	vshll.u32 v4, $0x3;
	v7 =	vor.u32 $0x1, v3  }
0x325: {  	v8 =	vor.u32 $0x2, v4  }
0x326: {  	v4 =	vor.u32 $0x3, v4;
	_ =	sdelay $0x1  }
0x327: {  	v3 =	vld.idx.msk [tilespmem:v3+s1+$0x0], $0xffff  }
0x328: {  	v7 =	vld.idx.msk [tilespmem:v7+s1+$0x0], $0xffff  }
0x329: {  	v8 =	vld.idx.msk [tilespmem:v8+s1+$0x0], $0xffff  }
0x32a: {  	v4 =	vld.idx.msk [tilespmem:v4+s1+$0x0], $0xffff;
	_ =	sdelay $0x3  }
0x32b: {  	v3 =	vadd.f32 v8, v3  }
0x32c: {  	v4 =	vadd.f32 v4, v7  }
0x32d: {  	[tilespmem:v1+s16+$0x0] =	vst.idx.msk $0xffff, v3  }
0x32e: {  	[tilespmem:v2+s16+$0x0] =	vst.idx.msk $0xffff, v4  }
0x32f: {  	v1 =	vld [tilespmem:s23+$0x0];
	_ =	sdelay $0x4  }
0x330: {  	v1 =	vshll.u32 v1, $0x1  }
0x331: {  	v1 =	vadd.s32 $0xFFFFFFFF, v1  }
0x332: {  	v2 =	vsub.f32 v4, v3;
	v1 =	vcvt.s32.f32 v1;
	_ =	sdelay $0x1  }
0x333: {  	v1 =	vmul.f32 v1, v2;
	_ =	sdelay $0x1  }
0x334: {  	[tilespmem:s22+$0x0] =	vst v1  }
0x335: {  	v1 =	vld.idx.msk [tilespmem:v5+s15+$0x0], $0xffff  }
0x336: {  	v2 =	vld.idx.msk [tilespmem:v6+s15+$0x0], $0xffff;
	_ =	sdelay $0x3  }
0x337: {  	v1 =	vshll.u32 v1, $0x3  }
0x338: {  	v2 =	vshll.u32 v2, $0x3;
	v3 =	vor.u32 $0x1, v1  }
0x339: {  	v4 =	vor.u32 $0x2, v2  }
0x33a: {  	v2 =	vor.u32 $0x3, v2;
	_ =	sdelay $0x1  }
0x33b: {  	v1 =	vld.idx.msk [tilespmem:v1+s1+$0x0], $0xffff  }
0x33c: {  	v3 =	vld.idx.msk [tilespmem:v3+s1+$0x0], $0xffff  }
0x33d: {  	v4 =	vld.idx.msk [tilespmem:v4+s1+$0x0], $0xffff  }
0x33e: {  	v2 =	vld.idx.msk [tilespmem:v2+s1+$0x0], $0xffff;
	_ =	sdelay $0x3  }
0x33f: {  	v1 =	vadd.f32 v4, v1  }
0x340: {  	v2 =	vadd.f32 v2, v3  }
0x341: {  	[tilespmem:v5+s16+$0x0] =	vst.idx.msk $0xffff, v1  }
0x342: {  	s19 =	sadd.s32 $0x10, s19;
	[tilespmem:v6+s16+$0x0] =	vst.idx.msk $0xffff, v2  }
0x343: {  	v3 =	vld [tilespmem:s19+$0x0];
	_ =	sdelay $0x4  }
0x344: {  	v3 =	vshll.u32 v3, $0x1  }
0x345: {  	v3 =	vadd.s32 $0xFFFFFFFF, v3  }
0x346: {  	v1 =	vsub.f32 v2, v1;
	v2 =	vcvt.s32.f32 v3;
	_ =	sdelay $0x1  }
0x347: {  	v1 =	vmul.f32 v2, v1  }
0x348: {  	s18 =	sadd.s32 $0x10, s18  }
0x349: {  	s24 =	simm.s32 $0x0;
	[tilespmem:s18+$0x0] =	vst v1  }
0x34a: {  	[hbm4b:s30+s24] =	stream.linear.scatter [tilespmem:s16], [sflag:$0x1], $0x3E80, $0x38;
	[tilespmem:$0x1C520] =	vst v63  }
0x34b: {  	_ =	swait.ge [sflag:s14], $0x3E80  }
0x34c: {  	[sflag:s14] =	ssyncset.done $0x0  }
0x34d: {  	s20 =	simm.s32 $0x1BD50;
	[sflag:s14] =	ssyncadd.s32 $0xFFFFC180  }
0x34e: {  	[hbm4b:s0+s24] =	stream.linear.scatter [tilespmem:s20], [sflag:$0x1], $0x7D0, $0x38;
	[tilespmem:$0x1C520] =	vst v63  }
0x34f: {  	_ =	swait.ge [sflag:s14], $0x7D0  }
0x350: {  	[sflag:s14] =	ssyncset.done $0x0  }
0x351: {  	[sflag:s14] =	ssyncadd.s32 $0xFFFFF830  }
0x352: {  	[tilespmem:s15], [sflag:$0x1] =	stream.linear.gather [hbm4b:s4+s24], $0x3E80, $0x38;
	[tilespmem:$0x1C520] =	vst v63  }
0x353: {  	v1 =	vmov s24;
	_ =	swait.ge [sflag:s14], $0x3E80  }
0x354: {  	v1 =	vshll.u32 v1, $0x3;
	[sflag:s14] =	ssyncset.done $0x0  }
0x355: {  	s21 =	simm.s32 $0x17700;
	v3 =	vor.u32 v0, v1;
	[sflag:s14] =	ssyncadd.s32 $0xFFFFC180  }
0x356: {  	[tilespmem:s21], [sflag:$0x1] =	stream.linear.gather [hbm4b:s8+s24], $0x7D0, $0x38;
	[tilespmem:$0x1C520] =	vst v63  }
0x357: {  	v4 =	vor.u32 $0x1, v3;
	_ =	swait.ge [sflag:s14], $0x7D0  }
0x358: {  	[sflag:s14] =	ssyncset.done $0x0  }
0x359: {  	[sflag:s14] =	ssyncadd.s32 $0xFFFFF830  }
0x35a: {  	v1 =	vld.idx.msk [tilespmem:v3+s15+$0x0], $0xffff;
	_ =	sdelay $0x1  }
0x35b: {  	v5 =	vld.idx.msk [tilespmem:v4+s15+$0x0], $0xffff;
	_ =	sdelay $0x2  }
0x35c: {  	v6 =	vshll.u32 v1, $0x3  }
0x35d: {  	v9 =	vor.u32 $0x1, v6  }
0x35e: {  	s25 =	simm.s32 $0x10;
	s26 =	simm.s32 $0x20;
	v8 =	vshll.u32 v5, $0x3  }
0x35f: {  	v2 =	vmov s26;
	v1 =	vmov s25;
	v10 =	vor.u32 $0x2, v8  }
0x360: {  	v7 =	vshll.u32 v2, $0x3;
	v1 =	vshll.u32 v1, $0x3;
	v8 =	vor.u32 $0x3, v8  }
0x361: {  	s23 =	simm.s32 $0x17710;
	s22 =	simm.s32 $0x1BD60;
	v5 =	vor.u32 v0, v7;
	v1 =	vor.u32 v0, v1;
	v7 =	vld.idx.msk [tilespmem:v6+s1+$0x0], $0xffff  }
0x362: {  	s19 =	simm.s32 $0x17710;
	s18 =	simm.s32 $0x1BD60;
	s25 =	simm.s32 $0x30;
	v2 =	vor.u32 $0x1, v1;
	v6 =	vor.u32 $0x1, v5;
	v9 =	vld.idx.msk [tilespmem:v9+s1+$0x0], $0xffff  }
.LBB2_18:
0x363: {  	s19 =	sadd.s32 $0x10, s19  }
0x364: {  	s18 =	sadd.s32 $0x10, s18;
	v10 =	vld.idx.msk [tilespmem:v10+s1+$0x0], $0xffff;
	s26 =	smov.u32 s25;
	s24 =	sadd.s32 $0x10, s25  }
0x365: {  	p0 =	sne.s32 s25, $0x7C0;
	v8 =	vld.idx.msk [tilespmem:v8+s1+$0x0], $0xffff;
	_ =	sdelay $0x4  }
0x366: {  	v7 =	vadd.f32 v10, v7  }
0x367: {  	v8 =	vadd.f32 v8, v9  }
0x368: {  	[tilespmem:v3+s16+$0x0] =	vst.idx.msk $0xffff, v7;
	v3 =	vmov v1;
	v1 =	vmov v5  }
0x369: {  	v5 =	vsub.f32 v8, v7;
	[tilespmem:v4+s16+$0x0] =	vst.idx.msk $0xffff, v8;
	v4 =	vmov v2;
	v2 =	vmov v6  }
0x36a: {  	v6 =	vld [tilespmem:s21+$0x0];
	s21 =	smov.u32 s23;
	s23 =	smov.u32 s19;
	_ =	sdelay $0x4  }
0x36b: {  	v6 =	vshll.u32 v6, $0x1  }
0x36c: {  	v6 =	vadd.s32 $0xFFFFFFFF, v6  }
0x36d: {  	v6 =	vcvt.s32.f32 v6;
	_ =	sdelay $0x1  }
0x36e: {  	v5 =	vmul.f32 v6, v5;
	_ =	sdelay $0x1  }
0x36f: {  	[tilespmem:s20+$0x0] =	vst v5;
	s20 =	smov.u32 s22;
	s22 =	smov.u32 s18  }
0x370: {  	v5 =	vld.idx.msk [tilespmem:v3+s15+$0x0], $0xffff  }
0x371: {  	v6 =	vld.idx.msk [tilespmem:v4+s15+$0x0], $0xffff;
	_ =	sdelay $0x4  }
0x372: {  	v7 =	vshll.u32 v5, $0x3  }
0x373: {  	v5 =	vmov s26;
	v9 =	vor.u32 $0x1, v7;
	v6 =	vshll.u32 v6, $0x3  }
.Ltmp8:
0x374: {  	v5 =	vshll.u32 v5, $0x3;
	v10 =	vor.u32 $0x2, v6;
	v8 =	vor.u32 $0x3, v6;
	(pc) =	sbr.rel @p0 .LBB2_18-.Ltmp8, $4  }
0x375: {  	v5 =	vor.u32 v0, v5  }
0x376: {  	v6 =	vor.u32 $0x1, v5  }
0x377: {  	v7 =	vld.idx.msk [tilespmem:v7+s1+$0x0], $0xffff  }
0x378: {  	s25 =	smov.u32 s24;
	v9 =	vld.idx.msk [tilespmem:v9+s1+$0x0], $0xffff  }
0x379: {  	_ =	sdelay $0x3  }
0x37a: {  	v10 =	vld.idx.msk [tilespmem:v10+s1+$0x0], $0xffff  }
0x37b: {  	v8 =	vld.idx.msk [tilespmem:v8+s1+$0x0], $0xffff;
	_ =	sdelay $0x3  }
0x37c: {  	v7 =	vadd.f32 v10, v7  }
0x37d: {  	v8 =	vadd.f32 v8, v9  }
0x37e: {  	[tilespmem:v3+s16+$0x0] =	vst.idx.msk $0xffff, v7  }
0x37f: {  	[tilespmem:v4+s16+$0x0] =	vst.idx.msk $0xffff, v8  }
0x380: {  	v3 =	vld [tilespmem:s21+$0x0];
	_ =	sdelay $0x4  }
0x381: {  	v3 =	vshll.u32 v3, $0x1  }
0x382: {  	v3 =	vadd.s32 $0xFFFFFFFF, v3  }
0x383: {  	v4 =	vsub.f32 v8, v7;
	v3 =	vcvt.s32.f32 v3;
	_ =	sdelay $0x1  }
0x384: {  	v3 =	vmul.f32 v3, v4;
	_ =	sdelay $0x1  }
0x385: {  	[tilespmem:s20+$0x0] =	vst v3  }
0x386: {  	v3 =	vld.idx.msk [tilespmem:v1+s15+$0x0], $0xffff  }
0x387: {  	v4 =	vld.idx.msk [tilespmem:v2+s15+$0x0], $0xffff;
	_ =	sdelay $0x3  }
0x388: {  	v3 =	vshll.u32 v3, $0x3  }
0x389: {  	v4 =	vshll.u32 v4, $0x3;
	v7 =	vor.u32 $0x1, v3  }
0x38a: {  	v8 =	vor.u32 $0x2, v4  }
0x38b: {  	v4 =	vor.u32 $0x3, v4;
	_ =	sdelay $0x1  }
0x38c: {  	v3 =	vld.idx.msk [tilespmem:v3+s1+$0x0], $0xffff  }
0x38d: {  	v7 =	vld.idx.msk [tilespmem:v7+s1+$0x0], $0xffff  }
0x38e: {  	v8 =	vld.idx.msk [tilespmem:v8+s1+$0x0], $0xffff  }
0x38f: {  	v4 =	vld.idx.msk [tilespmem:v4+s1+$0x0], $0xffff;
	_ =	sdelay $0x3  }
0x390: {  	v3 =	vadd.f32 v8, v3  }
0x391: {  	v4 =	vadd.f32 v4, v7  }
0x392: {  	[tilespmem:v1+s16+$0x0] =	vst.idx.msk $0xffff, v3  }
0x393: {  	[tilespmem:v2+s16+$0x0] =	vst.idx.msk $0xffff, v4  }
0x394: {  	v1 =	vld [tilespmem:s23+$0x0];
	_ =	sdelay $0x4  }
0x395: {  	v1 =	vshll.u32 v1, $0x1  }
0x396: {  	v1 =	vadd.s32 $0xFFFFFFFF, v1  }
0x397: {  	v2 =	vsub.f32 v4, v3;
	v1 =	vcvt.s32.f32 v1;
	_ =	sdelay $0x1  }
0x398: {  	v1 =	vmul.f32 v1, v2;
	_ =	sdelay $0x1  }
0x399: {  	[tilespmem:s22+$0x0] =	vst v1  }
0x39a: {  	v1 =	vld.idx.msk [tilespmem:v5+s15+$0x0], $0xffff  }
0x39b: {  	v2 =	vld.idx.msk [tilespmem:v6+s15+$0x0], $0xffff;
	_ =	sdelay $0x3  }
0x39c: {  	v1 =	vshll.u32 v1, $0x3  }
0x39d: {  	v2 =	vshll.u32 v2, $0x3;
	v3 =	vor.u32 $0x1, v1  }
0x39e: {  	v4 =	vor.u32 $0x2, v2  }
0x39f: {  	v2 =	vor.u32 $0x3, v2;
	_ =	sdelay $0x1  }
0x3a0: {  	v1 =	vld.idx.msk [tilespmem:v1+s1+$0x0], $0xffff  }
0x3a1: {  	v3 =	vld.idx.msk [tilespmem:v3+s1+$0x0], $0xffff  }
0x3a2: {  	v4 =	vld.idx.msk [tilespmem:v4+s1+$0x0], $0xffff  }
0x3a3: {  	v2 =	vld.idx.msk [tilespmem:v2+s1+$0x0], $0xffff;
	_ =	sdelay $0x3  }
0x3a4: {  	v1 =	vadd.f32 v4, v1  }
0x3a5: {  	v2 =	vadd.f32 v2, v3  }
0x3a6: {  	[tilespmem:v5+s16+$0x0] =	vst.idx.msk $0xffff, v1  }
0x3a7: {  	s19 =	sadd.s32 $0x10, s19;
	[tilespmem:v6+s16+$0x0] =	vst.idx.msk $0xffff, v2  }
0x3a8: {  	v3 =	vld [tilespmem:s19+$0x0];
	_ =	sdelay $0x4  }
0x3a9: {  	v3 =	vshll.u32 v3, $0x1  }
0x3aa: {  	v3 =	vadd.s32 $0xFFFFFFFF, v3  }
0x3ab: {  	v1 =	vsub.f32 v2, v1;
	v2 =	vcvt.s32.f32 v3;
	_ =	sdelay $0x1  }
0x3ac: {  	v1 =	vmul.f32 v2, v1  }
0x3ad: {  	s18 =	sadd.s32 $0x10, s18  }
0x3ae: {  	s24 =	simm.s32 $0x0;
	[tilespmem:s18+$0x0] =	vst v1  }
0x3af: {  	[hbm4b:s5+s24] =	stream.linear.scatter [tilespmem:s16], [sflag:$0x1], $0x3E80, $0x38;
	[tilespmem:$0x1C520] =	vst v63  }
0x3b0: {  	_ =	swait.ge [sflag:s14], $0x3E80  }
0x3b1: {  	[sflag:s14] =	ssyncset.done $0x0  }
0x3b2: {  	s20 =	simm.s32 $0x1BD50;
	[sflag:s14] =	ssyncadd.s32 $0xFFFFC180  }
0x3b3: {  	[hbm4b:s9+s24] =	stream.linear.scatter [tilespmem:s20], [sflag:$0x1], $0x7D0, $0x38;
	[tilespmem:$0x1C520] =	vst v63  }
0x3b4: {  	_ =	swait.ge [sflag:s14], $0x7D0  }
0x3b5: {  	[sflag:s14] =	ssyncset.done $0x0  }
0x3b6: {  	[sflag:s14] =	ssyncadd.s32 $0xFFFFF830  }
0x3b7: {  	[tilespmem:s15], [sflag:$0x1] =	stream.linear.gather [hbm4b:s6+s24], $0x3E80, $0x38;
	[tilespmem:$0x1C520] =	vst v63  }
0x3b8: {  	v1 =	vmov s24;
	_ =	swait.ge [sflag:s14], $0x3E80  }
0x3b9: {  	v1 =	vshll.u32 v1, $0x3;
	[sflag:s14] =	ssyncset.done $0x0  }
0x3ba: {  	s21 =	simm.s32 $0x17700;
	v3 =	vor.u32 v0, v1;
	[sflag:s14] =	ssyncadd.s32 $0xFFFFC180  }
0x3bb: {  	[tilespmem:s21], [sflag:$0x1] =	stream.linear.gather [hbm4b:s10+s24], $0x7D0, $0x38;
	[tilespmem:$0x1C520] =	vst v63  }
0x3bc: {  	v4 =	vor.u32 $0x1, v3;
	_ =	swait.ge [sflag:s14], $0x7D0  }
0x3bd: {  	[sflag:s14] =	ssyncset.done $0x0  }
0x3be: {  	[sflag:s14] =	ssyncadd.s32 $0xFFFFF830  }
0x3bf: {  	v1 =	vld.idx.msk [tilespmem:v3+s15+$0x0], $0xffff;
	_ =	sdelay $0x1  }
0x3c0: {  	v5 =	vld.idx.msk [tilespmem:v4+s15+$0x0], $0xffff;
	_ =	sdelay $0x2  }
0x3c1: {  	v6 =	vshll.u32 v1, $0x3  }
0x3c2: {  	v9 =	vor.u32 $0x1, v6  }
0x3c3: {  	s25 =	simm.s32 $0x10;
	s26 =	simm.s32 $0x20;
	v8 =	vshll.u32 v5, $0x3  }
0x3c4: {  	v2 =	vmov s26;
	v1 =	vmov s25;
	v10 =	vor.u32 $0x2, v8  }
0x3c5: {  	v7 =	vshll.u32 v2, $0x3;
	v1 =	vshll.u32 v1, $0x3;
	v8 =	vor.u32 $0x3, v8  }
0x3c6: {  	s23 =	simm.s32 $0x17710;
	s22 =	simm.s32 $0x1BD60;
	v5 =	vor.u32 v0, v7;
	v1 =	vor.u32 v0, v1;
	v7 =	vld.idx.msk [tilespmem:v6+s1+$0x0], $0xffff  }
0x3c7: {  	s19 =	simm.s32 $0x17710;
	s18 =	simm.s32 $0x1BD60;
	s25 =	simm.s32 $0x30;
	v2 =	vor.u32 $0x1, v1;
	v6 =	vor.u32 $0x1, v5;
	v9 =	vld.idx.msk [tilespmem:v9+s1+$0x0], $0xffff  }
.LBB2_20:
0x3c8: {  	s19 =	sadd.s32 $0x10, s19  }
0x3c9: {  	s18 =	sadd.s32 $0x10, s18;
	v10 =	vld.idx.msk [tilespmem:v10+s1+$0x0], $0xffff;
	s26 =	smov.u32 s25;
	s24 =	sadd.s32 $0x10, s25  }
0x3ca: {  	p0 =	sne.s32 s25, $0x7C0;
	v8 =	vld.idx.msk [tilespmem:v8+s1+$0x0], $0xffff;
	_ =	sdelay $0x4  }
0x3cb: {  	v7 =	vadd.f32 v10, v7  }
0x3cc: {  	v8 =	vadd.f32 v8, v9  }
0x3cd: {  	[tilespmem:v3+s16+$0x0] =	vst.idx.msk $0xffff, v7;
	v3 =	vmov v1;
	v1 =	vmov v5  }
0x3ce: {  	v5 =	vsub.f32 v8, v7;
	[tilespmem:v4+s16+$0x0] =	vst.idx.msk $0xffff, v8;
	v4 =	vmov v2;
	v2 =	vmov v6  }
0x3cf: {  	v6 =	vld [tilespmem:s21+$0x0];
	s21 =	smov.u32 s23;
	s23 =	smov.u32 s19;
	_ =	sdelay $0x4  }
0x3d0: {  	v6 =	vshll.u32 v6, $0x1  }
0x3d1: {  	v6 =	vadd.s32 $0xFFFFFFFF, v6  }
0x3d2: {  	v6 =	vcvt.s32.f32 v6;
	_ =	sdelay $0x1  }
0x3d3: {  	v5 =	vmul.f32 v6, v5;
	_ =	sdelay $0x1  }
0x3d4: {  	[tilespmem:s20+$0x0] =	vst v5;
	s20 =	smov.u32 s22;
	s22 =	smov.u32 s18  }
0x3d5: {  	v5 =	vld.idx.msk [tilespmem:v3+s15+$0x0], $0xffff  }
0x3d6: {  	v6 =	vld.idx.msk [tilespmem:v4+s15+$0x0], $0xffff;
	_ =	sdelay $0x4  }
0x3d7: {  	v7 =	vshll.u32 v5, $0x3  }
0x3d8: {  	v5 =	vmov s26;
	v9 =	vor.u32 $0x1, v7;
	v6 =	vshll.u32 v6, $0x3  }
.Ltmp9:
0x3d9: {  	v5 =	vshll.u32 v5, $0x3;
	v10 =	vor.u32 $0x2, v6;
	v8 =	vor.u32 $0x3, v6;
	(pc) =	sbr.rel @p0 .LBB2_20-.Ltmp9, $4  }
0x3da: {  	v5 =	vor.u32 v0, v5  }
0x3db: {  	v6 =	vor.u32 $0x1, v5  }
0x3dc: {  	v7 =	vld.idx.msk [tilespmem:v7+s1+$0x0], $0xffff  }
0x3dd: {  	s25 =	smov.u32 s24;
	v9 =	vld.idx.msk [tilespmem:v9+s1+$0x0], $0xffff  }
0x3de: {  	_ =	sdelay $0x3  }
0x3df: {  	v10 =	vld.idx.msk [tilespmem:v10+s1+$0x0], $0xffff  }
0x3e0: {  	v8 =	vld.idx.msk [tilespmem:v8+s1+$0x0], $0xffff;
	_ =	sdelay $0x3  }
0x3e1: {  	v7 =	vadd.f32 v10, v7  }
0x3e2: {  	v8 =	vadd.f32 v8, v9  }
0x3e3: {  	[tilespmem:v3+s16+$0x0] =	vst.idx.msk $0xffff, v7  }
0x3e4: {  	[tilespmem:v4+s16+$0x0] =	vst.idx.msk $0xffff, v8  }
0x3e5: {  	v3 =	vld [tilespmem:s21+$0x0];
	_ =	sdelay $0x4  }
0x3e6: {  	v3 =	vshll.u32 v3, $0x1  }
0x3e7: {  	v3 =	vadd.s32 $0xFFFFFFFF, v3  }
0x3e8: {  	v59 =	vsub.f32 v8, v7;
	v3 =	vcvt.s32.f32 v3;
	_ =	sdelay $0x1  }
0x3e9: {  	v3 =	vmul.f32 v3, v59;
	_ =	sdelay $0x1  }
0x3ea: {  	[tilespmem:s20+$0x0] =	vst v3  }
0x3eb: {  	v3 =	vld.idx.msk [tilespmem:v1+s15+$0x0], $0xffff  }
0x3ec: {  	v60 =	vld.idx.msk [tilespmem:v2+s15+$0x0], $0xffff;
	_ =	sdelay $0x3  }
0x3ed: {  	v3 =	vshll.u32 v3, $0x3  }
0x3ee: {  	v4 =	vshll.u32 v60, $0x3;
	v61 =	vor.u32 $0x1, v3  }
0x3ef: {  	v62 =	vor.u32 $0x2, v4  }
0x3f0: {  	v4 =	vor.u32 $0x3, v4;
	_ =	sdelay $0x1  }
0x3f1: {  	v3 =	vld.idx.msk [tilespmem:v3+s1+$0x0], $0xffff  }
0x3f2: {  	v7 =	vld.idx.msk [tilespmem:v61+s1+$0x0], $0xffff  }
0x3f3: {  	v8 =	vld.idx.msk [tilespmem:v62+s1+$0x0], $0xffff  }
0x3f4: {  	v4 =	vld.idx.msk [tilespmem:v4+s1+$0x0], $0xffff;
	_ =	sdelay $0x3  }
0x3f5: {  	v3 =	vadd.f32 v8, v3  }
0x3f6: {  	v4 =	vadd.f32 v4, v7  }
0x3f7: {  	[tilespmem:v1+s16+$0x0] =	vst.idx.msk $0xffff, v3  }
0x3f8: {  	[tilespmem:v2+s16+$0x0] =	vst.idx.msk $0xffff, v4  }
0x3f9: {  	v1 =	vld [tilespmem:s23+$0x0];
	_ =	sdelay $0x4  }
0x3fa: {  	v1 =	vshll.u32 v1, $0x1  }
0x3fb: {  	v1 =	vadd.s32 $0xFFFFFFFF, v1  }
0x3fc: {  	v2 =	vsub.f32 v4, v3;
	v1 =	vcvt.s32.f32 v1;
	_ =	sdelay $0x1  }
0x3fd: {  	v1 =	vmul.f32 v1, v2;
	_ =	sdelay $0x1  }
0x3fe: {  	[tilespmem:s22+$0x0] =	vst v1  }
0x3ff: {  	v1 =	vld.idx.msk [tilespmem:v5+s15+$0x0], $0xffff  }
0x400: {  	v2 =	vld.idx.msk [tilespmem:v6+s15+$0x0], $0xffff;
	_ =	sdelay $0x3  }
0x401: {  	v1 =	vshll.u32 v1, $0x3  }
0x402: {  	v2 =	vshll.u32 v2, $0x3;
	v3 =	vor.u32 $0x1, v1  }
0x403: {  	v63 =	vor.u32 $0x2, v2  }
0x404: {  	v2 =	vor.u32 $0x3, v2;
	_ =	sdelay $0x1  }
0x405: {  	v1 =	vld.idx.msk [tilespmem:v1+s1+$0x0], $0xffff  }
0x406: {  	v3 =	vld.idx.msk [tilespmem:v3+s1+$0x0], $0xffff  }
0x407: {  	v4 =	vld.idx.msk [tilespmem:v63+s1+$0x0], $0xffff  }
0x408: {  	v2 =	vld.idx.msk [tilespmem:v2+s1+$0x0], $0xffff;
	_ =	sdelay $0x3  }
0x409: {  	v1 =	vadd.f32 v4, v1  }
0x40a: {  	v2 =	vadd.f32 v2, v3  }
0x40b: {  	[tilespmem:v5+s16+$0x0] =	vst.idx.msk $0xffff, v1  }
0x40c: {  	s19 =	sadd.s32 $0x10, s19;
	[tilespmem:v6+s16+$0x0] =	vst.idx.msk $0xffff, v2  }
0x40d: {  	v3 =	vld [tilespmem:s19+$0x0];
	_ =	sdelay $0x4  }
0x40e: {  	v3 =	vshll.u32 v3, $0x1  }
0x40f: {  	v3 =	vadd.s32 $0xFFFFFFFF, v3  }
0x410: {  	v1 =	vsub.f32 v2, v1;
	v2 =	vcvt.s32.f32 v3;
	_ =	sdelay $0x1  }
0x411: {  	v1 =	vmul.f32 v2, v1  }
0x412: {  	s18 =	sadd.s32 $0x10, s18  }
0x413: {  	[tilespmem:s18+$0x0] =	vst v1  }
0x414: {  	[hbm4b:s7+s1] =	stream.linear.scatter [tilespmem:s16], [sflag:$0x1], $0x3E80, $0x38;
	[tilespmem:$0x1C520] =	vst v63  }
0x415: {  	s17 =	sadd.s32 $0x1, s17;
	_ =	swait.ge [sflag:s14], $0x3E80  }
0x416: {  	p0 =	sne.s32 s17, s13;
	[sflag:s14] =	ssyncset.done $0x0  }
.Ltmp10:
0x417: {  	s26 =	simm.s32 $0x1BD50;
	[sflag:s14] =	ssyncadd.s32 $0xFFFFC180;
	(pc) =	sbr.rel @p0 .LBB2_1-.Ltmp10, $4  }
0x418: {  	[hbm4b:s11+s1] =	stream.linear.scatter [tilespmem:s26], [sflag:$0x1], $0x7D0, $0x38;
	[tilespmem:$0x1C520] =	vst v63  }
0x419: {  	_ =	swait.ge [sflag:s14], $0x7D0  }
0x41a: {  	[sflag:s14] =	ssyncset.done $0x0  }
0x41b: {  	[sflag:s14] =	ssyncadd.s32 $0xFFFFF830  }
0x41c: {  	_ =	sfence.sel $0x180000  }
0x41d: {  	[bflag:$0x0] =	sbarrier.arrive $0xFFFF  }
0x41e: {  	_ =	strace $0x90000047  }
0x41f: {  	s0 =	stileid.u32;
	[bflag:$0x2] =	sbarrier.arrive $0xFFFF  }
0x420: {  	p0 =	sne.s32 s0, $0x0;
	s0 =	rddreg [dreg:$0x3]  }
0x421: {  	s0 =	sadd.s32 @!p0 $0x100000, s0  }
0x422: {  	[sflag:s0] =	ssyncadd.tile.s32 @!p0 $0x1;
	_ =	shalt  }
.Lfunc_end2:
_tile_overlayer_lowered:
.L_overlay_start_2:
0x423: {  	(tag) =	ssettag $0x2  }
0x424: {  	s0 =	rddreg [dreg:$0x0];
	s2 =	stileid.u32  }
0x425: {  	s1 =	rddreg [dreg:$0x1];
	p0 =	sne.s32 s2, $0x0  }
0x426: {  	s3 =	rddreg [dreg:$0x2];
	[bflag:$0x3] =	sbarrier.arrive $0xFFFF;
	s2 =	simm.s32 @!p0 $0x1C01  }
0x427: {  	[timem:s3], [sflag:s2] =	dma.local @!p0 [hbm:s0], s1  }
0x428: {  	s0 =	simm.s32 @!p0 $0x1  }
0x429: {  	_ =	swait.ge @!p0 [sflag:s0], s1  }
0x42a: {  	s1 =	ssub.s32 @!p0 $0x0, s1;
	[sflag:s0] =	ssyncset.done @!p0 $0x0  }
0x42b: {  	[sflag:s0] =	ssyncadd.s32 @!p0 s1  }
0x42c: {  	[bflag:$0x3] =	sbarrier.arrive $0xFFFF  }
0x42d: {  	_ =	shalt  }

</sc_bundles>
